<compile_context>
chip_gen: v7x
topology: tpu7x:2x2x1
jax: 0.10.2.dev20260603
libtpu: 0.0.44.dev20260713+nightly
codegen_flags: <defaults>
</compile_context>

<pallas_src>
import functools

import jax
import jax.numpy as jnp
from jax import lax
from jax.experimental import pallas as pl
from jax.experimental.pallas import tpu as pltpu
from jax.experimental.pallas import tpu_sc as plsc

_TOPK = 64
_BLK = 128
_CAP = 256
_NW = 32


def _mlp(x, W1s, b1s, W2s, b2s, rb):
    b, din = x.shape
    d = W2s.shape[-1]

    def body(x_ref, w1_ref, b1_ref, w2_ref, b2_ref, o_ref):
        h = jnp.dot(x_ref[...], w1_ref[0], preferred_element_type=jnp.float32)
        h = jnp.maximum(h + b1_ref[0], 0.0)
        sp = jnp.dot(h, w2_ref[0], preferred_element_type=jnp.float32)
        o_ref[...] = sp + b2_ref[0]

    return pl.pallas_call(
        body,
        grid=(2, b // rb),
        in_specs=[
            pl.BlockSpec((rb, din), lambda h, i: (i, 0)),
            pl.BlockSpec((1, din, din), lambda h, i: (h, 0, 0)),
            pl.BlockSpec((1, 1, din), lambda h, i: (h, 0, 0)),
            pl.BlockSpec((1, din, d), lambda h, i: (h, 0, 0)),
            pl.BlockSpec((1, 1, d), lambda h, i: (h, 0, 0)),
        ],
        out_specs=pl.BlockSpec((rb, d), lambda h, i: (h * (b // rb) + i, 0)),
        out_shape=jax.ShapeDtypeStruct((2 * b, d), jnp.float32),
    )(x, W1s, b1s, W2s, b2s)


def _score(spanned, kge, rb, cb):
    hb, d = spanned.shape
    k = kge.shape[0]
    nblk = k // _BLK

    def body(sp_ref, kge_ref, s_ref, m_ref):
        s = lax.dot_general(sp_ref[...], kge_ref[...], (((1,), (1,)), ((), ())),
                            preferred_element_type=jnp.float32)
        s3 = s.reshape(rb, cb // _BLK, _BLK)
        s_ref[...] = s3
        m_ref[...] = jnp.max(s3, axis=-1)[None]

    return pl.pallas_call(
        body,
        grid=(k // cb, hb // rb),
        in_specs=[
            pl.BlockSpec((rb, d), lambda j, i: (i, 0)),
            pl.BlockSpec((cb, d), lambda j, i: (j, 0)),
        ],
        out_specs=[
            pl.BlockSpec((rb, cb // _BLK, _BLK), lambda j, i: (i, j, 0)),
            pl.BlockSpec((1, rb, cb // _BLK), lambda j, i: (j, i, 0)),
        ],
        out_shape=[
            jax.ShapeDtypeStruct((hb, nblk, _BLK), jnp.float32),
            jax.ShapeDtypeStruct((k // cb, hb, cb // _BLK), jnp.float32),
        ],
    )(spanned, kge)


def _blocksel(bmax, rb):
    hb, nblk = bmax.shape

    def body(m_ref, aux_ref, thr_ref):
        arr = m_ref[...]
        lanes = lax.broadcasted_iota(jnp.int32, (rb, nblk), 1)
        k64 = lax.broadcasted_iota(jnp.int32, (rb, _TOPK), 1)

        def round_(r, carry):
            arr, bidx, _ = carry
            m = jnp.max(arr, axis=1)
            pos = jnp.min(jnp.where(arr == m[:, None], lanes, nblk), axis=1)
            onehot = lanes == pos[:, None]
            arr = jnp.where(onehot, -jnp.inf, arr)
            bidx = jnp.where(k64 == r, pos[:, None], bidx)
            return arr, bidx, m

        init = (arr, jnp.zeros((rb, _TOPK), jnp.int32), jnp.zeros((rb,), jnp.float32))
        _, bidx, t = lax.fori_loop(0, _TOPK, round_, init)
        aux_ref[...] = bidx
        thr_ref[...] = jnp.broadcast_to(t[:, None], (rb, 16))

    return pl.pallas_call(
        body,
        grid=(hb // rb,),
        in_specs=[pl.BlockSpec((rb, nblk), lambda i: (i, 0))],
        out_specs=[
            pl.BlockSpec((rb, _TOPK), lambda i: (i, 0)),
            pl.BlockSpec((rb, 16), lambda i: (i, 0)),
        ],
        out_shape=[
            jax.ShapeDtypeStruct((hb, _TOPK), jnp.int32),
            jax.ShapeDtypeStruct((hb, 16), jnp.float32),
        ],
    )(bmax)


def _sc_compact(scores_flat, bidx, thr, nblk):
    hb = bidx.shape[0]
    tpw = hb // _NW
    mesh = plsc.VectorSubcoreMesh(core_axis_name="c", subcore_axis_name="s",
                                  num_cores=2, num_subcores=16)

    @functools.partial(
        pl.kernel,
        out_type=[
            jax.ShapeDtypeStruct((hb, _CAP), jnp.float32),
            jax.ShapeDtypeStruct((hb, _CAP), jnp.int32),
        ],
        mesh=mesh,
        compiler_params=pltpu.CompilerParams(needs_layout_passes=False),
        scratch_types=[
            pltpu.VMEM((tpw, _TOPK), jnp.int32),
            pltpu.VMEM((tpw, 16), jnp.float32),
            pltpu.VMEM((2, _TOPK), jnp.int32),
            pltpu.VMEM((2, _TOPK, _BLK), jnp.float32),
            pltpu.VMEM((_CAP,), jnp.float32),
            pltpu.VMEM((_CAP,), jnp.int32),
            pltpu.SemaphoreType.DMA,
            pltpu.SemaphoreType.DMA,
        ],
    )
    def k(scores_hbm, bidx_hbm, thr_hbm, cval_hbm, cidx_hbm, bidxall, thrall,
          gbuf2, candsc2, cval, cidx, sem0, sem1):
        wid = lax.axis_index("s") * 2 + lax.axis_index("c")
        iota = lax.iota(jnp.int32, 16)
        base_row = wid * tpw
        sems = [sem0, sem1]

        pltpu.sync_copy(bidx_hbm.at[pl.ds(base_row, tpw)], bidxall)
        pltpu.sync_copy(thr_hbm.at[pl.ds(base_row, tpw)], thrall)

        def fire(tt, slot):
            for i in range(_TOPK // 16):
                gbuf2[slot, pl.ds(i * 16, 16)] = (
                    bidxall[tt, pl.ds(i * 16, 16)] + (base_row + tt) * nblk)
            pltpu.async_copy(scores_hbm.at[gbuf2.at[slot]], candsc2.at[slot],
                             sems[slot])

        fire(0, 0)

        def task2(tt2, _):
            for phase in range(2):
                slot = phase
                tt = tt2 * 2 + phase
                r = base_row + tt
                pltpu.make_async_copy(scores_hbm.at[pl.ds(0, _TOPK)],
                                      candsc2.at[slot], sems[slot]).wait()

                @pl.when(tt + 1 < tpw)
                def _():
                    fire(tt + 1, 1 - slot)

                tvec = thrall[tt, pl.ds(0, 16)]
                for i in range(_CAP // 16):
                    cval[pl.ds(i * 16, 16)] = jnp.full((16,), -1e30, jnp.float32)
                    cidx[pl.ds(i * 16, 16)] = jnp.zeros((16,), jnp.int32)

                def blkbody(j, base):
                    blk = j // 8
                    sub = j - blk * 8
                    v = candsc2[slot, blk, pl.ds(sub * 16, 16)]
                    mask = v >= tvec

                    @pl.when(jnp.any(mask))
                    def _():
                        cs = plsc.cumsum(jnp.where(mask, 1, 0).astype(jnp.int32))
                        pos = jnp.minimum(base + cs - 1, _CAP - 1)
                        gidx = j * 16 + iota
                        plsc.store_scatter(cval, [pos], v, mask=mask)
                        plsc.store_scatter(cidx, [pos], gidx, mask=mask)

                    return base + plsc.all_reduce_population_count(mask)

                lax.fori_loop(0, _TOPK * 8, blkbody, jnp.zeros((16,), jnp.int32))
                pltpu.sync_copy(cval, cval_hbm.at[r])
                pltpu.sync_copy(cidx, cidx_hbm.at[r])
            return 0

        lax.fori_loop(0, tpw // 2, task2, 0)

    return k(scores_flat, bidx, thr)


def _select(cval2, cidx2, bidx, rb):
    hb = cval2.shape[0]

    def body(cv_ref, ci_ref, bx_ref, ti_ref, w_ref):
        v = cv_ref[...]
        ci = ci_ref[...]
        lanes = lax.broadcasted_iota(jnp.int32, (rb, _CAP), 1)
        k64 = lax.broadcasted_iota(jnp.int32, (rb, _TOPK), 1)

        def round_(r, carry):
            v, tv, ti = carry
            m = jnp.max(v, axis=1)
            pos = jnp.min(jnp.where(v == m[:, None], lanes, _CAP), axis=1)
            onehot = lanes == pos[:, None]
            idx_r = jnp.sum(jnp.where(onehot, ci, 0), axis=1)
            v = jnp.where(onehot, -jnp.inf, v)
            tv = jnp.where(k64 == r, m[:, None], tv)
            ti = jnp.where(k64 == r, idx_r[:, None], ti)
            return v, tv, ti

        init = (v, jnp.zeros((rb, _TOPK), jnp.float32),
                jnp.zeros((rb, _TOPK), jnp.int32))
        _, tv, ti = lax.fori_loop(0, _TOPK, round_, init)
        e = jnp.exp(tv)
        u = jnp.exp(e - jnp.max(e, axis=1, keepdims=True))
        w = u / jnp.sum(u, axis=1, keepdims=True)
        bx = bx_ref[...]
        blk_of = ti >> 7
        low = ti & 127
        gb = jnp.zeros((rb, _TOPK), jnp.int32)
        for j in range(_TOPK):
            gb = gb + jnp.where(blk_of == j, bx[:, j][:, None], 0)
        ti_ref[...] = gb * _BLK + low
        w_ref[...] = w

    return pl.pallas_call(
        body,
        grid=(hb // rb,),
        in_specs=[
            pl.BlockSpec((rb, _CAP), lambda i: (i, 0)),
            pl.BlockSpec((rb, _CAP), lambda i: (i, 0)),
            pl.BlockSpec((rb, _TOPK), lambda i: (i, 0)),
        ],
        out_specs=[
            pl.BlockSpec((rb, _TOPK), lambda i: (i, 0)),
            pl.BlockSpec((rb, _TOPK), lambda i: (i, 0)),
        ],
        out_shape=[
            jax.ShapeDtypeStruct((hb, _TOPK), jnp.int32),
            jax.ShapeDtypeStruct((hb, _TOPK), jnp.float32),
        ],
    )(cval2, cidx2, bidx)


def _sc_gather(ti, kge):
    hb = ti.shape[0]
    d = kge.shape[1]
    tpw = hb // _NW
    mesh = plsc.VectorSubcoreMesh(core_axis_name="c", subcore_axis_name="s",
                                  num_cores=2, num_subcores=16)

    @functools.partial(
        pl.kernel,
        out_type=jax.ShapeDtypeStruct((hb, _TOPK, d), jnp.float32),
        mesh=mesh,
        compiler_params=pltpu.CompilerParams(needs_layout_passes=False),
        scratch_types=[
            pltpu.VMEM((tpw, _TOPK), jnp.int32),
            pltpu.VMEM((2, _TOPK, d), jnp.float32),
            pltpu.SemaphoreType.DMA,
            pltpu.SemaphoreType.DMA,
        ],
    )
    def k(ti_hbm, kge_hbm, gath_hbm, idxall, krows2, sem0, sem1):
        wid = lax.axis_index("s") * 2 + lax.axis_index("c")
        base_row = wid * tpw
        sems = [sem0, sem1]

        pltpu.sync_copy(ti_hbm.at[pl.ds(base_row, tpw)], idxall)
        pltpu.async_copy(kge_hbm.at[idxall.at[0]], krows2.at[0], sems[0])

        def task2(tt2, _):
            for phase in range(2):
                slot = phase
                tt = tt2 * 2 + phase
                r = base_row + tt
                pltpu.make_async_copy(kge_hbm.at[pl.ds(0, _TOPK)],
                                      krows2.at[slot], sems[slot]).wait()

                @pl.when(tt + 1 < tpw)
                def _():
                    pltpu.async_copy(kge_hbm.at[idxall.at[tt + 1]],
                                     krows2.at[1 - slot], sems[1 - slot])

                pltpu.sync_copy(krows2.at[slot], gath_hbm.at[r])
            return 0

        lax.fori_loop(0, tpw // 2, task2, 0)

    return k(ti, kge)


def _wsum(gath, w, rb):
    hb, topk, d = gath.shape

    def body(g_ref, w_ref, o_ref):
        g = g_ref[...]
        wt = w_ref[...]
        o_ref[...] = jnp.sum(g * wt[:, :, None], axis=1)

    return pl.pallas_call(
        body,
        grid=(hb // rb,),
        in_specs=[
            pl.BlockSpec((rb, topk, d), lambda i: (i, 0, 0)),
            pl.BlockSpec((rb, topk), lambda i: (i, 0)),
        ],
        out_specs=pl.BlockSpec((rb, d), lambda i: (i, 0)),
        out_shape=jax.ShapeDtypeStruct((hb, d), jnp.float32),
    )(gath, w)


def _proj(vals, Wo, bo2):
    hb, d = vals.shape
    b = hb // 2

    def body(v_ref, wo_ref, bo_ref, o_ref):
        v = v_ref[...]
        o = jnp.dot(v[:b], wo_ref[:d], preferred_element_type=jnp.float32)
        o = o + jnp.dot(v[b:], wo_ref[d:], preferred_element_type=jnp.float32)
        o_ref[...] = o + bo_ref[0][None, :]

    return pl.pallas_call(
        body,
        grid=(1,),
        in_specs=[
            pl.BlockSpec((hb, d), lambda i: (0, 0)),
            pl.BlockSpec((2 * d, d), lambda i: (0, 0)),
            pl.BlockSpec((1, d), lambda i: (0, 0)),
        ],
        out_specs=pl.BlockSpec((b, d), lambda i: (0, 0)),
        out_shape=jax.ShapeDtypeStruct((b, d), jnp.float32),
    )(vals, Wo, bo2)


def kernel(x, kge_emb, W1_0, b1_0, W2_0, b2_0, W1_1, b1_1, W2_1, b2_1, Wo, bo):
    b = x.shape[0]
    k, d = kge_emb.shape
    nblk = k // _BLK
    rb = min(256, b)

    W1s = jnp.stack([W1_0, W1_1])
    b1s = jnp.stack([b1_0, b1_1])[:, None, :]
    W2s = jnp.stack([W2_0, W2_1])
    b2s = jnp.stack([b2_0, b2_1])[:, None, :]

    spanned = _mlp(x, W1s, b1s, W2s, b2s, rb)
    scores3, bmax3 = _score(spanned, kge_emb, rb, 2048)
    bmax = bmax3.transpose(1, 0, 2).reshape(2 * b, nblk)
    bidx, thr = _blocksel(bmax, rb)
    scores_flat = scores3.reshape(2 * b * nblk, _BLK)
    cval2, cidx2 = _sc_compact(scores_flat, bidx, thr, nblk)
    ti, w = _select(cval2, cidx2, bidx, rb)
    gath = _sc_gather(ti, kge_emb)
    vals = _wsum(gath, w, 64)
    return _proj(vals, Wo, bo.reshape(1, d))

# --- scband reference (transcript-rebuilt; emitter-appended) ---
"""Pipeline reference for scband-kedd4-ppi-24215025614994 (READ-ONLY COPY).

The authoritative reference and input builder live on the scoring server;
editing this copy changes nothing except your own understanding.
"""

import jax, jax.numpy as jnp
import numpy as np

B = 1024
D_IN = 768      # mlp_dim (encoder output dim fed to sparse attention)
D_KGE = 256     # kge embedding dim
K_ENT = 65536   # number of KGE entries
N_HEADS = 2
TOPK = 64


def setup_inputs(seed: int = 0) -> dict:
    key = jax.random.key(seed)
    ks = jax.random.split(key, 16)
    inp = {}
    inp['x'] = jax.random.normal(ks[0], (B, D_IN), dtype=jnp.float32)
    inp['kge_emb'] = jax.random.normal(ks[1], (K_ENT, D_KGE), dtype=jnp.float32) * 0.1
    for h in range(N_HEADS):
        inp[f'W1_{h}'] = jax.random.normal(ks[2 + 4 * h], (D_IN, D_IN), dtype=jnp.float32) * (1.0 / np.sqrt(D_IN))
        inp[f'b1_{h}'] = jnp.zeros((D_IN,), dtype=jnp.float32)
        inp[f'W2_{h}'] = jax.random.normal(ks[3 + 4 * h], (D_IN, D_KGE), dtype=jnp.float32) * (1.0 / np.sqrt(D_IN))
        inp[f'b2_{h}'] = jnp.zeros((D_KGE,), dtype=jnp.float32)
    inp['Wo'] = jax.random.normal(ks[10], (N_HEADS * D_KGE, D_KGE), dtype=jnp.float32) * (1.0 / np.sqrt(N_HEADS * D_KGE))
    inp['bo'] = jnp.zeros((D_KGE,), dtype=jnp.float32)
    return inp


def _sparse_attention_head(x, W1, b1, W2, b2, kge_emb):
    # MLP span encoding: hidden layer (relu) -> output kge_dim
    h = jax.nn.relu(x @ W1 + b1)
    spanned = h @ W2 + b2
    # dense scoring against the KGE table
    dotprod = spanned @ kge_emb.T            # [B, K_ENT]
    topmem, topmem_idx = jax.lax.top_k(dotprod, TOPK)  # [B, k]
    # faithful to original: exp then softmax (double exponentiation)
    topmem = jnp.exp(topmem)
    topmem = jax.nn.softmax(topmem, axis=1)
    # gather top-k KGE rows and take weighted combination
    topval = jnp.take(kge_emb, topmem_idx, axis=0)     # [B, k, D_KGE]
    value = jnp.einsum('bk,bkd->bd', topmem, topval)   # [B, D_KGE]
    return value


def reference(x, kge_emb, W1_0, b1_0, W2_0, b2_0, W1_1, b1_1, W2_1, b2_1, Wo, bo):
    h0 = _sparse_attention_head(x, W1_0, b1_0, W2_0, b2_0, kge_emb)
    h1 = _sparse_attention_head(x, W1_1, b1_1, W2_1, b2_1, kge_emb)
    cat = jnp.concatenate([h0, h1], axis=1)            # [B, N_HEADS*D_KGE]
    out = cat @ Wo + bo                                # [B, D_KGE]
    return out

if __name__ == "__main__":
    import jax
    _d = setup_inputs()
    print(jax.jit(kernel)(*tuple(_d.values())))

</pallas_src>

<mosaic_0001>
#map = affine_map<(d0, d1) -> (0, 0)>
module attributes {stable_mosaic.version = 14 : i64} {
  func.func @k(%arg0: i32, %arg1: i32, %arg2: memref<1048576x128xf32, #tpu.memory_space<hbm>>, %arg3: memref<2048x64xi32, #tpu.memory_space<hbm>>, %arg4: memref<2048x16xf32, #tpu.memory_space<hbm>>, %arg5: memref<2048x256xf32, #tpu.memory_space<hbm>>, %arg6: memref<2048x256xi32, #tpu.memory_space<hbm>>, %arg7: memref<64x64xi32, #tpu.memory_space<vmem>>, %arg8: memref<64x16xf32, #tpu.memory_space<vmem>>, %arg9: memref<2x64xi32, #tpu.memory_space<vmem>>, %arg10: memref<2x64x128xf32, #tpu.memory_space<vmem>>, %arg11: memref<256xf32, #tpu.memory_space<vmem>>, %arg12: memref<256xi32, #tpu.memory_space<vmem>>, %arg13: memref<!tpu.dma_semaphore, #tpu.memory_space<semaphore_mem>>, %arg14: memref<!tpu.dma_semaphore, #tpu.memory_space<semaphore_mem>>) attributes {dimension_semantics = [#tpu.dimension_semantics<core_parallel>, #tpu.dimension_semantics<subcore_parallel>], iteration_bounds = array<i64: 2, 16>, scalar_prefetch = 0 : i64, scratch_operands = 8 : i64, tpu.core_type = #tpu.core_type<sc_vector_subcore>, window_params = [{transform_indices = #map}, {transform_indices = #map}, {transform_indices = #map}, {transform_indices = #map}, {transform_indices = #map}]} {
    %mul3A = arith.constant 2 : i32
    %mul3A_0 = arith.muli %arg1, %mul3A : i32
    %add3A = arith.addi %mul3A_0, %arg0 : i32
    %iota3A = tpu.iota {dimensions = array<i32: 0>} : vector<16xi32>
    %mul3A_1 = arith.constant 64 : i32
    %mul3A_2 = arith.muli %add3A, %mul3A_1 : i32
    "tpu.region"() ({
      %run_scoped3A = tpu.sem_alloc : memref<!tpu.dma_semaphore, #tpu.memory_space<semaphore_mem>>
      %dma_start3A_74 = arith.constant 0 : i32
      %dma_start3A_75 = tpu.memref_slice %arg3[%mul3A_2, %dma_start3A_74] : memref<2048x64xi32, #tpu.memory_space<hbm>> -> memref<64x64xi32, #tpu.memory_space<hbm>>
      %dma_start3A_76 = arith.constant 0 : i32
      %dma_start3A_77 = tpu.memref_slice %arg3[%mul3A_2, %dma_start3A_76] : memref<2048x64xi32, #tpu.memory_space<hbm>> -> memref<64x64xi32, #tpu.memory_space<hbm>>
      tpu.enqueue_dma source(%dma_start3A_77 : memref<64x64xi32, #tpu.memory_space<hbm>>) target(%arg7 : memref<64x64xi32, #tpu.memory_space<vmem>>) target_semaphore(%run_scoped3A : memref<!tpu.dma_semaphore, #tpu.memory_space<semaphore_mem>>)
      %dma_wait3A = arith.constant 0 : i32
      %dma_wait3A_78 = tpu.memref_slice %arg3[%mul3A_2, %dma_wait3A] : memref<2048x64xi32, #tpu.memory_space<hbm>> -> memref<64x64xi32, #tpu.memory_space<hbm>>
      %dma_wait3A_79 = arith.constant 0 : i32
      %dma_wait3A_80 = tpu.memref_slice %arg3[%mul3A_2, %dma_wait3A_79] : memref<2048x64xi32, #tpu.memory_space<hbm>> -> memref<64x64xi32, #tpu.memory_space<hbm>>
      tpu.wait_dma2 semaphore(%run_scoped3A : memref<!tpu.dma_semaphore, #tpu.memory_space<semaphore_mem>>) src(%dma_wait3A_80 : memref<64x64xi32, #tpu.memory_space<hbm>>) dst(%arg7 : memref<64x64xi32, #tpu.memory_space<vmem>>)
      tpu.yield
    }) : () -> ()
    "tpu.region"() ({
      %run_scoped3A = tpu.sem_alloc : memref<!tpu.dma_semaphore, #tpu.memory_space<semaphore_mem>>
      %dma_start3A_74 = arith.constant 0 : i32
      %dma_start3A_75 = tpu.memref_slice %arg4[%mul3A_2, %dma_start3A_74] : memref<2048x16xf32, #tpu.memory_space<hbm>> -> memref<64x16xf32, #tpu.memory_space<hbm>>
      %dma_start3A_76 = arith.constant 0 : i32
      %dma_start3A_77 = tpu.memref_slice %arg4[%mul3A_2, %dma_start3A_76] : memref<2048x16xf32, #tpu.memory_space<hbm>> -> memref<64x16xf32, #tpu.memory_space<hbm>>
      tpu.enqueue_dma source(%dma_start3A_77 : memref<64x16xf32, #tpu.memory_space<hbm>>) target(%arg8 : memref<64x16xf32, #tpu.memory_space<vmem>>) target_semaphore(%run_scoped3A : memref<!tpu.dma_semaphore, #tpu.memory_space<semaphore_mem>>)
      %dma_wait3A = arith.constant 0 : i32
      %dma_wait3A_78 = tpu.memref_slice %arg4[%mul3A_2, %dma_wait3A] : memref<2048x16xf32, #tpu.memory_space<hbm>> -> memref<64x16xf32, #tpu.memory_space<hbm>>
      %dma_wait3A_79 = arith.constant 0 : i32
      %dma_wait3A_80 = tpu.memref_slice %arg4[%mul3A_2, %dma_wait3A_79] : memref<2048x16xf32, #tpu.memory_space<hbm>> -> memref<64x16xf32, #tpu.memory_space<hbm>>
      tpu.wait_dma2 semaphore(%run_scoped3A : memref<!tpu.dma_semaphore, #tpu.memory_space<semaphore_mem>>) src(%dma_wait3A_80 : memref<64x16xf32, #tpu.memory_space<hbm>>) dst(%arg8 : memref<64x16xf32, #tpu.memory_space<vmem>>)
      tpu.yield
    }) : () -> ()
    %get3A = arith.constant 0 : i32
    %get3A_3 = arith.index_cast %get3A : i32 to index
    %get3A_4 = arith.constant 0 : index
    %get3A_5 = tpu.vector_load %arg7[%get3A_3, %get3A_4] {strides = array<i32>} : memref<64x64xi32, #tpu.memory_space<vmem>>, vector<16xi32>,
    %add3A_6 = arith.constant 0 : i32
    %add3A_7 = arith.addi %mul3A_2, %add3A_6 : i32
    %mul3A_8 = arith.constant 512 : i32
    %mul3A_9 = arith.muli %add3A_7, %mul3A_8 : i32
    %add3A_10 = vector.broadcast %mul3A_9 : i32 to vector<16xi32>
    %add3A_11 = arith.addi %get3A_5, %add3A_10 : vector<16xi32>
    %swap3A = arith.constant 0 : i32
    %swap3A_12 = arith.index_cast %swap3A : i32 to index
    %swap3A_13 = arith.constant 0 : index
    %swap3A_14 = tpu.vector_load %arg9[%swap3A_12, %swap3A_13] {strides = array<i32>} : memref<2x64xi32, #tpu.memory_space<vmem>>, vector<16xi32>,
    tpu.vector_store %arg9[%swap3A_12, %swap3A_13], %add3A_11 {strides = array<i32>} : memref<2x64xi32, #tpu.memory_space<vmem>>, vector<16xi32>,
    %get3A_15 = arith.constant 0 : i32
    %get3A_16 = arith.index_cast %get3A_15 : i32 to index
    %get3A_17 = arith.constant 16 : index
    %get3A_18 = tpu.vector_load %arg7[%get3A_16, %get3A_17] {strides = array<i32>} : memref<64x64xi32, #tpu.memory_space<vmem>>, vector<16xi32>,
    %add3A_19 = arith.constant 0 : i32
    %add3A_20 = arith.addi %mul3A_2, %add3A_19 : i32
    %mul3A_21 = arith.constant 512 : i32
    %mul3A_22 = arith.muli %add3A_20, %mul3A_21 : i32
    %add3A_23 = vector.broadcast %mul3A_22 : i32 to vector<16xi32>
    %add3A_24 = arith.addi %get3A_18, %add3A_23 : vector<16xi32>
    %swap3A_25 = arith.constant 0 : i32
    %swap3A_26 = arith.index_cast %swap3A_25 : i32 to index
    %swap3A_27 = arith.constant 16 : index
    %swap3A_28 = tpu.vector_load %arg9[%swap3A_26, %swap3A_27] {strides = array<i32>} : memref<2x64xi32, #tpu.memory_space<vmem>>, vector<16xi32>,
    tpu.vector_store %arg9[%swap3A_26, %swap3A_27], %add3A_24 {strides = array<i32>} : memref<2x64xi32, #tpu.memory_space<vmem>>, vector<16xi32>,
    %get3A_29 = arith.constant 0 : i32
    %get3A_30 = arith.index_cast %get3A_29 : i32 to index
    %get3A_31 = arith.constant 32 : index
    %get3A_32 = tpu.vector_load %arg7[%get3A_30, %get3A_31] {strides = array<i32>} : memref<64x64xi32, #tpu.memory_space<vmem>>, vector<16xi32>,
    %add3A_33 = arith.constant 0 : i32
    %add3A_34 = arith.addi %mul3A_2, %add3A_33 : i32
    %mul3A_35 = arith.constant 512 : i32
    %mul3A_36 = arith.muli %add3A_34, %mul3A_35 : i32
    %add3A_37 = vector.broadcast %mul3A_36 : i32 to vector<16xi32>
    %add3A_38 = arith.addi %get3A_32, %add3A_37 : vector<16xi32>
    %swap3A_39 = arith.constant 0 : i32
    %swap3A_40 = arith.index_cast %swap3A_39 : i32 to index
    %swap3A_41 = arith.constant 32 : index
    %swap3A_42 = tpu.vector_load %arg9[%swap3A_40, %swap3A_41] {strides = array<i32>} : memref<2x64xi32, #tpu.memory_space<vmem>>, vector<16xi32>,
    tpu.vector_store %arg9[%swap3A_40, %swap3A_41], %add3A_38 {strides = array<i32>} : memref<2x64xi32, #tpu.memory_space<vmem>>, vector<16xi32>,
    %get3A_43 = arith.constant 0 : i32
    %get3A_44 = arith.index_cast %get3A_43 : i32 to index
    %get3A_45 = arith.constant 48 : index
    %get3A_46 = tpu.vector_load %arg7[%get3A_44, %get3A_45] {strides = array<i32>} : memref<64x64xi32, #tpu.memory_space<vmem>>, vector<16xi32>,
    %add3A_47 = arith.constant 0 : i32
    %add3A_48 = arith.addi %mul3A_2, %add3A_47 : i32
    %mul3A_49 = arith.constant 512 : i32
    %mul3A_50 = arith.muli %add3A_48, %mul3A_49 : i32
    %add3A_51 = vector.broadcast %mul3A_50 : i32 to vector<16xi32>
    %add3A_52 = arith.addi %get3A_46, %add3A_51 : vector<16xi32>
    %swap3A_53 = arith.constant 0 : i32
    %swap3A_54 = arith.index_cast %swap3A_53 : i32 to index
    %swap3A_55 = arith.constant 48 : index
    %swap3A_56 = tpu.vector_load %arg9[%swap3A_54, %swap3A_55] {strides = array<i32>} : memref<2x64xi32, #tpu.memory_space<vmem>>, vector<16xi32>,
    tpu.vector_store %arg9[%swap3A_54, %swap3A_55], %add3A_52 {strides = array<i32>} : memref<2x64xi32, #tpu.memory_space<vmem>>, vector<16xi32>,
    %dma_start3A = arith.constant 0 : i32
    %dma_start3A_57 = arith.constant 0 : i32
    %dma_start3A_58 = arith.constant 0 : i32
    %dma_start3A_59 = arith.constant 0 : i32
    %dma_start3A_60 = tpu.memref_slice %arg10[%dma_start3A_57, %dma_start3A_58, %dma_start3A_59] : memref<2x64x128xf32, #tpu.memory_space<vmem>> -> memref<1x64x128xf32, #tpu.memory_space<vmem>>
    %dma_start3A_61 = tpu.memref_squeeze %dma_start3A_60 : memref<1x64x128xf32, #tpu.memory_space<vmem>> -> memref<64x128xf32, #tpu.memory_space<vmem>>
    %dma_start3A_62 = arith.constant 0 : i32
    %dma_start3A_63 = tpu.memref_slice %arg9[%dma_start3A, %dma_start3A_62] : memref<2x64xi32, #tpu.memory_space<vmem>> -> memref<1x64xi32, #tpu.memory_space<vmem>>
    %dma_start3A_64 = tpu.memref_squeeze %dma_start3A_63 : memref<1x64xi32, #tpu.memory_space<vmem>> -> memref<64xi32, #tpu.memory_space<vmem>>
    %dma_start3A_65 = arith.constant 0 : i32
    %dma_start3A_66 = arith.constant 0 : i32
    %dma_start3A_67 = tpu.memref_slice %arg2[%dma_start3A_65, %dma_start3A_66] : memref<1048576x128xf32, #tpu.memory_space<hbm>> -> memref<1048576x128xf32, #tpu.memory_space<hbm>>
    tpu.enqueue_indirect_dma source(%dma_start3A_67 : memref<1048576x128xf32, #tpu.memory_space<hbm>>) target(%dma_start3A_61 : memref<64x128xf32, #tpu.memory_space<vmem>>) offsets(%dma_start3A_64 : memref<64xi32, #tpu.memory_space<vmem>>) semaphore(%arg13 : memref<!tpu.dma_semaphore, #tpu.memory_space<semaphore_mem>>)
    %scan3A = arith.constant 0 : i32
    %scan3A_68 = arith.constant 0 : i32
    %scan3A_69 = arith.constant 32 : i32
    %scan3A_70 = arith.addi %scan3A_68, %scan3A_69 : i32
    %scan3A_71 = arith.constant 1 : i32
    %scan3A_72 = scf.for %scan3A_74 = %scan3A_68 to %scan3A_70 step %scan3A_71 iter_args(%scan3A_75 = %scan3A) -> (i32)  : i32 {
      %mul3A_76 = arith.constant 2 : i32
      %mul3A_77 = arith.muli %scan3A_74, %mul3A_76 : i32
      %add3A_78 = arith.constant 0 : i32
      %add3A_79 = arith.addi %mul3A_77, %add3A_78 : i32
      %add3A_80 = arith.addi %mul3A_2, %add3A_79 : i32
      %dma_wait3A = arith.constant 0 : i32
      %dma_wait3A_81 = arith.constant 0 : i32
      %dma_wait3A_82 = arith.constant 0 : i32
      %dma_wait3A_83 = tpu.memref_slice %arg10[%dma_wait3A, %dma_wait3A_81, %dma_wait3A_82] : memref<2x64x128xf32, #tpu.memory_space<vmem>> -> memref<1x64x128xf32, #tpu.memory_space<vmem>>
      %dma_wait3A_84 = tpu.memref_squeeze %dma_wait3A_83 : memref<1x64x128xf32, #tpu.memory_space<vmem>> -> memref<64x128xf32, #tpu.memory_space<vmem>>
      %dma_wait3A_85 = arith.constant 0 : i32
      %dma_wait3A_86 = arith.constant 0 : i32
      %dma_wait3A_87 = tpu.memref_slice %arg2[%dma_wait3A_85, %dma_wait3A_86] : memref<1048576x128xf32, #tpu.memory_space<hbm>> -> memref<64x128xf32, #tpu.memory_space<hbm>>
      %dma_wait3A_88 = arith.constant 0 : i32
      %dma_wait3A_89 = arith.constant 0 : i32
      %dma_wait3A_90 = tpu.memref_slice %arg10[%dma_wait3A, %dma_wait3A_88, %dma_wait3A_89] : memref<2x64x128xf32, #tpu.memory_space<vmem>> -> memref<1x64x128xf32, #tpu.memory_space<vmem>>
      %dma_wait3A_91 = tpu.memref_squeeze %dma_wait3A_90 : memref<1x64x128xf32, #tpu.memory_space<vmem>> -> memref<64x128xf32, #tpu.memory_space<vmem>>
      %dma_wait3A_92 = arith.constant 0 : i32
      %dma_wait3A_93 = arith.constant 0 : i32
      %dma_wait3A_94 = tpu.memref_slice %arg2[%dma_wait3A_92, %dma_wait3A_93] : memref<1048576x128xf32, #tpu.memory_space<hbm>> -> memref<64x128xf32, #tpu.memory_space<hbm>>
      tpu.wait_dma2 semaphore(%arg13 : memref<!tpu.dma_semaphore, #tpu.memory_space<semaphore_mem>>) src(%dma_wait3A_94 : memref<64x128xf32, #tpu.memory_space<hbm>>) dst(%dma_wait3A_91 : memref<64x128xf32, #tpu.memory_space<vmem>>)
      %add3A_95 = arith.constant 1 : i32
      %add3A_96 = arith.addi %add3A_79, %add3A_95 : i32
      %lt3A = arith.constant 64 : i32
      %lt3A_97 = arith.cmpi slt, %add3A_96, %lt3A : i32
      %convert_element_type3A = arith.extui %lt3A_97 : i1 to i32
      %cond3A = arith.constant 0 : i32
      %cond3A_98 = arith.cmpi ne, %convert_element_type3A, %cond3A : i32
      scf.if %cond3A_98 {
        %add3A_404 = arith.constant 1 : i32
        %add3A_405 = arith.addi %add3A_79, %add3A_404 : i32
        %get3A_406 = arith.index_cast %add3A_405 : i32 to index
        %get3A_407 = arith.constant 0 : index
        %get3A_408 = tpu.vector_load %arg7[%get3A_406, %get3A_407] {strides = array<i32>} : memref<64x64xi32, #tpu.memory_space<vmem>>, vector<16xi32>,
        %add3A_409 = arith.addi %mul3A_2, %add3A_405 : i32
        %mul3A_410 = arith.constant 512 : i32
        %mul3A_411 = arith.muli %add3A_409, %mul3A_410 : i32
        %add3A_412 = vector.broadcast %mul3A_411 : i32 to vector<16xi32>
        %add3A_413 = arith.addi %get3A_408, %add3A_412 : vector<16xi32>
        %swap3A_414 = arith.constant 1 : i32
        %swap3A_415 = arith.index_cast %swap3A_414 : i32 to index
        %swap3A_416 = arith.constant 0 : index
        %swap3A_417 = tpu.vector_load %arg9[%swap3A_415, %swap3A_416] {strides = array<i32>} : memref<2x64xi32, #tpu.memory_space<vmem>>, vector<16xi32>,
        tpu.vector_store %arg9[%swap3A_415, %swap3A_416], %add3A_413 {strides = array<i32>} : memref<2x64xi32, #tpu.memory_space<vmem>>, vector<16xi32>,
        %get3A_418 = arith.index_cast %add3A_405 : i32 to index
        %get3A_419 = arith.constant 16 : index
        %get3A_420 = tpu.vector_load %arg7[%get3A_418, %get3A_419] {strides = array<i32>} : memref<64x64xi32, #tpu.memory_space<vmem>>, vector<16xi32>,
        %add3A_421 = arith.addi %mul3A_2, %add3A_405 : i32
        %mul3A_422 = arith.constant 512 : i32
        %mul3A_423 = arith.muli %add3A_421, %mul3A_422 : i32
        %add3A_424 = vector.broadcast %mul3A_423 : i32 to vector<16xi32>
        %add3A_425 = arith.addi %get3A_420, %add3A_424 : vector<16xi32>
        %swap3A_426 = arith.constant 1 : i32
        %swap3A_427 = arith.index_cast %swap3A_426 : i32 to index
        %swap3A_428 = arith.constant 16 : index
        %swap3A_429 = tpu.vector_load %arg9[%swap3A_427, %swap3A_428] {strides = array<i32>} : memref<2x64xi32, #tpu.memory_space<vmem>>, vector<16xi32>,
        tpu.vector_store %arg9[%swap3A_427, %swap3A_428], %add3A_425 {strides = array<i32>} : memref<2x64xi32, #tpu.memory_space<vmem>>, vector<16xi32>,
        %get3A_430 = arith.index_cast %add3A_405 : i32 to index
        %get3A_431 = arith.constant 32 : index
        %get3A_432 = tpu.vector_load %arg7[%get3A_430, %get3A_431] {strides = array<i32>} : memref<64x64xi32, #tpu.memory_space<vmem>>, vector<16xi32>,
        %add3A_433 = arith.addi %mul3A_2, %add3A_405 : i32
        %mul3A_434 = arith.constant 512 : i32
        %mul3A_435 = arith.muli %add3A_433, %mul3A_434 : i32
        %add3A_436 = vector.broadcast %mul3A_435 : i32 to vector<16xi32>
        %add3A_437 = arith.addi %get3A_432, %add3A_436 : vector<16xi32>
        %swap3A_438 = arith.constant 1 : i32
        %swap3A_439 = arith.index_cast %swap3A_438 : i32 to index
        %swap3A_440 = arith.constant 32 : index
        %swap3A_441 = tpu.vector_load %arg9[%swap3A_439, %swap3A_440] {strides = array<i32>} : memref<2x64xi32, #tpu.memory_space<vmem>>, vector<16xi32>,
        tpu.vector_store %arg9[%swap3A_439, %swap3A_440], %add3A_437 {strides = array<i32>} : memref<2x64xi32, #tpu.memory_space<vmem>>, vector<16xi32>,
        %get3A_442 = arith.index_cast %add3A_405 : i32 to index
        %get3A_443 = arith.constant 48 : index
        %get3A_444 = tpu.vector_load %arg7[%get3A_442, %get3A_443] {strides = array<i32>} : memref<64x64xi32, #tpu.memory_space<vmem>>, vector<16xi32>,
        %add3A_445 = arith.addi %mul3A_2, %add3A_405 : i32
        %mul3A_446 = arith.constant 512 : i32
        %mul3A_447 = arith.muli %add3A_445, %mul3A_446 : i32
        %add3A_448 = vector.broadcast %mul3A_447 : i32 to vector<16xi32>
        %add3A_449 = arith.addi %get3A_444, %add3A_448 : vector<16xi32>
        %swap3A_450 = arith.constant 1 : i32
        %swap3A_451 = arith.index_cast %swap3A_450 : i32 to index
        %swap3A_452 = arith.constant 48 : index
        %swap3A_453 = tpu.vector_load %arg9[%swap3A_451, %swap3A_452] {strides = array<i32>} : memref<2x64xi32, #tpu.memory_space<vmem>>, vector<16xi32>,
        tpu.vector_store %arg9[%swap3A_451, %swap3A_452], %add3A_449 {strides = array<i32>} : memref<2x64xi32, #tpu.memory_space<vmem>>, vector<16xi32>,
        %dma_start3A_454 = arith.constant 1 : i32
        %dma_start3A_455 = arith.constant 1 : i32
        %dma_start3A_456 = arith.constant 0 : i32
        %dma_start3A_457 = arith.constant 0 : i32
        %dma_start3A_458 = tpu.memref_slice %arg10[%dma_start3A_455, %dma_start3A_456, %dma_start3A_457] : memref<2x64x128xf32, #tpu.memory_space<vmem>> -> memref<1x64x128xf32, #tpu.memory_space<vmem>>
        %dma_start3A_459 = tpu.memref_squeeze %dma_start3A_458 : memref<1x64x128xf32, #tpu.memory_space<vmem>> -> memref<64x128xf32, #tpu.memory_space<vmem>>
        %dma_start3A_460 = arith.constant 0 : i32
        %dma_start3A_461 = tpu.memref_slice %arg9[%dma_start3A_454, %dma_start3A_460] : memref<2x64xi32, #tpu.memory_space<vmem>> -> memref<1x64xi32, #tpu.memory_space<vmem>>
        %dma_start3A_462 = tpu.memref_squeeze %dma_start3A_461 : memref<1x64xi32, #tpu.memory_space<vmem>> -> memref<64xi32, #tpu.memory_space<vmem>>
        %dma_start3A_463 = arith.constant 0 : i32
        %dma_start3A_464 = arith.constant 0 : i32
        %dma_start3A_465 = tpu.memref_slice %arg2[%dma_start3A_463, %dma_start3A_464] : memref<1048576x128xf32, #tpu.memory_space<hbm>> -> memref<1048576x128xf32, #tpu.memory_space<hbm>>
        tpu.enqueue_indirect_dma source(%dma_start3A_465 : memref<1048576x128xf32, #tpu.memory_space<hbm>>) target(%dma_start3A_459 : memref<64x128xf32, #tpu.memory_space<vmem>>) offsets(%dma_start3A_462 : memref<64xi32, #tpu.memory_space<vmem>>) semaphore(%arg14 : memref<!tpu.dma_semaphore, #tpu.memory_space<semaphore_mem>>)
      } else {
      }
      %get3A_99 = arith.index_cast %add3A_79 : i32 to index
      %get3A_100 = arith.constant 0 : index
      %get3A_101 = tpu.vector_load %arg8[%get3A_99, %get3A_100] {strides = array<i32>} : memref<64x16xf32, #tpu.memory_space<vmem>>, vector<16xf32>,
      %broadcast_in_dim3A = arith.constant -1.000000e+30 : f32
      %broadcast_in_dim3A_102 = vector.broadcast %broadcast_in_dim3A : f32 to vector<16xf32>
      %swap3A_103 = arith.constant 0 : index
      %swap3A_104 = tpu.vector_load %arg11[%swap3A_103] {strides = array<i32>} : memref<256xf32, #tpu.memory_space<vmem>>, vector<16xf32>,
      tpu.vector_store %arg11[%swap3A_103], %broadcast_in_dim3A_102 {strides = array<i32>} : memref<256xf32, #tpu.memory_space<vmem>>, vector<16xf32>,
      %broadcast_in_dim3A_105 = arith.constant 0 : i32
      %broadcast_in_dim3A_106 = vector.broadcast %broadcast_in_dim3A_105 : i32 to vector<16xi32>
      %swap3A_107 = arith.constant 0 : index
      %swap3A_108 = tpu.vector_load %arg12[%swap3A_107] {strides = array<i32>} : memref<256xi32, #tpu.memory_space<vmem>>, vector<16xi32>,
      tpu.vector_store %arg12[%swap3A_107], %broadcast_in_dim3A_106 {strides = array<i32>} : memref<256xi32, #tpu.memory_space<vmem>>, vector<16xi32>,
      %broadcast_in_dim3A_109 = arith.constant -1.000000e+30 : f32
      %broadcast_in_dim3A_110 = vector.broadcast %broadcast_in_dim3A_109 : f32 to vector<16xf32>
      %swap3A_111 = arith.constant 16 : index
      %swap3A_112 = tpu.vector_load %arg11[%swap3A_111] {strides = array<i32>} : memref<256xf32, #tpu.memory_space<vmem>>, vector<16xf32>,
      tpu.vector_store %arg11[%swap3A_111], %broadcast_in_dim3A_110 {strides = array<i32>} : memref<256xf32, #tpu.memory_space<vmem>>, vector<16xf32>,
      %broadcast_in_dim3A_113 = arith.constant 0 : i32
      %broadcast_in_dim3A_114 = vector.broadcast %broadcast_in_dim3A_113 : i32 to vector<16xi32>
      %swap3A_115 = arith.constant 16 : index
      %swap3A_116 = tpu.vector_load %arg12[%swap3A_115] {strides = array<i32>} : memref<256xi32, #tpu.memory_space<vmem>>, vector<16xi32>,
      tpu.vector_store %arg12[%swap3A_115], %broadcast_in_dim3A_114 {strides = array<i32>} : memref<256xi32, #tpu.memory_space<vmem>>, vector<16xi32>,
      %broadcast_in_dim3A_117 = arith.constant -1.000000e+30 : f32
      %broadcast_in_dim3A_118 = vector.broadcast %broadcast_in_dim3A_117 : f32 to vector<16xf32>
      %swap3A_119 = arith.constant 32 : index
      %swap3A_120 = tpu.vector_load %arg11[%swap3A_119] {strides = array<i32>} : memref<256xf32, #tpu.memory_space<vmem>>, vector<16xf32>,
      tpu.vector_store %arg11[%swap3A_119], %broadcast_in_dim3A_118 {strides = array<i32>} : memref<256xf32, #tpu.memory_space<vmem>>, vector<16xf32>,
      %broadcast_in_dim3A_121 = arith.constant 0 : i32
      %broadcast_in_dim3A_122 = vector.broadcast %broadcast_in_dim3A_121 : i32 to vector<16xi32>
      %swap3A_123 = arith.constant 32 : index
      %swap3A_124 = tpu.vector_load %arg12[%swap3A_123] {strides = array<i32>} : memref<256xi32, #tpu.memory_space<vmem>>, vector<16xi32>,
      tpu.vector_store %arg12[%swap3A_123], %broadcast_in_dim3A_122 {strides = array<i32>} : memref<256xi32, #tpu.memory_space<vmem>>, vector<16xi32>,
      %broadcast_in_dim3A_125 = arith.constant -1.000000e+30 : f32
      %broadcast_in_dim3A_126 = vector.broadcast %broadcast_in_dim3A_125 : f32 to vector<16xf32>
      %swap3A_127 = arith.constant 48 : index
      %swap3A_128 = tpu.vector_load %arg11[%swap3A_127] {strides = array<i32>} : memref<256xf32, #tpu.memory_space<vmem>>, vector<16xf32>,
      tpu.vector_store %arg11[%swap3A_127], %broadcast_in_dim3A_126 {strides = array<i32>} : memref<256xf32, #tpu.memory_space<vmem>>, vector<16xf32>,
      %broadcast_in_dim3A_129 = arith.constant 0 : i32
      %broadcast_in_dim3A_130 = vector.broadcast %broadcast_in_dim3A_129 : i32 to vector<16xi32>
      %swap3A_131 = arith.constant 48 : index
      %swap3A_132 = tpu.vector_load %arg12[%swap3A_131] {strides = array<i32>} : memref<256xi32, #tpu.memory_space<vmem>>, vector<16xi32>,
      tpu.vector_store %arg12[%swap3A_131], %broadcast_in_dim3A_130 {strides = array<i32>} : memref<256xi32, #tpu.memory_space<vmem>>, vector<16xi32>,
      %broadcast_in_dim3A_133 = arith.constant -1.000000e+30 : f32
      %broadcast_in_dim3A_134 = vector.broadcast %broadcast_in_dim3A_133 : f32 to vector<16xf32>
      %swap3A_135 = arith.constant 64 : index
      %swap3A_136 = tpu.vector_load %arg11[%swap3A_135] {strides = array<i32>} : memref<256xf32, #tpu.memory_space<vmem>>, vector<16xf32>,
      tpu.vector_store %arg11[%swap3A_135], %broadcast_in_dim3A_134 {strides = array<i32>} : memref<256xf32, #tpu.memory_space<vmem>>, vector<16xf32>,
      %broadcast_in_dim3A_137 = arith.constant 0 : i32
      %broadcast_in_dim3A_138 = vector.broadcast %broadcast_in_dim3A_137 : i32 to vector<16xi32>
      %swap3A_139 = arith.constant 64 : index
      %swap3A_140 = tpu.vector_load %arg12[%swap3A_139] {strides = array<i32>} : memref<256xi32, #tpu.memory_space<vmem>>, vector<16xi32>,
      tpu.vector_store %arg12[%swap3A_139], %broadcast_in_dim3A_138 {strides = array<i32>} : memref<256xi32, #tpu.memory_space<vmem>>, vector<16xi32>,
      %broadcast_in_dim3A_141 = arith.constant -1.000000e+30 : f32
      %broadcast_in_dim3A_142 = vector.broadcast %broadcast_in_dim3A_141 : f32 to vector<16xf32>
      %swap3A_143 = arith.constant 80 : index
      %swap3A_144 = tpu.vector_load %arg11[%swap3A_143] {strides = array<i32>} : memref<256xf32, #tpu.memory_space<vmem>>, vector<16xf32>,
      tpu.vector_store %arg11[%swap3A_143], %broadcast_in_dim3A_142 {strides = array<i32>} : memref<256xf32, #tpu.memory_space<vmem>>, vector<16xf32>,
      %broadcast_in_dim3A_145 = arith.constant 0 : i32
      %broadcast_in_dim3A_146 = vector.broadcast %broadcast_in_dim3A_145 : i32 to vector<16xi32>
      %swap3A_147 = arith.constant 80 : index
      %swap3A_148 = tpu.vector_load %arg12[%swap3A_147] {strides = array<i32>} : memref<256xi32, #tpu.memory_space<vmem>>, vector<16xi32>,
      tpu.vector_store %arg12[%swap3A_147], %broadcast_in_dim3A_146 {strides = array<i32>} : memref<256xi32, #tpu.memory_space<vmem>>, vector<16xi32>,
      %broadcast_in_dim3A_149 = arith.constant -1.000000e+30 : f32
      %broadcast_in_dim3A_150 = vector.broadcast %broadcast_in_dim3A_149 : f32 to vector<16xf32>
      %swap3A_151 = arith.constant 96 : index
      %swap3A_152 = tpu.vector_load %arg11[%swap3A_151] {strides = array<i32>} : memref<256xf32, #tpu.memory_space<vmem>>, vector<16xf32>,
      tpu.vector_store %arg11[%swap3A_151], %broadcast_in_dim3A_150 {strides = array<i32>} : memref<256xf32, #tpu.memory_space<vmem>>, vector<16xf32>,
      %broadcast_in_dim3A_153 = arith.constant 0 : i32
      %broadcast_in_dim3A_154 = vector.broadcast %broadcast_in_dim3A_153 : i32 to vector<16xi32>
      %swap3A_155 = arith.constant 96 : index
      %swap3A_156 = tpu.vector_load %arg12[%swap3A_155] {strides = array<i32>} : memref<256xi32, #tpu.memory_space<vmem>>, vector<16xi32>,
      tpu.vector_store %arg12[%swap3A_155], %broadcast_in_dim3A_154 {strides = array<i32>} : memref<256xi32, #tpu.memory_space<vmem>>, vector<16xi32>,
      %broadcast_in_dim3A_157 = arith.constant -1.000000e+30 : f32
      %broadcast_in_dim3A_158 = vector.broadcast %broadcast_in_dim3A_157 : f32 to vector<16xf32>
      %swap3A_159 = arith.constant 112 : index
      %swap3A_160 = tpu.vector_load %arg11[%swap3A_159] {strides = array<i32>} : memref<256xf32, #tpu.memory_space<vmem>>, vector<16xf32>,
      tpu.vector_store %arg11[%swap3A_159], %broadcast_in_dim3A_158 {strides = array<i32>} : memref<256xf32, #tpu.memory_space<vmem>>, vector<16xf32>,
      %broadcast_in_dim3A_161 = arith.constant 0 : i32
      %broadcast_in_dim3A_162 = vector.broadcast %broadcast_in_dim3A_161 : i32 to vector<16xi32>
      %swap3A_163 = arith.constant 112 : index
      %swap3A_164 = tpu.vector_load %arg12[%swap3A_163] {strides = array<i32>} : memref<256xi32, #tpu.memory_space<vmem>>, vector<16xi32>,
      tpu.vector_store %arg12[%swap3A_163], %broadcast_in_dim3A_162 {strides = array<i32>} : memref<256xi32, #tpu.memory_space<vmem>>, vector<16xi32>,
      %broadcast_in_dim3A_165 = arith.constant -1.000000e+30 : f32
      %broadcast_in_dim3A_166 = vector.broadcast %broadcast_in_dim3A_165 : f32 to vector<16xf32>
      %swap3A_167 = arith.constant 128 : index
      %swap3A_168 = tpu.vector_load %arg11[%swap3A_167] {strides = array<i32>} : memref<256xf32, #tpu.memory_space<vmem>>, vector<16xf32>,
      tpu.vector_store %arg11[%swap3A_167], %broadcast_in_dim3A_166 {strides = array<i32>} : memref<256xf32, #tpu.memory_space<vmem>>, vector<16xf32>,
      %broadcast_in_dim3A_169 = arith.constant 0 : i32
      %broadcast_in_dim3A_170 = vector.broadcast %broadcast_in_dim3A_169 : i32 to vector<16xi32>
      %swap3A_171 = arith.constant 128 : index
      %swap3A_172 = tpu.vector_load %arg12[%swap3A_171] {strides = array<i32>} : memref<256xi32, #tpu.memory_space<vmem>>, vector<16xi32>,
      tpu.vector_store %arg12[%swap3A_171], %broadcast_in_dim3A_170 {strides = array<i32>} : memref<256xi32, #tpu.memory_space<vmem>>, vector<16xi32>,
      %broadcast_in_dim3A_173 = arith.constant -1.000000e+30 : f32
      %broadcast_in_dim3A_174 = vector.broadcast %broadcast_in_dim3A_173 : f32 to vector<16xf32>
      %swap3A_175 = arith.constant 144 : index
      %swap3A_176 = tpu.vector_load %arg11[%swap3A_175] {strides = array<i32>} : memref<256xf32, #tpu.memory_space<vmem>>, vector<16xf32>,
      tpu.vector_store %arg11[%swap3A_175], %broadcast_in_dim3A_174 {strides = array<i32>} : memref<256xf32, #tpu.memory_space<vmem>>, vector<16xf32>,
      %broadcast_in_dim3A_177 = arith.constant 0 : i32
      %broadcast_in_dim3A_178 = vector.broadcast %broadcast_in_dim3A_177 : i32 to vector<16xi32>
      %swap3A_179 = arith.constant 144 : index
      %swap3A_180 = tpu.vector_load %arg12[%swap3A_179] {strides = array<i32>} : memref<256xi32, #tpu.memory_space<vmem>>, vector<16xi32>,
      tpu.vector_store %arg12[%swap3A_179], %broadcast_in_dim3A_178 {strides = array<i32>} : memref<256xi32, #tpu.memory_space<vmem>>, vector<16xi32>,
      %broadcast_in_dim3A_181 = arith.constant -1.000000e+30 : f32
      %broadcast_in_dim3A_182 = vector.broadcast %broadcast_in_dim3A_181 : f32 to vector<16xf32>
      %swap3A_183 = arith.constant 160 : index
      %swap3A_184 = tpu.vector_load %arg11[%swap3A_183] {strides = array<i32>} : memref<256xf32, #tpu.memory_space<vmem>>, vector<16xf32>,
      tpu.vector_store %arg11[%swap3A_183], %broadcast_in_dim3A_182 {strides = array<i32>} : memref<256xf32, #tpu.memory_space<vmem>>, vector<16xf32>,
      %broadcast_in_dim3A_185 = arith.constant 0 : i32
      %broadcast_in_dim3A_186 = vector.broadcast %broadcast_in_dim3A_185 : i32 to vector<16xi32>
      %swap3A_187 = arith.constant 160 : index
      %swap3A_188 = tpu.vector_load %arg12[%swap3A_187] {strides = array<i32>} : memref<256xi32, #tpu.memory_space<vmem>>, vector<16xi32>,
      tpu.vector_store %arg12[%swap3A_187], %broadcast_in_dim3A_186 {strides = array<i32>} : memref<256xi32, #tpu.memory_space<vmem>>, vector<16xi32>,
      %broadcast_in_dim3A_189 = arith.constant -1.000000e+30 : f32
      %broadcast_in_dim3A_190 = vector.broadcast %broadcast_in_dim3A_189 : f32 to vector<16xf32>
      %swap3A_191 = arith.constant 176 : index
      %swap3A_192 = tpu.vector_load %arg11[%swap3A_191] {strides = array<i32>} : memref<256xf32, #tpu.memory_space<vmem>>, vector<16xf32>,
      tpu.vector_store %arg11[%swap3A_191], %broadcast_in_dim3A_190 {strides = array<i32>} : memref<256xf32, #tpu.memory_space<vmem>>, vector<16xf32>,
      %broadcast_in_dim3A_193 = arith.constant 0 : i32
      %broadcast_in_dim3A_194 = vector.broadcast %broadcast_in_dim3A_193 : i32 to vector<16xi32>
      %swap3A_195 = arith.constant 176 : index
      %swap3A_196 = tpu.vector_load %arg12[%swap3A_195] {strides = array<i32>} : memref<256xi32, #tpu.memory_space<vmem>>, vector<16xi32>,
      tpu.vector_store %arg12[%swap3A_195], %broadcast_in_dim3A_194 {strides = array<i32>} : memref<256xi32, #tpu.memory_space<vmem>>, vector<16xi32>,
      %broadcast_in_dim3A_197 = arith.constant -1.000000e+30 : f32
      %broadcast_in_dim3A_198 = vector.broadcast %broadcast_in_dim3A_197 : f32 to vector<16xf32>
      %swap3A_199 = arith.constant 192 : index
      %swap3A_200 = tpu.vector_load %arg11[%swap3A_199] {strides = array<i32>} : memref<256xf32, #tpu.memory_space<vmem>>, vector<16xf32>,
      tpu.vector_store %arg11[%swap3A_199], %broadcast_in_dim3A_198 {strides = array<i32>} : memref<256xf32, #tpu.memory_space<vmem>>, vector<16xf32>,
      %broadcast_in_dim3A_201 = arith.constant 0 : i32
      %broadcast_in_dim3A_202 = vector.broadcast %broadcast_in_dim3A_201 : i32 to vector<16xi32>
      %swap3A_203 = arith.constant 192 : index
      %swap3A_204 = tpu.vector_load %arg12[%swap3A_203] {strides = array<i32>} : memref<256xi32, #tpu.memory_space<vmem>>, vector<16xi32>,
      tpu.vector_store %arg12[%swap3A_203], %broadcast_in_dim3A_202 {strides = array<i32>} : memref<256xi32, #tpu.memory_space<vmem>>, vector<16xi32>,
      %broadcast_in_dim3A_205 = arith.constant -1.000000e+30 : f32
      %broadcast_in_dim3A_206 = vector.broadcast %broadcast_in_dim3A_205 : f32 to vector<16xf32>
      %swap3A_207 = arith.constant 208 : index
      %swap3A_208 = tpu.vector_load %arg11[%swap3A_207] {strides = array<i32>} : memref<256xf32, #tpu.memory_space<vmem>>, vector<16xf32>,
      tpu.vector_store %arg11[%swap3A_207], %broadcast_in_dim3A_206 {strides = array<i32>} : memref<256xf32, #tpu.memory_space<vmem>>, vector<16xf32>,
      %broadcast_in_dim3A_209 = arith.constant 0 : i32
      %broadcast_in_dim3A_210 = vector.broadcast %broadcast_in_dim3A_209 : i32 to vector<16xi32>
      %swap3A_211 = arith.constant 208 : index
      %swap3A_212 = tpu.vector_load %arg12[%swap3A_211] {strides = array<i32>} : memref<256xi32, #tpu.memory_space<vmem>>, vector<16xi32>,
      tpu.vector_store %arg12[%swap3A_211], %broadcast_in_dim3A_210 {strides = array<i32>} : memref<256xi32, #tpu.memory_space<vmem>>, vector<16xi32>,
      %broadcast_in_dim3A_213 = arith.constant -1.000000e+30 : f32
      %broadcast_in_dim3A_214 = vector.broadcast %broadcast_in_dim3A_213 : f32 to vector<16xf32>
      %swap3A_215 = arith.constant 224 : index
      %swap3A_216 = tpu.vector_load %arg11[%swap3A_215] {strides = array<i32>} : memref<256xf32, #tpu.memory_space<vmem>>, vector<16xf32>,
      tpu.vector_store %arg11[%swap3A_215], %broadcast_in_dim3A_214 {strides = array<i32>} : memref<256xf32, #tpu.memory_space<vmem>>, vector<16xf32>,
      %broadcast_in_dim3A_217 = arith.constant 0 : i32
      %broadcast_in_dim3A_218 = vector.broadcast %broadcast_in_dim3A_217 : i32 to vector<16xi32>
      %swap3A_219 = arith.constant 224 : index
      %swap3A_220 = tpu.vector_load %arg12[%swap3A_219] {strides = array<i32>} : memref<256xi32, #tpu.memory_space<vmem>>, vector<16xi32>,
      tpu.vector_store %arg12[%swap3A_219], %broadcast_in_dim3A_218 {strides = array<i32>} : memref<256xi32, #tpu.memory_space<vmem>>, vector<16xi32>,
      %broadcast_in_dim3A_221 = arith.constant -1.000000e+30 : f32
      %broadcast_in_dim3A_222 = vector.broadcast %broadcast_in_dim3A_221 : f32 to vector<16xf32>
      %swap3A_223 = arith.constant 240 : index
      %swap3A_224 = tpu.vector_load %arg11[%swap3A_223] {strides = array<i32>} : memref<256xf32, #tpu.memory_space<vmem>>, vector<16xf32>,
      tpu.vector_store %arg11[%swap3A_223], %broadcast_in_dim3A_222 {strides = array<i32>} : memref<256xf32, #tpu.memory_space<vmem>>, vector<16xf32>,
      %broadcast_in_dim3A_225 = arith.constant 0 : i32
      %broadcast_in_dim3A_226 = vector.broadcast %broadcast_in_dim3A_225 : i32 to vector<16xi32>
      %swap3A_227 = arith.constant 240 : index
      %swap3A_228 = tpu.vector_load %arg12[%swap3A_227] {strides = array<i32>} : memref<256xi32, #tpu.memory_space<vmem>>, vector<16xi32>,
      tpu.vector_store %arg12[%swap3A_227], %broadcast_in_dim3A_226 {strides = array<i32>} : memref<256xi32, #tpu.memory_space<vmem>>, vector<16xi32>,
      %broadcast_in_dim3A_229 = arith.constant 0 : i32
      %broadcast_in_dim3A_230 = vector.broadcast %broadcast_in_dim3A_229 : i32 to vector<16xi32>
      %scan3A_231 = arith.constant 0 : i32
      %scan3A_232 = arith.constant 512 : i32
      %scan3A_233 = arith.addi %scan3A_231, %scan3A_232 : i32
      %scan3A_234 = arith.constant 1 : i32
      %scan3A_235 = scf.for %scan3A_404 = %scan3A_231 to %scan3A_233 step %scan3A_234 iter_args(%scan3A_405 = %broadcast_in_dim3A_230) -> (vector<16xi32>)  : i32 {
        %jit3A = arith.constant 8 : i32
        %div3A = arith.divsi %scan3A_404, %jit3A : i32
        %sign3A = arith.constant 0 : i32
        %sign3A_406 = arith.cmpi sgt, %scan3A_404, %sign3A : i32
        %sign3A_407 = arith.extui %sign3A_406 : i1 to i32
        %sign3A_408 = arith.constant 0 : i32
        %sign3A_409 = arith.cmpi slt, %scan3A_404, %sign3A_408 : i32
        %sign3A_410 = arith.extui %sign3A_409 : i1 to i32
        %sign3A_411 = arith.subi %sign3A_407, %sign3A_410 : i32
        %sign3A_412 = arith.constant 0 : i32
        %sign3A_413 = arith.cmpi sgt, %jit3A, %sign3A_412 : i32
        %sign3A_414 = arith.extui %sign3A_413 : i1 to i32
        %sign3A_415 = arith.constant 0 : i32
        %sign3A_416 = arith.cmpi slt, %jit3A, %sign3A_415 : i32
        %sign3A_417 = arith.extui %sign3A_416 : i1 to i32
        %sign3A_418 = arith.subi %sign3A_414, %sign3A_417 : i32
        %ne3A = arith.cmpi ne, %sign3A_411, %sign3A_418 : i32
        %rem3A = arith.remsi %scan3A_404, %jit3A : i32
        %ne3A_419 = arith.constant 0 : i32
        %ne3A_420 = arith.cmpi ne, %rem3A, %ne3A_419 : i32
        %and3A = arith.andi %ne3A, %ne3A_420 : i1
        %sub3A = arith.constant 1 : i32
        %sub3A_421 = arith.subi %div3A, %sub3A : i32
        %select_n3A = arith.select %and3A, %sub3A_421, %div3A : i32
        %mul3A_422 = arith.constant 8 : i32
        %mul3A_423 = arith.muli %select_n3A, %mul3A_422 : i32
        %sub3A_424 = arith.subi %scan3A_404, %mul3A_423 : i32
        %mul3A_425 = arith.constant 16 : i32
        %mul3A_426 = arith.muli %sub3A_424, %mul3A_425 : i32
        %get3A_427 = arith.constant 0 : i32
        %get3A_428 = arith.index_cast %get3A_427 : i32 to index
        %get3A_429 = arith.index_cast %select_n3A : i32 to index
        %get3A_430 = arith.index_cast %mul3A_426 : i32 to index
        %get3A_431 = tpu.vector_load %arg10[%get3A_428, %get3A_429, %get3A_430] {strides = array<i32>} : memref<2x64x128xf32, #tpu.memory_space<vmem>>, vector<16xf32>,
        %ge3A = arith.cmpf oge, %get3A_431, %get3A_101 : vector<16xf32>
        %reduce_or3A = arith.constant 1.000000e+00 : f32
        %reduce_or3A_432 = arith.constant 0.000000e+00 : f32
        %reduce_or3A_433 = vector.broadcast %reduce_or3A : f32 to vector<16xf32>
        %reduce_or3A_434 = vector.broadcast %reduce_or3A_432 : f32 to vector<16xf32>
        %reduce_or3A_435 = arith.select %ge3A, %reduce_or3A_433, %reduce_or3A_434 : vector<16xi1>, vector<16xf32>
        %reduce_or3A_436 = arith.constant true
        %reduce_or3A_437 = vector.broadcast %reduce_or3A_436 : i1 to vector<16xi1>
        %reduce_or3A_438 = tpu.scan <max>, %reduce_or3A_435 masked %reduce_or3A_437 : vector<16xf32>, vector<16xi1> -> vector<16xf32>
        %reduce_or3A_439 = vector.extract %reduce_or3A_438[15] : f32 from vector<16xf32>
        %reduce_or3A_440 = arith.constant 0.000000e+00 : f32
        %reduce_or3A_441 = arith.cmpf ogt, %reduce_or3A_439, %reduce_or3A_440 : f32
        %convert_element_type3A_442 = arith.extui %reduce_or3A_441 : i1 to i32
        %cond3A_443 = arith.constant 0 : i32
        %cond3A_444 = arith.cmpi ne, %convert_element_type3A_442, %cond3A_443 : i32
        scf.if %cond3A_444 {
          %jit3A_446 = arith.constant 1 : i32
          %jit3A_447 = arith.constant 0 : i32
          %broadcast_in_dim3A_448 = vector.broadcast %jit3A_446 : i32 to vector<16xi32>
          %broadcast_in_dim3A_449 = vector.broadcast %jit3A_447 : i32 to vector<16xi32>
          %select_n3A_450 = arith.select %ge3A, %broadcast_in_dim3A_448, %broadcast_in_dim3A_449 : vector<16xi1>, vector<16xi32>
          %broadcast_in_dim3A_451 = arith.constant true
          %broadcast_in_dim3A_452 = vector.broadcast %broadcast_in_dim3A_451 : i1 to vector<16xi1>
          %masked_cumsum3A = tpu.scan <sum>, %select_n3A_450 masked %broadcast_in_dim3A_452 : vector<16xi32>, vector<16xi1> -> vector<16xi32>
          %add3A_453 = arith.addi %scan3A_405, %masked_cumsum3A : vector<16xi32>
          %sub3A_454 = arith.constant 1 : i32
          %sub3A_455 = vector.broadcast %sub3A_454 : i32 to vector<16xi32>
          %sub3A_456 = arith.subi %add3A_453, %sub3A_455 : vector<16xi32>
          %min3A = arith.constant 255 : i32
          %min3A_457 = vector.broadcast %min3A : i32 to vector<16xi32>
          %min3A_458 = arith.minsi %sub3A_456, %min3A_457 : vector<16xi32>
          %mul3A_459 = arith.constant 16 : i32
          %mul3A_460 = arith.muli %scan3A_404, %mul3A_459 : i32
          %add3A_461 = vector.broadcast %mul3A_460 : i32 to vector<16xi32>
          %add3A_462 = arith.addi %add3A_461, %iota3A : vector<16xi32>
          tpu.vector_store_idx %arg11[%min3A_458], %get3A_431 masked %ge3A : memref<256xf32, #tpu.memory_space<vmem>>[vector<16xi32>], vector<16xf32>, vector<16xi1>
          tpu.vector_store_idx %arg12[%min3A_458], %add3A_462 masked %ge3A : memref<256xi32, #tpu.memory_space<vmem>>[vector<16xi32>], vector<16xi32>, vector<16xi1>
        } else {
        }
        %all_reduce_population_count3A = tpu.all_reduce %ge3A {dim = 0 : i64, kind = #tpu.reduction_kind<sum>} : vector<16xi1> -> vector<16xi32>
        %add3A_445 = arith.addi %scan3A_405, %all_reduce_population_count3A : vector<16xi32>
        scf.yield %add3A_445 : vector<16xi32>
      }
      %scan3A_236 = arith.constant 512 : i32
      "tpu.region"() ({
        %run_scoped3A = tpu.sem_alloc : memref<!tpu.dma_semaphore, #tpu.memory_space<semaphore_mem>>
        %dma_start3A_404 = arith.constant 0 : i32
        %dma_start3A_405 = tpu.memref_slice %arg5[%add3A_80, %dma_start3A_404] : memref<2048x256xf32, #tpu.memory_space<hbm>> -> memref<1x256xf32, #tpu.memory_space<hbm>>
        %dma_start3A_406 = tpu.memref_squeeze %dma_start3A_405 : memref<1x256xf32, #tpu.memory_space<hbm>> -> memref<256xf32, #tpu.memory_space<hbm>>
        %dma_start3A_407 = arith.constant 0 : i32
        %dma_start3A_408 = tpu.memref_slice %arg5[%add3A_80, %dma_start3A_407] : memref<2048x256xf32, #tpu.memory_space<hbm>> -> memref<1x256xf32, #tpu.memory_space<hbm>>
        %dma_start3A_409 = tpu.memref_squeeze %dma_start3A_408 : memref<1x256xf32, #tpu.memory_space<hbm>> -> memref<256xf32, #tpu.memory_space<hbm>>
        tpu.enqueue_dma source(%arg11 : memref<256xf32, #tpu.memory_space<vmem>>) target(%dma_start3A_409 : memref<256xf32, #tpu.memory_space<hbm>>) target_semaphore(%run_scoped3A : memref<!tpu.dma_semaphore, #tpu.memory_space<semaphore_mem>>)
        %dma_wait3A_410 = arith.constant 0 : i32
        %dma_wait3A_411 = tpu.memref_slice %arg5[%add3A_80, %dma_wait3A_410] : memref<2048x256xf32, #tpu.memory_space<hbm>> -> memref<1x256xf32, #tpu.memory_space<hbm>>
        %dma_wait3A_412 = tpu.memref_squeeze %dma_wait3A_411 : memref<1x256xf32, #tpu.memory_space<hbm>> -> memref<256xf32, #tpu.memory_space<hbm>>
        %dma_wait3A_413 = arith.constant 0 : i32
        %dma_wait3A_414 = tpu.memref_slice %arg5[%add3A_80, %dma_wait3A_413] : memref<2048x256xf32, #tpu.memory_space<hbm>> -> memref<1x256xf32, #tpu.memory_space<hbm>>
        %dma_wait3A_415 = tpu.memref_squeeze %dma_wait3A_414 : memref<1x256xf32, #tpu.memory_space<hbm>> -> memref<256xf32, #tpu.memory_space<hbm>>
        tpu.wait_dma2 semaphore(%run_scoped3A : memref<!tpu.dma_semaphore, #tpu.memory_space<semaphore_mem>>) src(%arg11 : memref<256xf32, #tpu.memory_space<vmem>>) dst(%dma_wait3A_415 : memref<256xf32, #tpu.memory_space<hbm>>)
        tpu.yield
      }) : () -> ()
      "tpu.region"() ({
        %run_scoped3A = tpu.sem_alloc : memref<!tpu.dma_semaphore, #tpu.memory_space<semaphore_mem>>
        %dma_start3A_404 = arith.constant 0 : i32
        %dma_start3A_405 = tpu.memref_slice %arg6[%add3A_80, %dma_start3A_404] : memref<2048x256xi32, #tpu.memory_space<hbm>> -> memref<1x256xi32, #tpu.memory_space<hbm>>
        %dma_start3A_406 = tpu.memref_squeeze %dma_start3A_405 : memref<1x256xi32, #tpu.memory_space<hbm>> -> memref<256xi32, #tpu.memory_space<hbm>>
        %dma_start3A_407 = arith.constant 0 : i32
        %dma_start3A_408 = tpu.memref_slice %arg6[%add3A_80, %dma_start3A_407] : memref<2048x256xi32, #tpu.memory_space<hbm>> -> memref<1x256xi32, #tpu.memory_space<hbm>>
        %dma_start3A_409 = tpu.memref_squeeze %dma_start3A_408 : memref<1x256xi32, #tpu.memory_space<hbm>> -> memref<256xi32, #tpu.memory_space<hbm>>
        tpu.enqueue_dma source(%arg12 : memref<256xi32, #tpu.memory_space<vmem>>) target(%dma_start3A_409 : memref<256xi32, #tpu.memory_space<hbm>>) target_semaphore(%run_scoped3A : memref<!tpu.dma_semaphore, #tpu.memory_space<semaphore_mem>>)
        %dma_wait3A_410 = arith.constant 0 : i32
        %dma_wait3A_411 = tpu.memref_slice %arg6[%add3A_80, %dma_wait3A_410] : memref<2048x256xi32, #tpu.memory_space<hbm>> -> memref<1x256xi32, #tpu.memory_space<hbm>>
        %dma_wait3A_412 = tpu.memref_squeeze %dma_wait3A_411 : memref<1x256xi32, #tpu.memory_space<hbm>> -> memref<256xi32, #tpu.memory_space<hbm>>
        %dma_wait3A_413 = arith.constant 0 : i32
        %dma_wait3A_414 = tpu.memref_slice %arg6[%add3A_80, %dma_wait3A_413] : memref<2048x256xi32, #tpu.memory_space<hbm>> -> memref<1x256xi32, #tpu.memory_space<hbm>>
        %dma_wait3A_415 = tpu.memref_squeeze %dma_wait3A_414 : memref<1x256xi32, #tpu.memory_space<hbm>> -> memref<256xi32, #tpu.memory_space<hbm>>
        tpu.wait_dma2 semaphore(%run_scoped3A : memref<!tpu.dma_semaphore, #tpu.memory_space<semaphore_mem>>) src(%arg12 : memref<256xi32, #tpu.memory_space<vmem>>) dst(%dma_wait3A_415 : memref<256xi32, #tpu.memory_space<hbm>>)
        tpu.yield
      }) : () -> ()
      %mul3A_237 = arith.constant 2 : i32
      %mul3A_238 = arith.muli %scan3A_74, %mul3A_237 : i32
      %add3A_239 = arith.constant 1 : i32
      %add3A_240 = arith.addi %mul3A_238, %add3A_239 : i32
      %add3A_241 = arith.addi %mul3A_2, %add3A_240 : i32
      %dma_wait3A_242 = arith.constant 1 : i32
      %dma_wait3A_243 = arith.constant 0 : i32
      %dma_wait3A_244 = arith.constant 0 : i32
      %dma_wait3A_245 = tpu.memref_slice %arg10[%dma_wait3A_242, %dma_wait3A_243, %dma_wait3A_244] : memref<2x64x128xf32, #tpu.memory_space<vmem>> -> memref<1x64x128xf32, #tpu.memory_space<vmem>>
      %dma_wait3A_246 = tpu.memref_squeeze %dma_wait3A_245 : memref<1x64x128xf32, #tpu.memory_space<vmem>> -> memref<64x128xf32, #tpu.memory_space<vmem>>
      %dma_wait3A_247 = arith.constant 0 : i32
      %dma_wait3A_248 = arith.constant 0 : i32
      %dma_wait3A_249 = tpu.memref_slice %arg2[%dma_wait3A_247, %dma_wait3A_248] : memref<1048576x128xf32, #tpu.memory_space<hbm>> -> memref<64x128xf32, #tpu.memory_space<hbm>>
      %dma_wait3A_250 = arith.constant 0 : i32
      %dma_wait3A_251 = arith.constant 0 : i32
      %dma_wait3A_252 = tpu.memref_slice %arg10[%dma_wait3A_242, %dma_wait3A_250, %dma_wait3A_251] : memref<2x64x128xf32, #tpu.memory_space<vmem>> -> memref<1x64x128xf32, #tpu.memory_space<vmem>>
      %dma_wait3A_253 = tpu.memref_squeeze %dma_wait3A_252 : memref<1x64x128xf32, #tpu.memory_space<vmem>> -> memref<64x128xf32, #tpu.memory_space<vmem>>
      %dma_wait3A_254 = arith.constant 0 : i32
      %dma_wait3A_255 = arith.constant 0 : i32
      %dma_wait3A_256 = tpu.memref_slice %arg2[%dma_wait3A_254, %dma_wait3A_255] : memref<1048576x128xf32, #tpu.memory_space<hbm>> -> memref<64x128xf32, #tpu.memory_space<hbm>>
      tpu.wait_dma2 semaphore(%arg14 : memref<!tpu.dma_semaphore, #tpu.memory_space<semaphore_mem>>) src(%dma_wait3A_256 : memref<64x128xf32, #tpu.memory_space<hbm>>) dst(%dma_wait3A_253 : memref<64x128xf32, #tpu.memory_space<vmem>>)
      %add3A_257 = arith.constant 1 : i32
      %add3A_258 = arith.addi %add3A_240, %add3A_257 : i32
      %lt3A_259 = arith.constant 64 : i32
      %lt3A_260 = arith.cmpi slt, %add3A_258, %lt3A_259 : i32
      %convert_element_type3A_261 = arith.extui %lt3A_260 : i1 to i32
      %cond3A_262 = arith.constant 0 : i32
      %cond3A_263 = arith.cmpi ne, %convert_element_type3A_261, %cond3A_262 : i32
      scf.if %cond3A_263 {
        %add3A_404 = arith.constant 1 : i32
        %add3A_405 = arith.addi %add3A_240, %add3A_404 : i32
        %get3A_406 = arith.index_cast %add3A_405 : i32 to index
        %get3A_407 = arith.constant 0 : index
        %get3A_408 = tpu.vector_load %arg7[%get3A_406, %get3A_407] {strides = array<i32>} : memref<64x64xi32, #tpu.memory_space<vmem>>, vector<16xi32>,
        %add3A_409 = arith.addi %mul3A_2, %add3A_405 : i32
        %mul3A_410 = arith.constant 512 : i32
        %mul3A_411 = arith.muli %add3A_409, %mul3A_410 : i32
        %add3A_412 = vector.broadcast %mul3A_411 : i32 to vector<16xi32>
        %add3A_413 = arith.addi %get3A_408, %add3A_412 : vector<16xi32>
        %swap3A_414 = arith.constant 0 : i32
        %swap3A_415 = arith.index_cast %swap3A_414 : i32 to index
        %swap3A_416 = arith.constant 0 : index
        %swap3A_417 = tpu.vector_load %arg9[%swap3A_415, %swap3A_416] {strides = array<i32>} : memref<2x64xi32, #tpu.memory_space<vmem>>, vector<16xi32>,
        tpu.vector_store %arg9[%swap3A_415, %swap3A_416], %add3A_413 {strides = array<i32>} : memref<2x64xi32, #tpu.memory_space<vmem>>, vector<16xi32>,
        %get3A_418 = arith.index_cast %add3A_405 : i32 to index
        %get3A_419 = arith.constant 16 : index
        %get3A_420 = tpu.vector_load %arg7[%get3A_418, %get3A_419] {strides = array<i32>} : memref<64x64xi32, #tpu.memory_space<vmem>>, vector<16xi32>,
        %add3A_421 = arith.addi %mul3A_2, %add3A_405 : i32
        %mul3A_422 = arith.constant 512 : i32
        %mul3A_423 = arith.muli %add3A_421, %mul3A_422 : i32
        %add3A_424 = vector.broadcast %mul3A_423 : i32 to vector<16xi32>
        %add3A_425 = arith.addi %get3A_420, %add3A_424 : vector<16xi32>
        %swap3A_426 = arith.constant 0 : i32
        %swap3A_427 = arith.index_cast %swap3A_426 : i32 to index
        %swap3A_428 = arith.constant 16 : index
        %swap3A_429 = tpu.vector_load %arg9[%swap3A_427, %swap3A_428] {strides = array<i32>} : memref<2x64xi32, #tpu.memory_space<vmem>>, vector<16xi32>,
        tpu.vector_store %arg9[%swap3A_427, %swap3A_428], %add3A_425 {strides = array<i32>} : memref<2x64xi32, #tpu.memory_space<vmem>>, vector<16xi32>,
        %get3A_430 = arith.index_cast %add3A_405 : i32 to index
        %get3A_431 = arith.constant 32 : index
        %get3A_432 = tpu.vector_load %arg7[%get3A_430, %get3A_431] {strides = array<i32>} : memref<64x64xi32, #tpu.memory_space<vmem>>, vector<16xi32>,
        %add3A_433 = arith.addi %mul3A_2, %add3A_405 : i32
        %mul3A_434 = arith.constant 512 : i32
        %mul3A_435 = arith.muli %add3A_433, %mul3A_434 : i32
        %add3A_436 = vector.broadcast %mul3A_435 : i32 to vector<16xi32>
        %add3A_437 = arith.addi %get3A_432, %add3A_436 : vector<16xi32>
        %swap3A_438 = arith.constant 0 : i32
        %swap3A_439 = arith.index_cast %swap3A_438 : i32 to index
        %swap3A_440 = arith.constant 32 : index
        %swap3A_441 = tpu.vector_load %arg9[%swap3A_439, %swap3A_440] {strides = array<i32>} : memref<2x64xi32, #tpu.memory_space<vmem>>, vector<16xi32>,
        tpu.vector_store %arg9[%swap3A_439, %swap3A_440], %add3A_437 {strides = array<i32>} : memref<2x64xi32, #tpu.memory_space<vmem>>, vector<16xi32>,
        %get3A_442 = arith.index_cast %add3A_405 : i32 to index
        %get3A_443 = arith.constant 48 : index
        %get3A_444 = tpu.vector_load %arg7[%get3A_442, %get3A_443] {strides = array<i32>} : memref<64x64xi32, #tpu.memory_space<vmem>>, vector<16xi32>,
        %add3A_445 = arith.addi %mul3A_2, %add3A_405 : i32
        %mul3A_446 = arith.constant 512 : i32
        %mul3A_447 = arith.muli %add3A_445, %mul3A_446 : i32
        %add3A_448 = vector.broadcast %mul3A_447 : i32 to vector<16xi32>
        %add3A_449 = arith.addi %get3A_444, %add3A_448 : vector<16xi32>
        %swap3A_450 = arith.constant 0 : i32
        %swap3A_451 = arith.index_cast %swap3A_450 : i32 to index
        %swap3A_452 = arith.constant 48 : index
        %swap3A_453 = tpu.vector_load %arg9[%swap3A_451, %swap3A_452] {strides = array<i32>} : memref<2x64xi32, #tpu.memory_space<vmem>>, vector<16xi32>,
        tpu.vector_store %arg9[%swap3A_451, %swap3A_452], %add3A_449 {strides = array<i32>} : memref<2x64xi32, #tpu.memory_space<vmem>>, vector<16xi32>,
        %dma_start3A_454 = arith.constant 0 : i32
        %dma_start3A_455 = arith.constant 0 : i32
        %dma_start3A_456 = arith.constant 0 : i32
        %dma_start3A_457 = arith.constant 0 : i32
        %dma_start3A_458 = tpu.memref_slice %arg10[%dma_start3A_455, %dma_start3A_456, %dma_start3A_457] : memref<2x64x128xf32, #tpu.memory_space<vmem>> -> memref<1x64x128xf32, #tpu.memory_space<vmem>>
        %dma_start3A_459 = tpu.memref_squeeze %dma_start3A_458 : memref<1x64x128xf32, #tpu.memory_space<vmem>> -> memref<64x128xf32, #tpu.memory_space<vmem>>
        %dma_start3A_460 = arith.constant 0 : i32
        %dma_start3A_461 = tpu.memref_slice %arg9[%dma_start3A_454, %dma_start3A_460] : memref<2x64xi32, #tpu.memory_space<vmem>> -> memref<1x64xi32, #tpu.memory_space<vmem>>
        %dma_start3A_462 = tpu.memref_squeeze %dma_start3A_461 : memref<1x64xi32, #tpu.memory_space<vmem>> -> memref<64xi32, #tpu.memory_space<vmem>>
        %dma_start3A_463 = arith.constant 0 : i32
        %dma_start3A_464 = arith.constant 0 : i32
        %dma_start3A_465 = tpu.memref_slice %arg2[%dma_start3A_463, %dma_start3A_464] : memref<1048576x128xf32, #tpu.memory_space<hbm>> -> memref<1048576x128xf32, #tpu.memory_space<hbm>>
        tpu.enqueue_indirect_dma source(%dma_start3A_465 : memref<1048576x128xf32, #tpu.memory_space<hbm>>) target(%dma_start3A_459 : memref<64x128xf32, #tpu.memory_space<vmem>>) offsets(%dma_start3A_462 : memref<64xi32, #tpu.memory_space<vmem>>) semaphore(%arg13 : memref<!tpu.dma_semaphore, #tpu.memory_space<semaphore_mem>>)
      } else {
      }
      %get3A_264 = arith.index_cast %add3A_240 : i32 to index
      %get3A_265 = arith.constant 0 : index
      %get3A_266 = tpu.vector_load %arg8[%get3A_264, %get3A_265] {strides = array<i32>} : memref<64x16xf32, #tpu.memory_space<vmem>>, vector<16xf32>,
      %broadcast_in_dim3A_267 = arith.constant -1.000000e+30 : f32
      %broadcast_in_dim3A_268 = vector.broadcast %broadcast_in_dim3A_267 : f32 to vector<16xf32>
      %swap3A_269 = arith.constant 0 : index
      %swap3A_270 = tpu.vector_load %arg11[%swap3A_269] {strides = array<i32>} : memref<256xf32, #tpu.memory_space<vmem>>, vector<16xf32>,
      tpu.vector_store %arg11[%swap3A_269], %broadcast_in_dim3A_268 {strides = array<i32>} : memref<256xf32, #tpu.memory_space<vmem>>, vector<16xf32>,
      %broadcast_in_dim3A_271 = arith.constant 0 : i32
      %broadcast_in_dim3A_272 = vector.broadcast %broadcast_in_dim3A_271 : i32 to vector<16xi32>
      %swap3A_273 = arith.constant 0 : index
      %swap3A_274 = tpu.vector_load %arg12[%swap3A_273] {strides = array<i32>} : memref<256xi32, #tpu.memory_space<vmem>>, vector<16xi32>,
      tpu.vector_store %arg12[%swap3A_273], %broadcast_in_dim3A_272 {strides = array<i32>} : memref<256xi32, #tpu.memory_space<vmem>>, vector<16xi32>,
      %broadcast_in_dim3A_275 = arith.constant -1.000000e+30 : f32
      %broadcast_in_dim3A_276 = vector.broadcast %broadcast_in_dim3A_275 : f32 to vector<16xf32>
      %swap3A_277 = arith.constant 16 : index
      %swap3A_278 = tpu.vector_load %arg11[%swap3A_277] {strides = array<i32>} : memref<256xf32, #tpu.memory_space<vmem>>, vector<16xf32>,
      tpu.vector_store %arg11[%swap3A_277], %broadcast_in_dim3A_276 {strides = array<i32>} : memref<256xf32, #tpu.memory_space<vmem>>, vector<16xf32>,
      %broadcast_in_dim3A_279 = arith.constant 0 : i32
      %broadcast_in_dim3A_280 = vector.broadcast %broadcast_in_dim3A_279 : i32 to vector<16xi32>
      %swap3A_281 = arith.constant 16 : index
      %swap3A_282 = tpu.vector_load %arg12[%swap3A_281] {strides = array<i32>} : memref<256xi32, #tpu.memory_space<vmem>>, vector<16xi32>,
      tpu.vector_store %arg12[%swap3A_281], %broadcast_in_dim3A_280 {strides = array<i32>} : memref<256xi32, #tpu.memory_space<vmem>>, vector<16xi32>,
      %broadcast_in_dim3A_283 = arith.constant -1.000000e+30 : f32
      %broadcast_in_dim3A_284 = vector.broadcast %broadcast_in_dim3A_283 : f32 to vector<16xf32>
      %swap3A_285 = arith.constant 32 : index
      %swap3A_286 = tpu.vector_load %arg11[%swap3A_285] {strides = array<i32>} : memref<256xf32, #tpu.memory_space<vmem>>, vector<16xf32>,
      tpu.vector_store %arg11[%swap3A_285], %broadcast_in_dim3A_284 {strides = array<i32>} : memref<256xf32, #tpu.memory_space<vmem>>, vector<16xf32>,
      %broadcast_in_dim3A_287 = arith.constant 0 : i32
      %broadcast_in_dim3A_288 = vector.broadcast %broadcast_in_dim3A_287 : i32 to vector<16xi32>
      %swap3A_289 = arith.constant 32 : index
      %swap3A_290 = tpu.vector_load %arg12[%swap3A_289] {strides = array<i32>} : memref<256xi32, #tpu.memory_space<vmem>>, vector<16xi32>,
      tpu.vector_store %arg12[%swap3A_289], %broadcast_in_dim3A_288 {strides = array<i32>} : memref<256xi32, #tpu.memory_space<vmem>>, vector<16xi32>,
      %broadcast_in_dim3A_291 = arith.constant -1.000000e+30 : f32
      %broadcast_in_dim3A_292 = vector.broadcast %broadcast_in_dim3A_291 : f32 to vector<16xf32>
      %swap3A_293 = arith.constant 48 : index
      %swap3A_294 = tpu.vector_load %arg11[%swap3A_293] {strides = array<i32>} : memref<256xf32, #tpu.memory_space<vmem>>, vector<16xf32>,
      tpu.vector_store %arg11[%swap3A_293], %broadcast_in_dim3A_292 {strides = array<i32>} : memref<256xf32, #tpu.memory_space<vmem>>, vector<16xf32>,
      %broadcast_in_dim3A_295 = arith.constant 0 : i32
      %broadcast_in_dim3A_296 = vector.broadcast %broadcast_in_dim3A_295 : i32 to vector<16xi32>
      %swap3A_297 = arith.constant 48 : index
      %swap3A_298 = tpu.vector_load %arg12[%swap3A_297] {strides = array<i32>} : memref<256xi32, #tpu.memory_space<vmem>>, vector<16xi32>,
      tpu.vector_store %arg12[%swap3A_297], %broadcast_in_dim3A_296 {strides = array<i32>} : memref<256xi32, #tpu.memory_space<vmem>>, vector<16xi32>,
      %broadcast_in_dim3A_299 = arith.constant -1.000000e+30 : f32
      %broadcast_in_dim3A_300 = vector.broadcast %broadcast_in_dim3A_299 : f32 to vector<16xf32>
      %swap3A_301 = arith.constant 64 : index
      %swap3A_302 = tpu.vector_load %arg11[%swap3A_301] {strides = array<i32>} : memref<256xf32, #tpu.memory_space<vmem>>, vector<16xf32>,
      tpu.vector_store %arg11[%swap3A_301], %broadcast_in_dim3A_300 {strides = array<i32>} : memref<256xf32, #tpu.memory_space<vmem>>, vector<16xf32>,
      %broadcast_in_dim3A_303 = arith.constant 0 : i32
      %broadcast_in_dim3A_304 = vector.broadcast %broadcast_in_dim3A_303 : i32 to vector<16xi32>
      %swap3A_305 = arith.constant 64 : index
      %swap3A_306 = tpu.vector_load %arg12[%swap3A_305] {strides = array<i32>} : memref<256xi32, #tpu.memory_space<vmem>>, vector<16xi32>,
      tpu.vector_store %arg12[%swap3A_305], %broadcast_in_dim3A_304 {strides = array<i32>} : memref<256xi32, #tpu.memory_space<vmem>>, vector<16xi32>,
      %broadcast_in_dim3A_307 = arith.constant -1.000000e+30 : f32
      %broadcast_in_dim3A_308 = vector.broadcast %broadcast_in_dim3A_307 : f32 to vector<16xf32>
      %swap3A_309 = arith.constant 80 : index
      %swap3A_310 = tpu.vector_load %arg11[%swap3A_309] {strides = array<i32>} : memref<256xf32, #tpu.memory_space<vmem>>, vector<16xf32>,
      tpu.vector_store %arg11[%swap3A_309], %broadcast_in_dim3A_308 {strides = array<i32>} : memref<256xf32, #tpu.memory_space<vmem>>, vector<16xf32>,
      %broadcast_in_dim3A_311 = arith.constant 0 : i32
      %broadcast_in_dim3A_312 = vector.broadcast %broadcast_in_dim3A_311 : i32 to vector<16xi32>
      %swap3A_313 = arith.constant 80 : index
      %swap3A_314 = tpu.vector_load %arg12[%swap3A_313] {strides = array<i32>} : memref<256xi32, #tpu.memory_space<vmem>>, vector<16xi32>,
      tpu.vector_store %arg12[%swap3A_313], %broadcast_in_dim3A_312 {strides = array<i32>} : memref<256xi32, #tpu.memory_space<vmem>>, vector<16xi32>,
      %broadcast_in_dim3A_315 = arith.constant -1.000000e+30 : f32
      %broadcast_in_dim3A_316 = vector.broadcast %broadcast_in_dim3A_315 : f32 to vector<16xf32>
      %swap3A_317 = arith.constant 96 : index
      %swap3A_318 = tpu.vector_load %arg11[%swap3A_317] {strides = array<i32>} : memref<256xf32, #tpu.memory_space<vmem>>, vector<16xf32>,
      tpu.vector_store %arg11[%swap3A_317], %broadcast_in_dim3A_316 {strides = array<i32>} : memref<256xf32, #tpu.memory_space<vmem>>, vector<16xf32>,
      %broadcast_in_dim3A_319 = arith.constant 0 : i32
      %broadcast_in_dim3A_320 = vector.broadcast %broadcast_in_dim3A_319 : i32 to vector<16xi32>
      %swap3A_321 = arith.constant 96 : index
      %swap3A_322 = tpu.vector_load %arg12[%swap3A_321] {strides = array<i32>} : memref<256xi32, #tpu.memory_space<vmem>>, vector<16xi32>,
      tpu.vector_store %arg12[%swap3A_321], %broadcast_in_dim3A_320 {strides = array<i32>} : memref<256xi32, #tpu.memory_space<vmem>>, vector<16xi32>,
      %broadcast_in_dim3A_323 = arith.constant -1.000000e+30 : f32
      %broadcast_in_dim3A_324 = vector.broadcast %broadcast_in_dim3A_323 : f32 to vector<16xf32>
      %swap3A_325 = arith.constant 112 : index
      %swap3A_326 = tpu.vector_load %arg11[%swap3A_325] {strides = array<i32>} : memref<256xf32, #tpu.memory_space<vmem>>, vector<16xf32>,
      tpu.vector_store %arg11[%swap3A_325], %broadcast_in_dim3A_324 {strides = array<i32>} : memref<256xf32, #tpu.memory_space<vmem>>, vector<16xf32>,
      %broadcast_in_dim3A_327 = arith.constant 0 : i32
      %broadcast_in_dim3A_328 = vector.broadcast %broadcast_in_dim3A_327 : i32 to vector<16xi32>
      %swap3A_329 = arith.constant 112 : index
      %swap3A_330 = tpu.vector_load %arg12[%swap3A_329] {strides = array<i32>} : memref<256xi32, #tpu.memory_space<vmem>>, vector<16xi32>,
      tpu.vector_store %arg12[%swap3A_329], %broadcast_in_dim3A_328 {strides = array<i32>} : memref<256xi32, #tpu.memory_space<vmem>>, vector<16xi32>,
      %broadcast_in_dim3A_331 = arith.constant -1.000000e+30 : f32
      %broadcast_in_dim3A_332 = vector.broadcast %broadcast_in_dim3A_331 : f32 to vector<16xf32>
      %swap3A_333 = arith.constant 128 : index
      %swap3A_334 = tpu.vector_load %arg11[%swap3A_333] {strides = array<i32>} : memref<256xf32, #tpu.memory_space<vmem>>, vector<16xf32>,
      tpu.vector_store %arg11[%swap3A_333], %broadcast_in_dim3A_332 {strides = array<i32>} : memref<256xf32, #tpu.memory_space<vmem>>, vector<16xf32>,
      %broadcast_in_dim3A_335 = arith.constant 0 : i32
      %broadcast_in_dim3A_336 = vector.broadcast %broadcast_in_dim3A_335 : i32 to vector<16xi32>
      %swap3A_337 = arith.constant 128 : index
      %swap3A_338 = tpu.vector_load %arg12[%swap3A_337] {strides = array<i32>} : memref<256xi32, #tpu.memory_space<vmem>>, vector<16xi32>,
      tpu.vector_store %arg12[%swap3A_337], %broadcast_in_dim3A_336 {strides = array<i32>} : memref<256xi32, #tpu.memory_space<vmem>>, vector<16xi32>,
      %broadcast_in_dim3A_339 = arith.constant -1.000000e+30 : f32
      %broadcast_in_dim3A_340 = vector.broadcast %broadcast_in_dim3A_339 : f32 to vector<16xf32>
      %swap3A_341 = arith.constant 144 : index
      %swap3A_342 = tpu.vector_load %arg11[%swap3A_341] {strides = array<i32>} : memref<256xf32, #tpu.memory_space<vmem>>, vector<16xf32>,
      tpu.vector_store %arg11[%swap3A_341], %broadcast_in_dim3A_340 {strides = array<i32>} : memref<256xf32, #tpu.memory_space<vmem>>, vector<16xf32>,
      %broadcast_in_dim3A_343 = arith.constant 0 : i32
      %broadcast_in_dim3A_344 = vector.broadcast %broadcast_in_dim3A_343 : i32 to vector<16xi32>
      %swap3A_345 = arith.constant 144 : index
      %swap3A_346 = tpu.vector_load %arg12[%swap3A_345] {strides = array<i32>} : memref<256xi32, #tpu.memory_space<vmem>>, vector<16xi32>,
      tpu.vector_store %arg12[%swap3A_345], %broadcast_in_dim3A_344 {strides = array<i32>} : memref<256xi32, #tpu.memory_space<vmem>>, vector<16xi32>,
      %broadcast_in_dim3A_347 = arith.constant -1.000000e+30 : f32
      %broadcast_in_dim3A_348 = vector.broadcast %broadcast_in_dim3A_347 : f32 to vector<16xf32>
      %swap3A_349 = arith.constant 160 : index
      %swap3A_350 = tpu.vector_load %arg11[%swap3A_349] {strides = array<i32>} : memref<256xf32, #tpu.memory_space<vmem>>, vector<16xf32>,
      tpu.vector_store %arg11[%swap3A_349], %broadcast_in_dim3A_348 {strides = array<i32>} : memref<256xf32, #tpu.memory_space<vmem>>, vector<16xf32>,
      %broadcast_in_dim3A_351 = arith.constant 0 : i32
      %broadcast_in_dim3A_352 = vector.broadcast %broadcast_in_dim3A_351 : i32 to vector<16xi32>
      %swap3A_353 = arith.constant 160 : index
      %swap3A_354 = tpu.vector_load %arg12[%swap3A_353] {strides = array<i32>} : memref<256xi32, #tpu.memory_space<vmem>>, vector<16xi32>,
      tpu.vector_store %arg12[%swap3A_353], %broadcast_in_dim3A_352 {strides = array<i32>} : memref<256xi32, #tpu.memory_space<vmem>>, vector<16xi32>,
      %broadcast_in_dim3A_355 = arith.constant -1.000000e+30 : f32
      %broadcast_in_dim3A_356 = vector.broadcast %broadcast_in_dim3A_355 : f32 to vector<16xf32>
      %swap3A_357 = arith.constant 176 : index
      %swap3A_358 = tpu.vector_load %arg11[%swap3A_357] {strides = array<i32>} : memref<256xf32, #tpu.memory_space<vmem>>, vector<16xf32>,
      tpu.vector_store %arg11[%swap3A_357], %broadcast_in_dim3A_356 {strides = array<i32>} : memref<256xf32, #tpu.memory_space<vmem>>, vector<16xf32>,
      %broadcast_in_dim3A_359 = arith.constant 0 : i32
      %broadcast_in_dim3A_360 = vector.broadcast %broadcast_in_dim3A_359 : i32 to vector<16xi32>
      %swap3A_361 = arith.constant 176 : index
      %swap3A_362 = tpu.vector_load %arg12[%swap3A_361] {strides = array<i32>} : memref<256xi32, #tpu.memory_space<vmem>>, vector<16xi32>,
      tpu.vector_store %arg12[%swap3A_361], %broadcast_in_dim3A_360 {strides = array<i32>} : memref<256xi32, #tpu.memory_space<vmem>>, vector<16xi32>,
      %broadcast_in_dim3A_363 = arith.constant -1.000000e+30 : f32
      %broadcast_in_dim3A_364 = vector.broadcast %broadcast_in_dim3A_363 : f32 to vector<16xf32>
      %swap3A_365 = arith.constant 192 : index
      %swap3A_366 = tpu.vector_load %arg11[%swap3A_365] {strides = array<i32>} : memref<256xf32, #tpu.memory_space<vmem>>, vector<16xf32>,
      tpu.vector_store %arg11[%swap3A_365], %broadcast_in_dim3A_364 {strides = array<i32>} : memref<256xf32, #tpu.memory_space<vmem>>, vector<16xf32>,
      %broadcast_in_dim3A_367 = arith.constant 0 : i32
      %broadcast_in_dim3A_368 = vector.broadcast %broadcast_in_dim3A_367 : i32 to vector<16xi32>
      %swap3A_369 = arith.constant 192 : index
      %swap3A_370 = tpu.vector_load %arg12[%swap3A_369] {strides = array<i32>} : memref<256xi32, #tpu.memory_space<vmem>>, vector<16xi32>,
      tpu.vector_store %arg12[%swap3A_369], %broadcast_in_dim3A_368 {strides = array<i32>} : memref<256xi32, #tpu.memory_space<vmem>>, vector<16xi32>,
      %broadcast_in_dim3A_371 = arith.constant -1.000000e+30 : f32
      %broadcast_in_dim3A_372 = vector.broadcast %broadcast_in_dim3A_371 : f32 to vector<16xf32>
      %swap3A_373 = arith.constant 208 : index
      %swap3A_374 = tpu.vector_load %arg11[%swap3A_373] {strides = array<i32>} : memref<256xf32, #tpu.memory_space<vmem>>, vector<16xf32>,
      tpu.vector_store %arg11[%swap3A_373], %broadcast_in_dim3A_372 {strides = array<i32>} : memref<256xf32, #tpu.memory_space<vmem>>, vector<16xf32>,
      %broadcast_in_dim3A_375 = arith.constant 0 : i32
      %broadcast_in_dim3A_376 = vector.broadcast %broadcast_in_dim3A_375 : i32 to vector<16xi32>
      %swap3A_377 = arith.constant 208 : index
      %swap3A_378 = tpu.vector_load %arg12[%swap3A_377] {strides = array<i32>} : memref<256xi32, #tpu.memory_space<vmem>>, vector<16xi32>,
      tpu.vector_store %arg12[%swap3A_377], %broadcast_in_dim3A_376 {strides = array<i32>} : memref<256xi32, #tpu.memory_space<vmem>>, vector<16xi32>,
      %broadcast_in_dim3A_379 = arith.constant -1.000000e+30 : f32
      %broadcast_in_dim3A_380 = vector.broadcast %broadcast_in_dim3A_379 : f32 to vector<16xf32>
      %swap3A_381 = arith.constant 224 : index
      %swap3A_382 = tpu.vector_load %arg11[%swap3A_381] {strides = array<i32>} : memref<256xf32, #tpu.memory_space<vmem>>, vector<16xf32>,
      tpu.vector_store %arg11[%swap3A_381], %broadcast_in_dim3A_380 {strides = array<i32>} : memref<256xf32, #tpu.memory_space<vmem>>, vector<16xf32>,
      %broadcast_in_dim3A_383 = arith.constant 0 : i32
      %broadcast_in_dim3A_384 = vector.broadcast %broadcast_in_dim3A_383 : i32 to vector<16xi32>
      %swap3A_385 = arith.constant 224 : index
      %swap3A_386 = tpu.vector_load %arg12[%swap3A_385] {strides = array<i32>} : memref<256xi32, #tpu.memory_space<vmem>>, vector<16xi32>,
      tpu.vector_store %arg12[%swap3A_385], %broadcast_in_dim3A_384 {strides = array<i32>} : memref<256xi32, #tpu.memory_space<vmem>>, vector<16xi32>,
      %broadcast_in_dim3A_387 = arith.constant -1.000000e+30 : f32
      %broadcast_in_dim3A_388 = vector.broadcast %broadcast_in_dim3A_387 : f32 to vector<16xf32>
      %swap3A_389 = arith.constant 240 : index
      %swap3A_390 = tpu.vector_load %arg11[%swap3A_389] {strides = array<i32>} : memref<256xf32, #tpu.memory_space<vmem>>, vector<16xf32>,
      tpu.vector_store %arg11[%swap3A_389], %broadcast_in_dim3A_388 {strides = array<i32>} : memref<256xf32, #tpu.memory_space<vmem>>, vector<16xf32>,
      %broadcast_in_dim3A_391 = arith.constant 0 : i32
      %broadcast_in_dim3A_392 = vector.broadcast %broadcast_in_dim3A_391 : i32 to vector<16xi32>
      %swap3A_393 = arith.constant 240 : index
      %swap3A_394 = tpu.vector_load %arg12[%swap3A_393] {strides = array<i32>} : memref<256xi32, #tpu.memory_space<vmem>>, vector<16xi32>,
      tpu.vector_store %arg12[%swap3A_393], %broadcast_in_dim3A_392 {strides = array<i32>} : memref<256xi32, #tpu.memory_space<vmem>>, vector<16xi32>,
      %broadcast_in_dim3A_395 = arith.constant 0 : i32
      %broadcast_in_dim3A_396 = vector.broadcast %broadcast_in_dim3A_395 : i32 to vector<16xi32>
      %scan3A_397 = arith.constant 0 : i32
      %scan3A_398 = arith.constant 512 : i32
      %scan3A_399 = arith.addi %scan3A_397, %scan3A_398 : i32
      %scan3A_400 = arith.constant 1 : i32
      %scan3A_401 = scf.for %scan3A_404 = %scan3A_397 to %scan3A_399 step %scan3A_400 iter_args(%scan3A_405 = %broadcast_in_dim3A_396) -> (vector<16xi32>)  : i32 {
        %jit3A = arith.constant 8 : i32
        %div3A = arith.divsi %scan3A_404, %jit3A : i32
        %sign3A = arith.constant 0 : i32
        %sign3A_406 = arith.cmpi sgt, %scan3A_404, %sign3A : i32
        %sign3A_407 = arith.extui %sign3A_406 : i1 to i32
        %sign3A_408 = arith.constant 0 : i32
        %sign3A_409 = arith.cmpi slt, %scan3A_404, %sign3A_408 : i32
        %sign3A_410 = arith.extui %sign3A_409 : i1 to i32
        %sign3A_411 = arith.subi %sign3A_407, %sign3A_410 : i32
        %sign3A_412 = arith.constant 0 : i32
        %sign3A_413 = arith.cmpi sgt, %jit3A, %sign3A_412 : i32
        %sign3A_414 = arith.extui %sign3A_413 : i1 to i32
        %sign3A_415 = arith.constant 0 : i32
        %sign3A_416 = arith.cmpi slt, %jit3A, %sign3A_415 : i32
        %sign3A_417 = arith.extui %sign3A_416 : i1 to i32
        %sign3A_418 = arith.subi %sign3A_414, %sign3A_417 : i32
        %ne3A = arith.cmpi ne, %sign3A_411, %sign3A_418 : i32
        %rem3A = arith.remsi %scan3A_404, %jit3A : i32
        %ne3A_419 = arith.constant 0 : i32
        %ne3A_420 = arith.cmpi ne, %rem3A, %ne3A_419 : i32
        %and3A = arith.andi %ne3A, %ne3A_420 : i1
        %sub3A = arith.constant 1 : i32
        %sub3A_421 = arith.subi %div3A, %sub3A : i32
        %select_n3A = arith.select %and3A, %sub3A_421, %div3A : i32
        %mul3A_422 = arith.constant 8 : i32
        %mul3A_423 = arith.muli %select_n3A, %mul3A_422 : i32
        %sub3A_424 = arith.subi %scan3A_404, %mul3A_423 : i32
        %mul3A_425 = arith.constant 16 : i32
        %mul3A_426 = arith.muli %sub3A_424, %mul3A_425 : i32
        %get3A_427 = arith.constant 1 : i32
        %get3A_428 = arith.index_cast %get3A_427 : i32 to index
        %get3A_429 = arith.index_cast %select_n3A : i32 to index
        %get3A_430 = arith.index_cast %mul3A_426 : i32 to index
        %get3A_431 = tpu.vector_load %arg10[%get3A_428, %get3A_429, %get3A_430] {strides = array<i32>} : memref<2x64x128xf32, #tpu.memory_space<vmem>>, vector<16xf32>,
        %ge3A = arith.cmpf oge, %get3A_431, %get3A_266 : vector<16xf32>
        %reduce_or3A = arith.constant 1.000000e+00 : f32
        %reduce_or3A_432 = arith.constant 0.000000e+00 : f32
        %reduce_or3A_433 = vector.broadcast %reduce_or3A : f32 to vector<16xf32>
        %reduce_or3A_434 = vector.broadcast %reduce_or3A_432 : f32 to vector<16xf32>
        %reduce_or3A_435 = arith.select %ge3A, %reduce_or3A_433, %reduce_or3A_434 : vector<16xi1>, vector<16xf32>
        %reduce_or3A_436 = arith.constant true
        %reduce_or3A_437 = vector.broadcast %reduce_or3A_436 : i1 to vector<16xi1>
        %reduce_or3A_438 = tpu.scan <max>, %reduce_or3A_435 masked %reduce_or3A_437 : vector<16xf32>, vector<16xi1> -> vector<16xf32>
        %reduce_or3A_439 = vector.extract %reduce_or3A_438[15] : f32 from vector<16xf32>
        %reduce_or3A_440 = arith.constant 0.000000e+00 : f32
        %reduce_or3A_441 = arith.cmpf ogt, %reduce_or3A_439, %reduce_or3A_440 : f32
        %convert_element_type3A_442 = arith.extui %reduce_or3A_441 : i1 to i32
        %cond3A_443 = arith.constant 0 : i32
        %cond3A_444 = arith.cmpi ne, %convert_element_type3A_442, %cond3A_443 : i32
        scf.if %cond3A_444 {
          %jit3A_446 = arith.constant 1 : i32
          %jit3A_447 = arith.constant 0 : i32
          %broadcast_in_dim3A_448 = vector.broadcast %jit3A_446 : i32 to vector<16xi32>
          %broadcast_in_dim3A_449 = vector.broadcast %jit3A_447 : i32 to vector<16xi32>
          %select_n3A_450 = arith.select %ge3A, %broadcast_in_dim3A_448, %broadcast_in_dim3A_449 : vector<16xi1>, vector<16xi32>
          %broadcast_in_dim3A_451 = arith.constant true
          %broadcast_in_dim3A_452 = vector.broadcast %broadcast_in_dim3A_451 : i1 to vector<16xi1>
          %masked_cumsum3A = tpu.scan <sum>, %select_n3A_450 masked %broadcast_in_dim3A_452 : vector<16xi32>, vector<16xi1> -> vector<16xi32>
          %add3A_453 = arith.addi %scan3A_405, %masked_cumsum3A : vector<16xi32>
          %sub3A_454 = arith.constant 1 : i32
          %sub3A_455 = vector.broadcast %sub3A_454 : i32 to vector<16xi32>
          %sub3A_456 = arith.subi %add3A_453, %sub3A_455 : vector<16xi32>
          %min3A = arith.constant 255 : i32
          %min3A_457 = vector.broadcast %min3A : i32 to vector<16xi32>
          %min3A_458 = arith.minsi %sub3A_456, %min3A_457 : vector<16xi32>
          %mul3A_459 = arith.constant 16 : i32
          %mul3A_460 = arith.muli %scan3A_404, %mul3A_459 : i32
          %add3A_461 = vector.broadcast %mul3A_460 : i32 to vector<16xi32>
          %add3A_462 = arith.addi %add3A_461, %iota3A : vector<16xi32>
          tpu.vector_store_idx %arg11[%min3A_458], %get3A_431 masked %ge3A : memref<256xf32, #tpu.memory_space<vmem>>[vector<16xi32>], vector<16xf32>, vector<16xi1>
          tpu.vector_store_idx %arg12[%min3A_458], %add3A_462 masked %ge3A : memref<256xi32, #tpu.memory_space<vmem>>[vector<16xi32>], vector<16xi32>, vector<16xi1>
        } else {
        }
        %all_reduce_population_count3A = tpu.all_reduce %ge3A {dim = 0 : i64, kind = #tpu.reduction_kind<sum>} : vector<16xi1> -> vector<16xi32>
        %add3A_445 = arith.addi %scan3A_405, %all_reduce_population_count3A : vector<16xi32>
        scf.yield %add3A_445 : vector<16xi32>
      }
      %scan3A_402 = arith.constant 512 : i32
      "tpu.region"() ({
        %run_scoped3A = tpu.sem_alloc : memref<!tpu.dma_semaphore, #tpu.memory_space<semaphore_mem>>
        %dma_start3A_404 = arith.constant 0 : i32
        %dma_start3A_405 = tpu.memref_slice %arg5[%add3A_241, %dma_start3A_404] : memref<2048x256xf32, #tpu.memory_space<hbm>> -> memref<1x256xf32, #tpu.memory_space<hbm>>
        %dma_start3A_406 = tpu.memref_squeeze %dma_start3A_405 : memref<1x256xf32, #tpu.memory_space<hbm>> -> memref<256xf32, #tpu.memory_space<hbm>>
        %dma_start3A_407 = arith.constant 0 : i32
        %dma_start3A_408 = tpu.memref_slice %arg5[%add3A_241, %dma_start3A_407] : memref<2048x256xf32, #tpu.memory_space<hbm>> -> memref<1x256xf32, #tpu.memory_space<hbm>>
        %dma_start3A_409 = tpu.memref_squeeze %dma_start3A_408 : memref<1x256xf32, #tpu.memory_space<hbm>> -> memref<256xf32, #tpu.memory_space<hbm>>
        tpu.enqueue_dma source(%arg11 : memref<256xf32, #tpu.memory_space<vmem>>) target(%dma_start3A_409 : memref<256xf32, #tpu.memory_space<hbm>>) target_semaphore(%run_scoped3A : memref<!tpu.dma_semaphore, #tpu.memory_space<semaphore_mem>>)
        %dma_wait3A_410 = arith.constant 0 : i32
        %dma_wait3A_411 = tpu.memref_slice %arg5[%add3A_241, %dma_wait3A_410] : memref<2048x256xf32, #tpu.memory_space<hbm>> -> memref<1x256xf32, #tpu.memory_space<hbm>>
        %dma_wait3A_412 = tpu.memref_squeeze %dma_wait3A_411 : memref<1x256xf32, #tpu.memory_space<hbm>> -> memref<256xf32, #tpu.memory_space<hbm>>
        %dma_wait3A_413 = arith.constant 0 : i32
        %dma_wait3A_414 = tpu.memref_slice %arg5[%add3A_241, %dma_wait3A_413] : memref<2048x256xf32, #tpu.memory_space<hbm>> -> memref<1x256xf32, #tpu.memory_space<hbm>>
        %dma_wait3A_415 = tpu.memref_squeeze %dma_wait3A_414 : memref<1x256xf32, #tpu.memory_space<hbm>> -> memref<256xf32, #tpu.memory_space<hbm>>
        tpu.wait_dma2 semaphore(%run_scoped3A : memref<!tpu.dma_semaphore, #tpu.memory_space<semaphore_mem>>) src(%arg11 : memref<256xf32, #tpu.memory_space<vmem>>) dst(%dma_wait3A_415 : memref<256xf32, #tpu.memory_space<hbm>>)
        tpu.yield
      }) : () -> ()
      "tpu.region"() ({
        %run_scoped3A = tpu.sem_alloc : memref<!tpu.dma_semaphore, #tpu.memory_space<semaphore_mem>>
        %dma_start3A_404 = arith.constant 0 : i32
        %dma_start3A_405 = tpu.memref_slice %arg6[%add3A_241, %dma_start3A_404] : memref<2048x256xi32, #tpu.memory_space<hbm>> -> memref<1x256xi32, #tpu.memory_space<hbm>>
        %dma_start3A_406 = tpu.memref_squeeze %dma_start3A_405 : memref<1x256xi32, #tpu.memory_space<hbm>> -> memref<256xi32, #tpu.memory_space<hbm>>
        %dma_start3A_407 = arith.constant 0 : i32
        %dma_start3A_408 = tpu.memref_slice %arg6[%add3A_241, %dma_start3A_407] : memref<2048x256xi32, #tpu.memory_space<hbm>> -> memref<1x256xi32, #tpu.memory_space<hbm>>
        %dma_start3A_409 = tpu.memref_squeeze %dma_start3A_408 : memref<1x256xi32, #tpu.memory_space<hbm>> -> memref<256xi32, #tpu.memory_space<hbm>>
        tpu.enqueue_dma source(%arg12 : memref<256xi32, #tpu.memory_space<vmem>>) target(%dma_start3A_409 : memref<256xi32, #tpu.memory_space<hbm>>) target_semaphore(%run_scoped3A : memref<!tpu.dma_semaphore, #tpu.memory_space<semaphore_mem>>)
        %dma_wait3A_410 = arith.constant 0 : i32
        %dma_wait3A_411 = tpu.memref_slice %arg6[%add3A_241, %dma_wait3A_410] : memref<2048x256xi32, #tpu.memory_space<hbm>> -> memref<1x256xi32, #tpu.memory_space<hbm>>
        %dma_wait3A_412 = tpu.memref_squeeze %dma_wait3A_411 : memref<1x256xi32, #tpu.memory_space<hbm>> -> memref<256xi32, #tpu.memory_space<hbm>>
        %dma_wait3A_413 = arith.constant 0 : i32
        %dma_wait3A_414 = tpu.memref_slice %arg6[%add3A_241, %dma_wait3A_413] : memref<2048x256xi32, #tpu.memory_space<hbm>> -> memref<1x256xi32, #tpu.memory_space<hbm>>
        %dma_wait3A_415 = tpu.memref_squeeze %dma_wait3A_414 : memref<1x256xi32, #tpu.memory_space<hbm>> -> memref<256xi32, #tpu.memory_space<hbm>>
        tpu.wait_dma2 semaphore(%run_scoped3A : memref<!tpu.dma_semaphore, #tpu.memory_space<semaphore_mem>>) src(%arg12 : memref<256xi32, #tpu.memory_space<vmem>>) dst(%dma_wait3A_415 : memref<256xi32, #tpu.memory_space<hbm>>)
        tpu.yield
      }) : () -> ()
      %scan3A_403 = arith.constant 0 : i32
      scf.yield %scan3A_403 : i32
    }
    %scan3A_73 = arith.constant 32 : i32
    return
  }
}

#map = affine_map<(d0, d1) -> (0, 0)>
#map1 = affine_map<(d0, d1) -> (0, 0, 0)>
module attributes {stable_mosaic.version = 14 : i64} {
  func.func @k(%arg0: i32, %arg1: i32, %arg2: memref<2048x64xi32, #tpu.memory_space<hbm>>, %arg3: memref<65536x256xf32, #tpu.memory_space<hbm>>, %arg4: memref<2048x64x256xf32, #tpu.memory_space<hbm>>, %arg5: memref<64x64xi32, #tpu.memory_space<vmem>>, %arg6: memref<2x64x256xf32, #tpu.memory_space<vmem>>, %arg7: memref<!tpu.dma_semaphore, #tpu.memory_space<semaphore_mem>>, %arg8: memref<!tpu.dma_semaphore, #tpu.memory_space<semaphore_mem>>) attributes {dimension_semantics = [#tpu.dimension_semantics<core_parallel>, #tpu.dimension_semantics<subcore_parallel>], iteration_bounds = array<i64: 2, 16>, scalar_prefetch = 0 : i64, scratch_operands = 4 : i64, tpu.core_type = #tpu.core_type<sc_vector_subcore>, window_params = [{transform_indices = #map}, {transform_indices = #map}, {transform_indices = #map1}]} {
    %mul3A = arith.constant 2 : i32
    %mul3A_0 = arith.muli %arg1, %mul3A : i32
    %add3A = arith.addi %mul3A_0, %arg0 : i32
    %mul3A_1 = arith.constant 64 : i32
    %mul3A_2 = arith.muli %add3A, %mul3A_1 : i32
    "tpu.region"() ({
      %run_scoped3A = tpu.sem_alloc : memref<!tpu.dma_semaphore, #tpu.memory_space<semaphore_mem>>
      %dma_start3A_20 = arith.constant 0 : i32
      %dma_start3A_21 = tpu.memref_slice %arg2[%mul3A_2, %dma_start3A_20] : memref<2048x64xi32, #tpu.memory_space<hbm>> -> memref<64x64xi32, #tpu.memory_space<hbm>>
      %dma_start3A_22 = arith.constant 0 : i32
      %dma_start3A_23 = tpu.memref_slice %arg2[%mul3A_2, %dma_start3A_22] : memref<2048x64xi32, #tpu.memory_space<hbm>> -> memref<64x64xi32, #tpu.memory_space<hbm>>
      tpu.enqueue_dma source(%dma_start3A_23 : memref<64x64xi32, #tpu.memory_space<hbm>>) target(%arg5 : memref<64x64xi32, #tpu.memory_space<vmem>>) target_semaphore(%run_scoped3A : memref<!tpu.dma_semaphore, #tpu.memory_space<semaphore_mem>>)
      %dma_wait3A = arith.constant 0 : i32
      %dma_wait3A_24 = tpu.memref_slice %arg2[%mul3A_2, %dma_wait3A] : memref<2048x64xi32, #tpu.memory_space<hbm>> -> memref<64x64xi32, #tpu.memory_space<hbm>>
      %dma_wait3A_25 = arith.constant 0 : i32
      %dma_wait3A_26 = tpu.memref_slice %arg2[%mul3A_2, %dma_wait3A_25] : memref<2048x64xi32, #tpu.memory_space<hbm>> -> memref<64x64xi32, #tpu.memory_space<hbm>>
      tpu.wait_dma2 semaphore(%run_scoped3A : memref<!tpu.dma_semaphore, #tpu.memory_space<semaphore_mem>>) src(%dma_wait3A_26 : memref<64x64xi32, #tpu.memory_space<hbm>>) dst(%arg5 : memref<64x64xi32, #tpu.memory_space<vmem>>)
      tpu.yield
    }) : () -> ()
    %dma_start3A = arith.constant 0 : i32
    %dma_start3A_3 = arith.constant 0 : i32
    %dma_start3A_4 = arith.constant 0 : i32
    %dma_start3A_5 = arith.constant 0 : i32
    %dma_start3A_6 = tpu.memref_slice %arg6[%dma_start3A_3, %dma_start3A_4, %dma_start3A_5] : memref<2x64x256xf32, #tpu.memory_space<vmem>> -> memref<1x64x256xf32, #tpu.memory_space<vmem>>
    %dma_start3A_7 = tpu.memref_squeeze %dma_start3A_6 : memref<1x64x256xf32, #tpu.memory_space<vmem>> -> memref<64x256xf32, #tpu.memory_space<vmem>>
    %dma_start3A_8 = arith.constant 0 : i32
    %dma_start3A_9 = tpu.memref_slice %arg5[%dma_start3A, %dma_start3A_8] : memref<64x64xi32, #tpu.memory_space<vmem>> -> memref<1x64xi32, #tpu.memory_space<vmem>>
    %dma_start3A_10 = tpu.memref_squeeze %dma_start3A_9 : memref<1x64xi32, #tpu.memory_space<vmem>> -> memref<64xi32, #tpu.memory_space<vmem>>
    %dma_start3A_11 = arith.constant 0 : i32
    %dma_start3A_12 = arith.constant 0 : i32
    %dma_start3A_13 = tpu.memref_slice %arg3[%dma_start3A_11, %dma_start3A_12] : memref<65536x256xf32, #tpu.memory_space<hbm>> -> memref<65536x256xf32, #tpu.memory_space<hbm>>
    tpu.enqueue_indirect_dma source(%dma_start3A_13 : memref<65536x256xf32, #tpu.memory_space<hbm>>) target(%dma_start3A_7 : memref<64x256xf32, #tpu.memory_space<vmem>>) offsets(%dma_start3A_10 : memref<64xi32, #tpu.memory_space<vmem>>) semaphore(%arg7 : memref<!tpu.dma_semaphore, #tpu.memory_space<semaphore_mem>>)
    %scan3A = arith.constant 0 : i32
    %scan3A_14 = arith.constant 0 : i32
    %scan3A_15 = arith.constant 32 : i32
    %scan3A_16 = arith.addi %scan3A_14, %scan3A_15 : i32
    %scan3A_17 = arith.constant 1 : i32
    %scan3A_18 = scf.for %scan3A_20 = %scan3A_14 to %scan3A_16 step %scan3A_17 iter_args(%scan3A_21 = %scan3A) -> (i32)  : i32 {
      %mul3A_22 = arith.constant 2 : i32
      %mul3A_23 = arith.muli %scan3A_20, %mul3A_22 : i32
      %add3A_24 = arith.constant 0 : i32
      %add3A_25 = arith.addi %mul3A_23, %add3A_24 : i32
      %add3A_26 = arith.addi %mul3A_2, %add3A_25 : i32
      %dma_wait3A = arith.constant 0 : i32
      %dma_wait3A_27 = arith.constant 0 : i32
      %dma_wait3A_28 = arith.constant 0 : i32
      %dma_wait3A_29 = tpu.memref_slice %arg6[%dma_wait3A, %dma_wait3A_27, %dma_wait3A_28] : memref<2x64x256xf32, #tpu.memory_space<vmem>> -> memref<1x64x256xf32, #tpu.memory_space<vmem>>
      %dma_wait3A_30 = tpu.memref_squeeze %dma_wait3A_29 : memref<1x64x256xf32, #tpu.memory_space<vmem>> -> memref<64x256xf32, #tpu.memory_space<vmem>>
      %dma_wait3A_31 = arith.constant 0 : i32
      %dma_wait3A_32 = arith.constant 0 : i32
      %dma_wait3A_33 = tpu.memref_slice %arg3[%dma_wait3A_31, %dma_wait3A_32] : memref<65536x256xf32, #tpu.memory_space<hbm>> -> memref<64x256xf32, #tpu.memory_space<hbm>>
      %dma_wait3A_34 = arith.constant 0 : i32
      %dma_wait3A_35 = arith.constant 0 : i32
      %dma_wait3A_36 = tpu.memref_slice %arg6[%dma_wait3A, %dma_wait3A_34, %dma_wait3A_35] : memref<2x64x256xf32, #tpu.memory_space<vmem>> -> memref<1x64x256xf32, #tpu.memory_space<vmem>>
      %dma_wait3A_37 = tpu.memref_squeeze %dma_wait3A_36 : memref<1x64x256xf32, #tpu.memory_space<vmem>> -> memref<64x256xf32, #tpu.memory_space<vmem>>
      %dma_wait3A_38 = arith.constant 0 : i32
      %dma_wait3A_39 = arith.constant 0 : i32
      %dma_wait3A_40 = tpu.memref_slice %arg3[%dma_wait3A_38, %dma_wait3A_39] : memref<65536x256xf32, #tpu.memory_space<hbm>> -> memref<64x256xf32, #tpu.memory_space<hbm>>
      tpu.wait_dma2 semaphore(%arg7 : memref<!tpu.dma_semaphore, #tpu.memory_space<semaphore_mem>>) src(%dma_wait3A_40 : memref<64x256xf32, #tpu.memory_space<hbm>>) dst(%dma_wait3A_37 : memref<64x256xf32, #tpu.memory_space<vmem>>)
      %add3A_41 = arith.constant 1 : i32
      %add3A_42 = arith.addi %add3A_25, %add3A_41 : i32
      %lt3A = arith.constant 64 : i32
      %lt3A_43 = arith.cmpi slt, %add3A_42, %lt3A : i32
      %convert_element_type3A = arith.extui %lt3A_43 : i1 to i32
      %cond3A = arith.constant 0 : i32
      %cond3A_44 = arith.cmpi ne, %convert_element_type3A, %cond3A : i32
      scf.if %cond3A_44 {
        %add3A_74 = arith.constant 1 : i32
        %add3A_75 = arith.addi %add3A_25, %add3A_74 : i32
        %dma_start3A_76 = arith.constant 1 : i32
        %dma_start3A_77 = arith.constant 0 : i32
        %dma_start3A_78 = arith.constant 0 : i32
        %dma_start3A_79 = tpu.memref_slice %arg6[%dma_start3A_76, %dma_start3A_77, %dma_start3A_78] : memref<2x64x256xf32, #tpu.memory_space<vmem>> -> memref<1x64x256xf32, #tpu.memory_space<vmem>>
        %dma_start3A_80 = tpu.memref_squeeze %dma_start3A_79 : memref<1x64x256xf32, #tpu.memory_space<vmem>> -> memref<64x256xf32, #tpu.memory_space<vmem>>
        %dma_start3A_81 = arith.constant 0 : i32
        %dma_start3A_82 = tpu.memref_slice %arg5[%add3A_75, %dma_start3A_81] : memref<64x64xi32, #tpu.memory_space<vmem>> -> memref<1x64xi32, #tpu.memory_space<vmem>>
        %dma_start3A_83 = tpu.memref_squeeze %dma_start3A_82 : memref<1x64xi32, #tpu.memory_space<vmem>> -> memref<64xi32, #tpu.memory_space<vmem>>
        %dma_start3A_84 = arith.constant 0 : i32
        %dma_start3A_85 = arith.constant 0 : i32
        %dma_start3A_86 = tpu.memref_slice %arg3[%dma_start3A_84, %dma_start3A_85] : memref<65536x256xf32, #tpu.memory_space<hbm>> -> memref<65536x256xf32, #tpu.memory_space<hbm>>
        tpu.enqueue_indirect_dma source(%dma_start3A_86 : memref<65536x256xf32, #tpu.memory_space<hbm>>) target(%dma_start3A_80 : memref<64x256xf32, #tpu.memory_space<vmem>>) offsets(%dma_start3A_83 : memref<64xi32, #tpu.memory_space<vmem>>) semaphore(%arg8 : memref<!tpu.dma_semaphore, #tpu.memory_space<semaphore_mem>>)
      } else {
      }
      %run_scoped3A = arith.constant 0 : i32
      "tpu.region"() ({
        %run_scoped3A_74 = tpu.sem_alloc : memref<!tpu.dma_semaphore, #tpu.memory_space<semaphore_mem>>
        %dma_start3A_75 = arith.constant 0 : i32
        %dma_start3A_76 = arith.constant 0 : i32
        %dma_start3A_77 = tpu.memref_slice %arg6[%run_scoped3A, %dma_start3A_75, %dma_start3A_76] : memref<2x64x256xf32, #tpu.memory_space<vmem>> -> memref<1x64x256xf32, #tpu.memory_space<vmem>>
        %dma_start3A_78 = tpu.memref_squeeze %dma_start3A_77 : memref<1x64x256xf32, #tpu.memory_space<vmem>> -> memref<64x256xf32, #tpu.memory_space<vmem>>
        %dma_start3A_79 = arith.constant 0 : i32
        %dma_start3A_80 = arith.constant 0 : i32
        %dma_start3A_81 = tpu.memref_slice %arg4[%add3A_26, %dma_start3A_79, %dma_start3A_80] : memref<2048x64x256xf32, #tpu.memory_space<hbm>> -> memref<1x64x256xf32, #tpu.memory_space<hbm>>
        %dma_start3A_82 = tpu.memref_squeeze %dma_start3A_81 : memref<1x64x256xf32, #tpu.memory_space<hbm>> -> memref<64x256xf32, #tpu.memory_space<hbm>>
        %dma_start3A_83 = arith.constant 0 : i32
        %dma_start3A_84 = arith.constant 0 : i32
        %dma_start3A_85 = tpu.memref_slice %arg4[%add3A_26, %dma_start3A_83, %dma_start3A_84] : memref<2048x64x256xf32, #tpu.memory_space<hbm>> -> memref<1x64x256xf32, #tpu.memory_space<hbm>>
        %dma_start3A_86 = tpu.memref_squeeze %dma_start3A_85 : memref<1x64x256xf32, #tpu.memory_space<hbm>> -> memref<64x256xf32, #tpu.memory_space<hbm>>
        %dma_start3A_87 = arith.constant 0 : i32
        %dma_start3A_88 = arith.constant 0 : i32
        %dma_start3A_89 = tpu.memref_slice %arg6[%run_scoped3A, %dma_start3A_87, %dma_start3A_88] : memref<2x64x256xf32, #tpu.memory_space<vmem>> -> memref<1x64x256xf32, #tpu.memory_space<vmem>>
        %dma_start3A_90 = tpu.memref_squeeze %dma_start3A_89 : memref<1x64x256xf32, #tpu.memory_space<vmem>> -> memref<64x256xf32, #tpu.memory_space<vmem>>
        tpu.enqueue_dma source(%dma_start3A_90 : memref<64x256xf32, #tpu.memory_space<vmem>>) target(%dma_start3A_86 : memref<64x256xf32, #tpu.memory_space<hbm>>) target_semaphore(%run_scoped3A_74 : memref<!tpu.dma_semaphore, #tpu.memory_space<semaphore_mem>>)
        %dma_wait3A_91 = arith.constant 0 : i32
        %dma_wait3A_92 = arith.constant 0 : i32
        %dma_wait3A_93 = tpu.memref_slice %arg6[%run_scoped3A, %dma_wait3A_91, %dma_wait3A_92] : memref<2x64x256xf32, #tpu.memory_space<vmem>> -> memref<1x64x256xf32, #tpu.memory_space<vmem>>
        %dma_wait3A_94 = tpu.memref_squeeze %dma_wait3A_93 : memref<1x64x256xf32, #tpu.memory_space<vmem>> -> memref<64x256xf32, #tpu.memory_space<vmem>>
        %dma_wait3A_95 = arith.constant 0 : i32
        %dma_wait3A_96 = arith.constant 0 : i32
        %dma_wait3A_97 = tpu.memref_slice %arg4[%add3A_26, %dma_wait3A_95, %dma_wait3A_96] : memref<2048x64x256xf32, #tpu.memory_space<hbm>> -> memref<1x64x256xf32, #tpu.memory_space<hbm>>
        %dma_wait3A_98 = tpu.memref_squeeze %dma_wait3A_97 : memref<1x64x256xf32, #tpu.memory_space<hbm>> -> memref<64x256xf32, #tpu.memory_space<hbm>>
        %dma_wait3A_99 = arith.constant 0 : i32
        %dma_wait3A_100 = arith.constant 0 : i32
        %dma_wait3A_101 = tpu.memref_slice %arg4[%add3A_26, %dma_wait3A_99, %dma_wait3A_100] : memref<2048x64x256xf32, #tpu.memory_space<hbm>> -> memref<1x64x256xf32, #tpu.memory_space<hbm>>
        %dma_wait3A_102 = tpu.memref_squeeze %dma_wait3A_101 : memref<1x64x256xf32, #tpu.memory_space<hbm>> -> memref<64x256xf32, #tpu.memory_space<hbm>>
        %dma_wait3A_103 = arith.constant 0 : i32
        %dma_wait3A_104 = arith.constant 0 : i32
        %dma_wait3A_105 = tpu.memref_slice %arg6[%run_scoped3A, %dma_wait3A_103, %dma_wait3A_104] : memref<2x64x256xf32, #tpu.memory_space<vmem>> -> memref<1x64x256xf32, #tpu.memory_space<vmem>>
        %dma_wait3A_106 = tpu.memref_squeeze %dma_wait3A_105 : memref<1x64x256xf32, #tpu.memory_space<vmem>> -> memref<64x256xf32, #tpu.memory_space<vmem>>
        tpu.wait_dma2 semaphore(%run_scoped3A_74 : memref<!tpu.dma_semaphore, #tpu.memory_space<semaphore_mem>>) src(%dma_wait3A_106 : memref<64x256xf32, #tpu.memory_space<vmem>>) dst(%dma_wait3A_102 : memref<64x256xf32, #tpu.memory_space<hbm>>)
        tpu.yield
      }) : () -> ()
      %mul3A_45 = arith.constant 2 : i32
      %mul3A_46 = arith.muli %scan3A_20, %mul3A_45 : i32
      %add3A_47 = arith.constant 1 : i32
      %add3A_48 = arith.addi %mul3A_46, %add3A_47 : i32
      %add3A_49 = arith.addi %mul3A_2, %add3A_48 : i32
      %dma_wait3A_50 = arith.constant 1 : i32
      %dma_wait3A_51 = arith.constant 0 : i32
      %dma_wait3A_52 = arith.constant 0 : i32
      %dma_wait3A_53 = tpu.memref_slice %arg6[%dma_wait3A_50, %dma_wait3A_51, %dma_wait3A_52] : memref<2x64x256xf32, #tpu.memory_space<vmem>> -> memref<1x64x256xf32, #tpu.memory_space<vmem>>
      %dma_wait3A_54 = tpu.memref_squeeze %dma_wait3A_53 : memref<1x64x256xf32, #tpu.memory_space<vmem>> -> memref<64x256xf32, #tpu.memory_space<vmem>>
      %dma_wait3A_55 = arith.constant 0 : i32
      %dma_wait3A_56 = arith.constant 0 : i32
      %dma_wait3A_57 = tpu.memref_slice %arg3[%dma_wait3A_55, %dma_wait3A_56] : memref<65536x256xf32, #tpu.memory_space<hbm>> -> memref<64x256xf32, #tpu.memory_space<hbm>>
      %dma_wait3A_58 = arith.constant 0 : i32
      %dma_wait3A_59 = arith.constant 0 : i32
      %dma_wait3A_60 = tpu.memref_slice %arg6[%dma_wait3A_50, %dma_wait3A_58, %dma_wait3A_59] : memref<2x64x256xf32, #tpu.memory_space<vmem>> -> memref<1x64x256xf32, #tpu.memory_space<vmem>>
      %dma_wait3A_61 = tpu.memref_squeeze %dma_wait3A_60 : memref<1x64x256xf32, #tpu.memory_space<vmem>> -> memref<64x256xf32, #tpu.memory_space<vmem>>
      %dma_wait3A_62 = arith.constant 0 : i32
      %dma_wait3A_63 = arith.constant 0 : i32
      %dma_wait3A_64 = tpu.memref_slice %arg3[%dma_wait3A_62, %dma_wait3A_63] : memref<65536x256xf32, #tpu.memory_space<hbm>> -> memref<64x256xf32, #tpu.memory_space<hbm>>
      tpu.wait_dma2 semaphore(%arg8 : memref<!tpu.dma_semaphore, #tpu.memory_space<semaphore_mem>>) src(%dma_wait3A_64 : memref<64x256xf32, #tpu.memory_space<hbm>>) dst(%dma_wait3A_61 : memref<64x256xf32, #tpu.memory_space<vmem>>)
      %add3A_65 = arith.constant 1 : i32
      %add3A_66 = arith.addi %add3A_48, %add3A_65 : i32
      %lt3A_67 = arith.constant 64 : i32
      %lt3A_68 = arith.cmpi slt, %add3A_66, %lt3A_67 : i32
      %convert_element_type3A_69 = arith.extui %lt3A_68 : i1 to i32
      %cond3A_70 = arith.constant 0 : i32
      %cond3A_71 = arith.cmpi ne, %convert_element_type3A_69, %cond3A_70 : i32
      scf.if %cond3A_71 {
        %add3A_74 = arith.constant 1 : i32
        %add3A_75 = arith.addi %add3A_48, %add3A_74 : i32
        %dma_start3A_76 = arith.constant 0 : i32
        %dma_start3A_77 = arith.constant 0 : i32
        %dma_start3A_78 = arith.constant 0 : i32
        %dma_start3A_79 = tpu.memref_slice %arg6[%dma_start3A_76, %dma_start3A_77, %dma_start3A_78] : memref<2x64x256xf32, #tpu.memory_space<vmem>> -> memref<1x64x256xf32, #tpu.memory_space<vmem>>
        %dma_start3A_80 = tpu.memref_squeeze %dma_start3A_79 : memref<1x64x256xf32, #tpu.memory_space<vmem>> -> memref<64x256xf32, #tpu.memory_space<vmem>>
        %dma_start3A_81 = arith.constant 0 : i32
        %dma_start3A_82 = tpu.memref_slice %arg5[%add3A_75, %dma_start3A_81] : memref<64x64xi32, #tpu.memory_space<vmem>> -> memref<1x64xi32, #tpu.memory_space<vmem>>
        %dma_start3A_83 = tpu.memref_squeeze %dma_start3A_82 : memref<1x64xi32, #tpu.memory_space<vmem>> -> memref<64xi32, #tpu.memory_space<vmem>>
        %dma_start3A_84 = arith.constant 0 : i32
        %dma_start3A_85 = arith.constant 0 : i32
        %dma_start3A_86 = tpu.memref_slice %arg3[%dma_start3A_84, %dma_start3A_85] : memref<65536x256xf32, #tpu.memory_space<hbm>> -> memref<65536x256xf32, #tpu.memory_space<hbm>>
        tpu.enqueue_indirect_dma source(%dma_start3A_86 : memref<65536x256xf32, #tpu.memory_space<hbm>>) target(%dma_start3A_80 : memref<64x256xf32, #tpu.memory_space<vmem>>) offsets(%dma_start3A_83 : memref<64xi32, #tpu.memory_space<vmem>>) semaphore(%arg7 : memref<!tpu.dma_semaphore, #tpu.memory_space<semaphore_mem>>)
      } else {
      }
      %run_scoped3A_72 = arith.constant 1 : i32
      "tpu.region"() ({
        %run_scoped3A_74 = tpu.sem_alloc : memref<!tpu.dma_semaphore, #tpu.memory_space<semaphore_mem>>
        %dma_start3A_75 = arith.constant 0 : i32
        %dma_start3A_76 = arith.constant 0 : i32
        %dma_start3A_77 = tpu.memref_slice %arg6[%run_scoped3A_72, %dma_start3A_75, %dma_start3A_76] : memref<2x64x256xf32, #tpu.memory_space<vmem>> -> memref<1x64x256xf32, #tpu.memory_space<vmem>>
        %dma_start3A_78 = tpu.memref_squeeze %dma_start3A_77 : memref<1x64x256xf32, #tpu.memory_space<vmem>> -> memref<64x256xf32, #tpu.memory_space<vmem>>
        %dma_start3A_79 = arith.constant 0 : i32
        %dma_start3A_80 = arith.constant 0 : i32
        %dma_start3A_81 = tpu.memref_slice %arg4[%add3A_49, %dma_start3A_79, %dma_start3A_80] : memref<2048x64x256xf32, #tpu.memory_space<hbm>> -> memref<1x64x256xf32, #tpu.memory_space<hbm>>
        %dma_start3A_82 = tpu.memref_squeeze %dma_start3A_81 : memref<1x64x256xf32, #tpu.memory_space<hbm>> -> memref<64x256xf32, #tpu.memory_space<hbm>>
        %dma_start3A_83 = arith.constant 0 : i32
        %dma_start3A_84 = arith.constant 0 : i32
        %dma_start3A_85 = tpu.memref_slice %arg4[%add3A_49, %dma_start3A_83, %dma_start3A_84] : memref<2048x64x256xf32, #tpu.memory_space<hbm>> -> memref<1x64x256xf32, #tpu.memory_space<hbm>>
        %dma_start3A_86 = tpu.memref_squeeze %dma_start3A_85 : memref<1x64x256xf32, #tpu.memory_space<hbm>> -> memref<64x256xf32, #tpu.memory_space<hbm>>
        %dma_start3A_87 = arith.constant 0 : i32
        %dma_start3A_88 = arith.constant 0 : i32
        %dma_start3A_89 = tpu.memref_slice %arg6[%run_scoped3A_72, %dma_start3A_87, %dma_start3A_88] : memref<2x64x256xf32, #tpu.memory_space<vmem>> -> memref<1x64x256xf32, #tpu.memory_space<vmem>>
        %dma_start3A_90 = tpu.memref_squeeze %dma_start3A_89 : memref<1x64x256xf32, #tpu.memory_space<vmem>> -> memref<64x256xf32, #tpu.memory_space<vmem>>
        tpu.enqueue_dma source(%dma_start3A_90 : memref<64x256xf32, #tpu.memory_space<vmem>>) target(%dma_start3A_86 : memref<64x256xf32, #tpu.memory_space<hbm>>) target_semaphore(%run_scoped3A_74 : memref<!tpu.dma_semaphore, #tpu.memory_space<semaphore_mem>>)
        %dma_wait3A_91 = arith.constant 0 : i32
        %dma_wait3A_92 = arith.constant 0 : i32
        %dma_wait3A_93 = tpu.memref_slice %arg6[%run_scoped3A_72, %dma_wait3A_91, %dma_wait3A_92] : memref<2x64x256xf32, #tpu.memory_space<vmem>> -> memref<1x64x256xf32, #tpu.memory_space<vmem>>
        %dma_wait3A_94 = tpu.memref_squeeze %dma_wait3A_93 : memref<1x64x256xf32, #tpu.memory_space<vmem>> -> memref<64x256xf32, #tpu.memory_space<vmem>>
        %dma_wait3A_95 = arith.constant 0 : i32
        %dma_wait3A_96 = arith.constant 0 : i32
        %dma_wait3A_97 = tpu.memref_slice %arg4[%add3A_49, %dma_wait3A_95, %dma_wait3A_96] : memref<2048x64x256xf32, #tpu.memory_space<hbm>> -> memref<1x64x256xf32, #tpu.memory_space<hbm>>
        %dma_wait3A_98 = tpu.memref_squeeze %dma_wait3A_97 : memref<1x64x256xf32, #tpu.memory_space<hbm>> -> memref<64x256xf32, #tpu.memory_space<hbm>>
        %dma_wait3A_99 = arith.constant 0 : i32
        %dma_wait3A_100 = arith.constant 0 : i32
        %dma_wait3A_101 = tpu.memref_slice %arg4[%add3A_49, %dma_wait3A_99, %dma_wait3A_100] : memref<2048x64x256xf32, #tpu.memory_space<hbm>> -> memref<1x64x256xf32, #tpu.memory_space<hbm>>
        %dma_wait3A_102 = tpu.memref_squeeze %dma_wait3A_101 : memref<1x64x256xf32, #tpu.memory_space<hbm>> -> memref<64x256xf32, #tpu.memory_space<hbm>>
        %dma_wait3A_103 = arith.constant 0 : i32
        %dma_wait3A_104 = arith.constant 0 : i32
        %dma_wait3A_105 = tpu.memref_slice %arg6[%run_scoped3A_72, %dma_wait3A_103, %dma_wait3A_104] : memref<2x64x256xf32, #tpu.memory_space<vmem>> -> memref<1x64x256xf32, #tpu.memory_space<vmem>>
        %dma_wait3A_106 = tpu.memref_squeeze %dma_wait3A_105 : memref<1x64x256xf32, #tpu.memory_space<vmem>> -> memref<64x256xf32, #tpu.memory_space<vmem>>
        tpu.wait_dma2 semaphore(%run_scoped3A_74 : memref<!tpu.dma_semaphore, #tpu.memory_space<semaphore_mem>>) src(%dma_wait3A_106 : memref<64x256xf32, #tpu.memory_space<vmem>>) dst(%dma_wait3A_102 : memref<64x256xf32, #tpu.memory_space<hbm>>)
        tpu.yield
      }) : () -> ()
      %scan3A_73 = arith.constant 0 : i32
      scf.yield %scan3A_73 : i32
    }
    %scan3A_19 = arith.constant 32 : i32
    return
  }
}

module attributes {stable_mosaic.version = 14 : i64} {
  func.func @body(%arg0: i32, %arg1: i32, %arg2: memref<256x256xf32, #tpu.memory_space<vmem>>, %arg3: memref<2048x256xf32, #tpu.memory_space<vmem>>, %arg4: memref<256x16x128xf32, #tpu.memory_space<vmem>>, %arg5: memref<1x256x16xf32, #tpu.memory_space<vmem>>) attributes {dimension_semantics = [#tpu.dimension_semantics<arbitrary>, #tpu.dimension_semantics<arbitrary>], iteration_bounds = array<i64: 32, 8>, scalar_prefetch = 0 : i64, scratch_operands = 0 : i64, tpu.core_type = #tpu.core_type<tc>, window_params = [{transform_indices = @transform_0, window_bounds = array<i64: 256, 256>}, {transform_indices = @transform_1, window_bounds = array<i64: 2048, 256>}, {transform_indices = @transform_2, window_bounds = array<i64: 256, 16, 128>}, {transform_indices = @transform_3, window_bounds = array<i64: 1, 256, 16>}]} {
    %get3A = arith.constant 0 : index
    %get3A_0 = arith.constant 0 : index
    %get3A_1 = vector.load %arg2[%get3A, %get3A_0] : memref<256x256xf32, #tpu.memory_space<vmem>>, vector<256x256xf32>
    %get3A_2 = arith.constant 0 : index
    %get3A_3 = arith.constant 0 : index
    %get3A_4 = vector.load %arg3[%get3A_2, %get3A_3] : memref<2048x256xf32, #tpu.memory_space<vmem>>, vector<2048x256xf32>
    %dot_general3A = arith.constant dense<0.000000e+00> : vector<256x2048xf32>
    %dot_general3A_5 = tpu.matmul %get3A_1, %get3A_4, %dot_general3A {dimension_numbers = #tpu.dot_dimension_numbers<[1], [1], [0], [0], [0, 0, 1, 0], [], []>, transpose_lhs_hint = false} : vector<256x256xf32>, vector<2048x256xf32>, vector<256x2048xf32> -> vector<256x2048xf32>
    %reshape3A = vector.shape_cast %dot_general3A_5 : vector<256x2048xf32> to vector<256x16x128xf32>
    %swap3A = arith.constant 0 : index
    %swap3A_6 = arith.constant 0 : index
    %swap3A_7 = arith.constant 0 : index
    %swap3A_8 = vector.load %arg4[%swap3A, %swap3A_6, %swap3A_7] : memref<256x16x128xf32, #tpu.memory_space<vmem>>, vector<256x16x128xf32>
    tpu.vector_store %arg4[%swap3A, %swap3A_6, %swap3A_7], %reshape3A {strides = array<i32>} : memref<256x16x128xf32, #tpu.memory_space<vmem>>, vector<256x16x128xf32>,
    %reduce_max3A = arith.constant dense<0xFF800000> : vector<256x16xf32>
    %reduce_max3A_9 = vector.multi_reduction <maximumf>, %reshape3A, %reduce_max3A [2] : vector<256x16x128xf32> to vector<256x16xf32>
    %broadcast_in_dim3A = vector.shape_cast %reduce_max3A_9 : vector<256x16xf32> to vector<1x256x16xf32>
    %swap3A_10 = arith.constant 0 : index
    %swap3A_11 = arith.constant 0 : index
    %swap3A_12 = arith.constant 0 : index
    %swap3A_13 = vector.load %arg5[%swap3A_10, %swap3A_11, %swap3A_12] : memref<1x256x16xf32, #tpu.memory_space<vmem>>, vector<1x256x16xf32>
    tpu.vector_store %arg5[%swap3A_10, %swap3A_11, %swap3A_12], %broadcast_in_dim3A {strides = array<i32>} : memref<1x256x16xf32, #tpu.memory_space<vmem>>, vector<1x256x16xf32>,
    return
  }
  func.func @transform_0(%arg0: i32, %arg1: i32) -> (i32, i32) {
    %c0_i32 = arith.constant 0 : i32
    %c0_i32_0 = arith.constant 0 : i32
    return %arg1, %c0_i32 : i32, i32
  }
  func.func @transform_1(%arg0: i32, %arg1: i32) -> (i32, i32) {
    %c0_i32 = arith.constant 0 : i32
    %c0_i32_0 = arith.constant 0 : i32
    return %arg0, %c0_i32 : i32, i32
  }
  func.func @transform_2(%arg0: i32, %arg1: i32) -> (i32, i32, i32) {
    %c0_i32 = arith.constant 0 : i32
    %c0_i32_0 = arith.constant 0 : i32
    return %arg1, %arg0, %c0_i32 : i32, i32, i32
  }
  func.func @transform_3(%arg0: i32, %arg1: i32) -> (i32, i32, i32) {
    %c0_i32 = arith.constant 0 : i32
    %c0_i32_0 = arith.constant 0 : i32
    return %arg0, %arg1, %c0_i32 : i32, i32, i32
  }
}

module attributes {stable_mosaic.version = 14 : i64} {
  func.func @body(%arg0: i32, %arg1: i32, %arg2: memref<256x768xf32, #tpu.memory_space<vmem>>, %arg3: memref<1x768x768xf32, #tpu.memory_space<vmem>>, %arg4: memref<1x1x768xf32, #tpu.memory_space<vmem>>, %arg5: memref<1x768x256xf32, #tpu.memory_space<vmem>>, %arg6: memref<1x1x256xf32, #tpu.memory_space<vmem>>, %arg7: memref<256x256xf32, #tpu.memory_space<vmem>>) attributes {dimension_semantics = [#tpu.dimension_semantics<arbitrary>, #tpu.dimension_semantics<arbitrary>], iteration_bounds = array<i64: 2, 4>, scalar_prefetch = 0 : i64, scratch_operands = 0 : i64, tpu.core_type = #tpu.core_type<tc>, window_params = [{transform_indices = @transform_0, window_bounds = array<i64: 256, 768>}, {transform_indices = @transform_1, window_bounds = array<i64: 1, 768, 768>}, {transform_indices = @transform_2, window_bounds = array<i64: 1, 1, 768>}, {transform_indices = @transform_3, window_bounds = array<i64: 1, 768, 256>}, {transform_indices = @transform_4, window_bounds = array<i64: 1, 1, 256>}, {transform_indices = @transform_5, window_bounds = array<i64: 256, 256>}]} {
    %get3A = arith.constant 0 : index
    %get3A_0 = arith.constant 0 : index
    %get3A_1 = vector.load %arg2[%get3A, %get3A_0] : memref<256x768xf32, #tpu.memory_space<vmem>>, vector<256x768xf32>
    %get3A_2 = arith.constant 0 : index
    %get3A_3 = arith.constant 0 : index
    %get3A_4 = arith.constant 0 : index
    %get3A_5 = vector.load %arg3[%get3A_2, %get3A_3, %get3A_4] : memref<1x768x768xf32, #tpu.memory_space<vmem>>, vector<1x768x768xf32>
    %get3A_6 = vector.shape_cast %get3A_5 : vector<1x768x768xf32> to vector<768x768xf32>
    %dot_general3A = arith.constant dense<0.000000e+00> : vector<256x768xf32>
    %dot_general3A_7 = tpu.matmul %get3A_1, %get3A_6, %dot_general3A {dimension_numbers = #tpu.dot_dimension_numbers<[1], [0], [0], [1], [0, 0, 1, 1], [], []>, transpose_lhs_hint = false} : vector<256x768xf32>, vector<768x768xf32>, vector<256x768xf32> -> vector<256x768xf32>
    %get3A_8 = arith.constant 0 : index
    %get3A_9 = arith.constant 0 : index
    %get3A_10 = arith.constant 0 : index
    %get3A_11 = vector.load %arg4[%get3A_8, %get3A_9, %get3A_10] : memref<1x1x768xf32, #tpu.memory_space<vmem>>, vector<1x1x768xf32>
    %get3A_12 = vector.shape_cast %get3A_11 : vector<1x1x768xf32> to vector<1x768xf32>
    %add3A = vector.broadcast %get3A_12 : vector<1x768xf32> to vector<256x768xf32>
    %add3A_13 = arith.addf %dot_general3A_7, %add3A : vector<256x768xf32>
    %max3A = arith.constant 0.000000e+00 : f32
    %max3A_14 = vector.broadcast %max3A : f32 to vector<256x768xf32>
    %max3A_15 = arith.maximumf %add3A_13, %max3A_14 : vector<256x768xf32>
    %get3A_16 = arith.constant 0 : index
    %get3A_17 = arith.constant 0 : index
    %get3A_18 = arith.constant 0 : index
    %get3A_19 = vector.load %arg5[%get3A_16, %get3A_17, %get3A_18] : memref<1x768x256xf32, #tpu.memory_space<vmem>>, vector<1x768x256xf32>
    %get3A_20 = vector.shape_cast %get3A_19 : vector<1x768x256xf32> to vector<768x256xf32>
    %dot_general3A_21 = arith.constant dense<0.000000e+00> : vector<256x256xf32>
    %dot_general3A_22 = tpu.matmul %max3A_15, %get3A_20, %dot_general3A_21 {dimension_numbers = #tpu.dot_dimension_numbers<[1], [0], [0], [1], [0, 0, 1, 1], [], []>, transpose_lhs_hint = false} : vector<256x768xf32>, vector<768x256xf32>, vector<256x256xf32> -> vector<256x256xf32>
    %get3A_23 = arith.constant 0 : index
    %get3A_24 = arith.constant 0 : index
    %get3A_25 = arith.constant 0 : index
    %get3A_26 = vector.load %arg6[%get3A_23, %get3A_24, %get3A_25] : memref<1x1x256xf32, #tpu.memory_space<vmem>>, vector<1x1x256xf32>
    %get3A_27 = vector.shape_cast %get3A_26 : vector<1x1x256xf32> to vector<1x256xf32>
    %add3A_28 = vector.broadcast %get3A_27 : vector<1x256xf32> to vector<256x256xf32>
    %add3A_29 = arith.addf %dot_general3A_22, %add3A_28 : vector<256x256xf32>
    %swap3A = arith.constant 0 : index
    %swap3A_30 = arith.constant 0 : index
    %swap3A_31 = vector.load %arg7[%swap3A, %swap3A_30] : memref<256x256xf32, #tpu.memory_space<vmem>>, vector<256x256xf32>
    tpu.vector_store %arg7[%swap3A, %swap3A_30], %add3A_29 {strides = array<i32>} : memref<256x256xf32, #tpu.memory_space<vmem>>, vector<256x256xf32>,
    return
  }
  func.func @transform_0(%arg0: i32, %arg1: i32) -> (i32, i32) {
    %c0_i32 = arith.constant 0 : i32
    %c0_i32_0 = arith.constant 0 : i32
    return %arg1, %c0_i32 : i32, i32
  }
  func.func @transform_1(%arg0: i32, %arg1: i32) -> (i32, i32, i32) {
    %c0_i32 = arith.constant 0 : i32
    %c0_i32_0 = arith.constant 0 : i32
    %c0_i32_1 = arith.constant 0 : i32
    return %arg0, %c0_i32, %c0_i32_0 : i32, i32, i32
  }
  func.func @transform_2(%arg0: i32, %arg1: i32) -> (i32, i32, i32) {
    %c0_i32 = arith.constant 0 : i32
    %c0_i32_0 = arith.constant 0 : i32
    %c0_i32_1 = arith.constant 0 : i32
    return %arg0, %c0_i32, %c0_i32_0 : i32, i32, i32
  }
  func.func @transform_3(%arg0: i32, %arg1: i32) -> (i32, i32, i32) {
    %c0_i32 = arith.constant 0 : i32
    %c0_i32_0 = arith.constant 0 : i32
    %c0_i32_1 = arith.constant 0 : i32
    return %arg0, %c0_i32, %c0_i32_0 : i32, i32, i32
  }
  func.func @transform_4(%arg0: i32, %arg1: i32) -> (i32, i32, i32) {
    %c0_i32 = arith.constant 0 : i32
    %c0_i32_0 = arith.constant 0 : i32
    %c0_i32_1 = arith.constant 0 : i32
    return %arg0, %c0_i32, %c0_i32_0 : i32, i32, i32
  }
  func.func @transform_5(%arg0: i32, %arg1: i32) -> (i32, i32) {
    %mul3A = arith.constant 4 : i32
    %mul3A_0 = arith.muli %arg0, %mul3A : i32
    %add3A = arith.addi %mul3A_0, %arg1 : i32
    %c0_i32 = arith.constant 0 : i32
    %c0_i32_1 = arith.constant 0 : i32
    return %add3A, %c0_i32 : i32, i32
  }
}

module attributes {stable_mosaic.version = 14 : i64} {
  func.func @body(%arg0: i32, %arg1: memref<256x512xf32, #tpu.memory_space<vmem>>, %arg2: memref<256x64xi32, #tpu.memory_space<vmem>>, %arg3: memref<256x16xf32, #tpu.memory_space<vmem>>) attributes {dimension_semantics = [#tpu.dimension_semantics<arbitrary>], iteration_bounds = array<i64: 8>, scalar_prefetch = 0 : i64, scratch_operands = 0 : i64, tpu.core_type = #tpu.core_type<tc>, window_params = [{transform_indices = @transform_0, window_bounds = array<i64: 256, 512>}, {transform_indices = @transform_1, window_bounds = array<i64: 256, 64>}, {transform_indices = @transform_2, window_bounds = array<i64: 256, 16>}]} {
    %get3A = arith.constant 0 : index
    %get3A_0 = arith.constant 0 : index
    %get3A_1 = vector.load %arg1[%get3A, %get3A_0] : memref<256x512xf32, #tpu.memory_space<vmem>>, vector<256x512xf32>
    %iota3A = tpu.iota {dimensions = array<i32: 1>} : vector<256x512xi32>
    %iota3A_2 = tpu.iota {dimensions = array<i32: 1>} : vector<256x64xi32>
    %broadcast_in_dim3A = arith.constant 0 : i32
    %broadcast_in_dim3A_3 = vector.broadcast %broadcast_in_dim3A : i32 to vector<256x64xi32>
    %broadcast_in_dim3A_4 = arith.constant 0.000000e+00 : f32
    %broadcast_in_dim3A_5 = vector.broadcast %broadcast_in_dim3A_4 : f32 to vector<256xf32>
    %scan3A = arith.constant 0 : i32
    %scan3A_6 = arith.constant 64 : i32
    %scan3A_7 = arith.addi %scan3A, %scan3A_6 : i32
    %scan3A_8 = arith.constant 1 : i32
    %scan3A_9:3 = scf.for %scan3A_19 = %scan3A to %scan3A_7 step %scan3A_8 iter_args(%scan3A_20 = %get3A_1, %scan3A_21 = %broadcast_in_dim3A_3, %scan3A_22 = %broadcast_in_dim3A_5) -> (vector<256x512xf32>, vector<256x64xi32>, vector<256xf32>)  : i32 {
      %reduce_max3A = arith.constant dense<0xFF800000> : vector<256xf32>
      %reduce_max3A_23 = vector.multi_reduction <maximumf>, %scan3A_20, %reduce_max3A [1] : vector<256x512xf32> to vector<256xf32>
      %broadcast_in_dim3A_24 = vector.shape_cast %reduce_max3A_23 : vector<256xf32> to vector<256x1xf32>
      %eq3A = vector.broadcast %broadcast_in_dim3A_24 : vector<256x1xf32> to vector<256x512xf32>
      %eq3A_25 = arith.cmpf oeq, %scan3A_20, %eq3A : vector<256x512xf32>
      %jit3A = arith.constant 512 : i32
      %broadcast_in_dim3A_26 = vector.broadcast %jit3A : i32 to vector<256x512xi32>
      %select_n3A = arith.select %eq3A_25, %iota3A, %broadcast_in_dim3A_26 : vector<256x512xi1>, vector<256x512xi32>
      %reduce_min3A = arith.constant dense<2147483647> : vector<256xi32>
      %reduce_min3A_27 = vector.multi_reduction <minsi>, %select_n3A, %reduce_min3A [1] : vector<256x512xi32> to vector<256xi32>
      %broadcast_in_dim3A_28 = vector.shape_cast %reduce_min3A_27 : vector<256xi32> to vector<256x1xi32>
      %eq3A_29 = vector.broadcast %broadcast_in_dim3A_28 : vector<256x1xi32> to vector<256x512xi32>
      %eq3A_30 = arith.cmpi eq, %iota3A, %eq3A_29 : vector<256x512xi32>
      %jit3A_31 = arith.constant 0xFF800000 : f32
      %broadcast_in_dim3A_32 = vector.broadcast %jit3A_31 : f32 to vector<256x512xf32>
      %select_n3A_33 = arith.select %eq3A_30, %broadcast_in_dim3A_32, %scan3A_20 : vector<256x512xi1>, vector<256x512xf32>
      %eq3A_34 = vector.broadcast %scan3A_19 : i32 to vector<256x64xi32>
      %eq3A_35 = arith.cmpi eq, %iota3A_2, %eq3A_34 : vector<256x64xi32>
      %broadcast_in_dim3A_36 = vector.shape_cast %reduce_min3A_27 : vector<256xi32> to vector<256x1xi32>
      %broadcast_in_dim3A_37 = vector.shape_cast %broadcast_in_dim3A_36 : vector<256x1xi32> to vector<256x1xi32>
      %broadcast_in_dim3A_38 = vector.broadcast %broadcast_in_dim3A_37 : vector<256x1xi32> to vector<256x64xi32>
      %select_n3A_39 = arith.select %eq3A_35, %broadcast_in_dim3A_38, %scan3A_21 : vector<256x64xi1>, vector<256x64xi32>
      scf.yield %select_n3A_33, %select_n3A_39, %reduce_max3A_23 : vector<256x512xf32>, vector<256x64xi32>, vector<256xf32>
    }
    %scan3A_10 = arith.constant 64 : i32
    %swap3A = arith.constant 0 : index
    %swap3A_11 = arith.constant 0 : index
    %swap3A_12 = vector.load %arg2[%swap3A, %swap3A_11] : memref<256x64xi32, #tpu.memory_space<vmem>>, vector<256x64xi32>
    tpu.vector_store %arg2[%swap3A, %swap3A_11], %scan3A_9#1 {strides = array<i32>} : memref<256x64xi32, #tpu.memory_space<vmem>>, vector<256x64xi32>,
    %broadcast_in_dim3A_13 = vector.shape_cast %scan3A_9#2 : vector<256xf32> to vector<256x1xf32>
    %broadcast_in_dim3A_14 = vector.shape_cast %broadcast_in_dim3A_13 : vector<256x1xf32> to vector<256x1xf32>
    %broadcast_in_dim3A_15 = vector.broadcast %broadcast_in_dim3A_14 : vector<256x1xf32> to vector<256x16xf32>
    %swap3A_16 = arith.constant 0 : index
    %swap3A_17 = arith.constant 0 : index
    %swap3A_18 = vector.load %arg3[%swap3A_16, %swap3A_17] : memref<256x16xf32, #tpu.memory_space<vmem>>, vector<256x16xf32>
    tpu.vector_store %arg3[%swap3A_16, %swap3A_17], %broadcast_in_dim3A_15 {strides = array<i32>} : memref<256x16xf32, #tpu.memory_space<vmem>>, vector<256x16xf32>,
    return
  }
  func.func @transform_0(%arg0: i32) -> (i32, i32) {
    %c0_i32 = arith.constant 0 : i32
    %c0_i32_0 = arith.constant 0 : i32
    return %arg0, %c0_i32 : i32, i32
  }
  func.func @transform_1(%arg0: i32) -> (i32, i32) {
    %c0_i32 = arith.constant 0 : i32
    %c0_i32_0 = arith.constant 0 : i32
    return %arg0, %c0_i32 : i32, i32
  }
  func.func @transform_2(%arg0: i32) -> (i32, i32) {
    %c0_i32 = arith.constant 0 : i32
    %c0_i32_0 = arith.constant 0 : i32
    return %arg0, %c0_i32 : i32, i32
  }
}

module attributes {stable_mosaic.version = 14 : i64} {
  func.func @body(%arg0: i32, %arg1: memref<256x256xf32, #tpu.memory_space<vmem>>, %arg2: memref<256x256xi32, #tpu.memory_space<vmem>>, %arg3: memref<256x64xi32, #tpu.memory_space<vmem>>, %arg4: memref<256x64xi32, #tpu.memory_space<vmem>>, %arg5: memref<256x64xf32, #tpu.memory_space<vmem>>) attributes {dimension_semantics = [#tpu.dimension_semantics<arbitrary>], iteration_bounds = array<i64: 8>, scalar_prefetch = 0 : i64, scratch_operands = 0 : i64, tpu.core_type = #tpu.core_type<tc>, window_params = [{transform_indices = @transform_0, window_bounds = array<i64: 256, 256>}, {transform_indices = @transform_1, window_bounds = array<i64: 256, 256>}, {transform_indices = @transform_2, window_bounds = array<i64: 256, 64>}, {transform_indices = @transform_3, window_bounds = array<i64: 256, 64>}, {transform_indices = @transform_4, window_bounds = array<i64: 256, 64>}]} {
    %get3A = arith.constant 0 : index
    %get3A_0 = arith.constant 0 : index
    %get3A_1 = vector.load %arg1[%get3A, %get3A_0] : memref<256x256xf32, #tpu.memory_space<vmem>>, vector<256x256xf32>
    %get3A_2 = arith.constant 0 : index
    %get3A_3 = arith.constant 0 : index
    %get3A_4 = vector.load %arg2[%get3A_2, %get3A_3] : memref<256x256xi32, #tpu.memory_space<vmem>>, vector<256x256xi32>
    %iota3A = tpu.iota {dimensions = array<i32: 1>} : vector<256x256xi32>
    %iota3A_5 = tpu.iota {dimensions = array<i32: 1>} : vector<256x64xi32>
    %broadcast_in_dim3A = arith.constant 0.000000e+00 : f32
    %broadcast_in_dim3A_6 = vector.broadcast %broadcast_in_dim3A : f32 to vector<256x64xf32>
    %broadcast_in_dim3A_7 = arith.constant 0 : i32
    %broadcast_in_dim3A_8 = vector.broadcast %broadcast_in_dim3A_7 : i32 to vector<256x64xi32>
    %scan3A = arith.constant 0 : i32
    %scan3A_9 = arith.constant 64 : i32
    %scan3A_10 = arith.addi %scan3A, %scan3A_9 : i32
    %scan3A_11 = arith.constant 1 : i32
    %scan3A_12:3 = scf.for %scan3A_800 = %scan3A to %scan3A_10 step %scan3A_11 iter_args(%scan3A_801 = %get3A_1, %scan3A_802 = %broadcast_in_dim3A_6, %scan3A_803 = %broadcast_in_dim3A_8) -> (vector<256x256xf32>, vector<256x64xf32>, vector<256x64xi32>)  : i32 {
      %reduce_max3A_804 = arith.constant dense<0xFF800000> : vector<256xf32>
      %reduce_max3A_805 = vector.multi_reduction <maximumf>, %scan3A_801, %reduce_max3A_804 [1] : vector<256x256xf32> to vector<256xf32>
      %broadcast_in_dim3A_806 = vector.shape_cast %reduce_max3A_805 : vector<256xf32> to vector<256x1xf32>
      %eq3A_807 = vector.broadcast %broadcast_in_dim3A_806 : vector<256x1xf32> to vector<256x256xf32>
      %eq3A_808 = arith.cmpf oeq, %scan3A_801, %eq3A_807 : vector<256x256xf32>
      %jit3A_809 = arith.constant 256 : i32
      %broadcast_in_dim3A_810 = vector.broadcast %jit3A_809 : i32 to vector<256x256xi32>
      %select_n3A_811 = arith.select %eq3A_808, %iota3A, %broadcast_in_dim3A_810 : vector<256x256xi1>, vector<256x256xi32>
      %reduce_min3A = arith.constant dense<2147483647> : vector<256xi32>
      %reduce_min3A_812 = vector.multi_reduction <minsi>, %select_n3A_811, %reduce_min3A [1] : vector<256x256xi32> to vector<256xi32>
      %broadcast_in_dim3A_813 = vector.shape_cast %reduce_min3A_812 : vector<256xi32> to vector<256x1xi32>
      %eq3A_814 = vector.broadcast %broadcast_in_dim3A_813 : vector<256x1xi32> to vector<256x256xi32>
      %eq3A_815 = arith.cmpi eq, %iota3A, %eq3A_814 : vector<256x256xi32>
      %jit3A_816 = arith.constant 0 : i32
      %broadcast_in_dim3A_817 = vector.broadcast %jit3A_816 : i32 to vector<256x256xi32>
      %select_n3A_818 = arith.select %eq3A_815, %get3A_4, %broadcast_in_dim3A_817 : vector<256x256xi1>, vector<256x256xi32>
      %reduce_sum3A_819 = arith.constant dense<0> : vector<256xi32>
      %reduce_sum3A_820 = vector.multi_reduction <add>, %select_n3A_818, %reduce_sum3A_819 [1] : vector<256x256xi32> to vector<256xi32>
      %jit3A_821 = arith.constant 0xFF800000 : f32
      %broadcast_in_dim3A_822 = vector.broadcast %jit3A_821 : f32 to vector<256x256xf32>
      %select_n3A_823 = arith.select %eq3A_815, %broadcast_in_dim3A_822, %scan3A_801 : vector<256x256xi1>, vector<256x256xf32>
      %eq3A_824 = vector.broadcast %scan3A_800 : i32 to vector<256x64xi32>
      %eq3A_825 = arith.cmpi eq, %iota3A_5, %eq3A_824 : vector<256x64xi32>
      %broadcast_in_dim3A_826 = vector.shape_cast %reduce_max3A_805 : vector<256xf32> to vector<256x1xf32>
      %broadcast_in_dim3A_827 = vector.shape_cast %broadcast_in_dim3A_826 : vector<256x1xf32> to vector<256x1xf32>
      %broadcast_in_dim3A_828 = vector.broadcast %broadcast_in_dim3A_827 : vector<256x1xf32> to vector<256x64xf32>
      %select_n3A_829 = arith.select %eq3A_825, %broadcast_in_dim3A_828, %scan3A_802 : vector<256x64xi1>, vector<256x64xf32>
      %eq3A_830 = vector.broadcast %scan3A_800 : i32 to vector<256x64xi32>
      %eq3A_831 = arith.cmpi eq, %iota3A_5, %eq3A_830 : vector<256x64xi32>
      %broadcast_in_dim3A_832 = vector.shape_cast %reduce_sum3A_820 : vector<256xi32> to vector<256x1xi32>
      %broadcast_in_dim3A_833 = vector.shape_cast %broadcast_in_dim3A_832 : vector<256x1xi32> to vector<256x1xi32>
      %broadcast_in_dim3A_834 = vector.broadcast %broadcast_in_dim3A_833 : vector<256x1xi32> to vector<256x64xi32>
      %select_n3A_835 = arith.select %eq3A_831, %broadcast_in_dim3A_834, %scan3A_803 : vector<256x64xi1>, vector<256x64xi32>
      scf.yield %select_n3A_823, %select_n3A_829, %select_n3A_835 : vector<256x256xf32>, vector<256x64xf32>, vector<256x64xi32>
    }
    %scan3A_13 = arith.constant 64 : i32
    %exp3A = math.exp %scan3A_12#1 : vector<256x64xf32>
    %reduce_max3A = arith.constant dense<0xFF800000> : vector<256xf32>
    %reduce_max3A_14 = vector.multi_reduction <maximumf>, %exp3A, %reduce_max3A [1] : vector<256x64xf32> to vector<256xf32>
    %broadcast_in_dim3A_15 = vector.shape_cast %reduce_max3A_14 : vector<256xf32> to vector<256x1xf32>
    %sub3A = vector.broadcast %broadcast_in_dim3A_15 : vector<256x1xf32> to vector<256x64xf32>
    %sub3A_16 = arith.subf %exp3A, %sub3A : vector<256x64xf32>
    %exp3A_17 = math.exp %sub3A_16 : vector<256x64xf32>
    %reduce_sum3A = arith.constant dense<0.000000e+00> : vector<256xf32>
    %reduce_sum3A_18 = vector.multi_reduction <add>, %exp3A_17, %reduce_sum3A [1] : vector<256x64xf32> to vector<256xf32>
    %broadcast_in_dim3A_19 = vector.shape_cast %reduce_sum3A_18 : vector<256xf32> to vector<256x1xf32>
    %div3A = vector.broadcast %broadcast_in_dim3A_19 : vector<256x1xf32> to vector<256x64xf32>
    %div3A_20 = arith.divf %exp3A_17, %div3A : vector<256x64xf32>
    %get3A_21 = arith.constant 0 : index
    %get3A_22 = arith.constant 0 : index
    %get3A_23 = vector.load %arg3[%get3A_21, %get3A_22] : memref<256x64xi32, #tpu.memory_space<vmem>>, vector<256x64xi32>
    %shift_right_arithmetic3A = arith.constant 7 : i32
    %shift_right_arithmetic3A_24 = vector.broadcast %shift_right_arithmetic3A : i32 to vector<256x64xi32>
    %shift_right_arithmetic3A_25 = arith.shrsi %scan3A_12#2, %shift_right_arithmetic3A_24 : vector<256x64xi32>
    %and3A = arith.constant 127 : i32
    %and3A_26 = vector.broadcast %and3A : i32 to vector<256x64xi32>
    %and3A_27 = arith.andi %scan3A_12#2, %and3A_26 : vector<256x64xi32>
    %broadcast_in_dim3A_28 = arith.constant 0 : i32
    %broadcast_in_dim3A_29 = vector.broadcast %broadcast_in_dim3A_28 : i32 to vector<256x64xi32>
    %eq3A = arith.constant 0 : i32
    %eq3A_30 = vector.broadcast %eq3A : i32 to vector<256x64xi32>
    %eq3A_31 = arith.cmpi eq, %shift_right_arithmetic3A_25, %eq3A_30 : vector<256x64xi32>
    %slice3A = vector.extract_strided_slice %get3A_23 {offsets = [0, 0], sizes = [256, 1], strides = [1, 1]} : vector<256x64xi32> to vector<256x1xi32>
    %squeeze3A = vector.shape_cast %slice3A : vector<256x1xi32> to vector<256xi32>
    %broadcast_in_dim3A_32 = vector.shape_cast %squeeze3A : vector<256xi32> to vector<256x1xi32>
    %jit3A = arith.constant 0 : i32
    %broadcast_in_dim3A_33 = vector.shape_cast %broadcast_in_dim3A_32 : vector<256x1xi32> to vector<256x1xi32>
    %broadcast_in_dim3A_34 = vector.broadcast %broadcast_in_dim3A_33 : vector<256x1xi32> to vector<256x64xi32>
    %broadcast_in_dim3A_35 = vector.broadcast %jit3A : i32 to vector<256x64xi32>
    %select_n3A = arith.select %eq3A_31, %broadcast_in_dim3A_34, %broadcast_in_dim3A_35 : vector<256x64xi1>, vector<256x64xi32>
    %add3A = arith.addi %broadcast_in_dim3A_29, %select_n3A : vector<256x64xi32>
    %eq3A_36 = arith.constant 1 : i32
    %eq3A_37 = vector.broadcast %eq3A_36 : i32 to vector<256x64xi32>
    %eq3A_38 = arith.cmpi eq, %shift_right_arithmetic3A_25, %eq3A_37 : vector<256x64xi32>
    %slice3A_39 = vector.extract_strided_slice %get3A_23 {offsets = [0, 1], sizes = [256, 1], strides = [1, 1]} : vector<256x64xi32> to vector<256x1xi32>
    %squeeze3A_40 = vector.shape_cast %slice3A_39 : vector<256x1xi32> to vector<256xi32>
    %broadcast_in_dim3A_41 = vector.shape_cast %squeeze3A_40 : vector<256xi32> to vector<256x1xi32>
    %jit3A_42 = arith.constant 0 : i32
    %broadcast_in_dim3A_43 = vector.shape_cast %broadcast_in_dim3A_41 : vector<256x1xi32> to vector<256x1xi32>
    %broadcast_in_dim3A_44 = vector.broadcast %broadcast_in_dim3A_43 : vector<256x1xi32> to vector<256x64xi32>
    %broadcast_in_dim3A_45 = vector.broadcast %jit3A_42 : i32 to vector<256x64xi32>
    %select_n3A_46 = arith.select %eq3A_38, %broadcast_in_dim3A_44, %broadcast_in_dim3A_45 : vector<256x64xi1>, vector<256x64xi32>
    %add3A_47 = arith.addi %add3A, %select_n3A_46 : vector<256x64xi32>
    %eq3A_48 = arith.constant 2 : i32
    %eq3A_49 = vector.broadcast %eq3A_48 : i32 to vector<256x64xi32>
    %eq3A_50 = arith.cmpi eq, %shift_right_arithmetic3A_25, %eq3A_49 : vector<256x64xi32>
    %slice3A_51 = vector.extract_strided_slice %get3A_23 {offsets = [0, 2], sizes = [256, 1], strides = [1, 1]} : vector<256x64xi32> to vector<256x1xi32>
    %squeeze3A_52 = vector.shape_cast %slice3A_51 : vector<256x1xi32> to vector<256xi32>
    %broadcast_in_dim3A_53 = vector.shape_cast %squeeze3A_52 : vector<256xi32> to vector<256x1xi32>
    %jit3A_54 = arith.constant 0 : i32
    %broadcast_in_dim3A_55 = vector.shape_cast %broadcast_in_dim3A_53 : vector<256x1xi32> to vector<256x1xi32>
    %broadcast_in_dim3A_56 = vector.broadcast %broadcast_in_dim3A_55 : vector<256x1xi32> to vector<256x64xi32>
    %broadcast_in_dim3A_57 = vector.broadcast %jit3A_54 : i32 to vector<256x64xi32>
    %select_n3A_58 = arith.select %eq3A_50, %broadcast_in_dim3A_56, %broadcast_in_dim3A_57 : vector<256x64xi1>, vector<256x64xi32>
    %add3A_59 = arith.addi %add3A_47, %select_n3A_58 : vector<256x64xi32>
    %eq3A_60 = arith.constant 3 : i32
    %eq3A_61 = vector.broadcast %eq3A_60 : i32 to vector<256x64xi32>
    %eq3A_62 = arith.cmpi eq, %shift_right_arithmetic3A_25, %eq3A_61 : vector<256x64xi32>
    %slice3A_63 = vector.extract_strided_slice %get3A_23 {offsets = [0, 3], sizes = [256, 1], strides = [1, 1]} : vector<256x64xi32> to vector<256x1xi32>
    %squeeze3A_64 = vector.shape_cast %slice3A_63 : vector<256x1xi32> to vector<256xi32>
    %broadcast_in_dim3A_65 = vector.shape_cast %squeeze3A_64 : vector<256xi32> to vector<256x1xi32>
    %jit3A_66 = arith.constant 0 : i32
    %broadcast_in_dim3A_67 = vector.shape_cast %broadcast_in_dim3A_65 : vector<256x1xi32> to vector<256x1xi32>
    %broadcast_in_dim3A_68 = vector.broadcast %broadcast_in_dim3A_67 : vector<256x1xi32> to vector<256x64xi32>
    %broadcast_in_dim3A_69 = vector.broadcast %jit3A_66 : i32 to vector<256x64xi32>
    %select_n3A_70 = arith.select %eq3A_62, %broadcast_in_dim3A_68, %broadcast_in_dim3A_69 : vector<256x64xi1>, vector<256x64xi32>
    %add3A_71 = arith.addi %add3A_59, %select_n3A_70 : vector<256x64xi32>
    %eq3A_72 = arith.constant 4 : i32
    %eq3A_73 = vector.broadcast %eq3A_72 : i32 to vector<256x64xi32>
    %eq3A_74 = arith.cmpi eq, %shift_right_arithmetic3A_25, %eq3A_73 : vector<256x64xi32>
    %slice3A_75 = vector.extract_strided_slice %get3A_23 {offsets = [0, 4], sizes = [256, 1], strides = [1, 1]} : vector<256x64xi32> to vector<256x1xi32>
    %squeeze3A_76 = vector.shape_cast %slice3A_75 : vector<256x1xi32> to vector<256xi32>
    %broadcast_in_dim3A_77 = vector.shape_cast %squeeze3A_76 : vector<256xi32> to vector<256x1xi32>
    %jit3A_78 = arith.constant 0 : i32
    %broadcast_in_dim3A_79 = vector.shape_cast %broadcast_in_dim3A_77 : vector<256x1xi32> to vector<256x1xi32>
    %broadcast_in_dim3A_80 = vector.broadcast %broadcast_in_dim3A_79 : vector<256x1xi32> to vector<256x64xi32>
    %broadcast_in_dim3A_81 = vector.broadcast %jit3A_78 : i32 to vector<256x64xi32>
    %select_n3A_82 = arith.select %eq3A_74, %broadcast_in_dim3A_80, %broadcast_in_dim3A_81 : vector<256x64xi1>, vector<256x64xi32>
    %add3A_83 = arith.addi %add3A_71, %select_n3A_82 : vector<256x64xi32>
    %eq3A_84 = arith.constant 5 : i32
    %eq3A_85 = vector.broadcast %eq3A_84 : i32 to vector<256x64xi32>
    %eq3A_86 = arith.cmpi eq, %shift_right_arithmetic3A_25, %eq3A_85 : vector<256x64xi32>
    %slice3A_87 = vector.extract_strided_slice %get3A_23 {offsets = [0, 5], sizes = [256, 1], strides = [1, 1]} : vector<256x64xi32> to vector<256x1xi32>
    %squeeze3A_88 = vector.shape_cast %slice3A_87 : vector<256x1xi32> to vector<256xi32>
    %broadcast_in_dim3A_89 = vector.shape_cast %squeeze3A_88 : vector<256xi32> to vector<256x1xi32>
    %jit3A_90 = arith.constant 0 : i32
    %broadcast_in_dim3A_91 = vector.shape_cast %broadcast_in_dim3A_89 : vector<256x1xi32> to vector<256x1xi32>
    %broadcast_in_dim3A_92 = vector.broadcast %broadcast_in_dim3A_91 : vector<256x1xi32> to vector<256x64xi32>
    %broadcast_in_dim3A_93 = vector.broadcast %jit3A_90 : i32 to vector<256x64xi32>
    %select_n3A_94 = arith.select %eq3A_86, %broadcast_in_dim3A_92, %broadcast_in_dim3A_93 : vector<256x64xi1>, vector<256x64xi32>
    %add3A_95 = arith.addi %add3A_83, %select_n3A_94 : vector<256x64xi32>
    %eq3A_96 = arith.constant 6 : i32
    %eq3A_97 = vector.broadcast %eq3A_96 : i32 to vector<256x64xi32>
    %eq3A_98 = arith.cmpi eq, %shift_right_arithmetic3A_25, %eq3A_97 : vector<256x64xi32>
    %slice3A_99 = vector.extract_strided_slice %get3A_23 {offsets = [0, 6], sizes = [256, 1], strides = [1, 1]} : vector<256x64xi32> to vector<256x1xi32>
    %squeeze3A_100 = vector.shape_cast %slice3A_99 : vector<256x1xi32> to vector<256xi32>
    %broadcast_in_dim3A_101 = vector.shape_cast %squeeze3A_100 : vector<256xi32> to vector<256x1xi32>
    %jit3A_102 = arith.constant 0 : i32
    %broadcast_in_dim3A_103 = vector.shape_cast %broadcast_in_dim3A_101 : vector<256x1xi32> to vector<256x1xi32>
    %broadcast_in_dim3A_104 = vector.broadcast %broadcast_in_dim3A_103 : vector<256x1xi32> to vector<256x64xi32>
    %broadcast_in_dim3A_105 = vector.broadcast %jit3A_102 : i32 to vector<256x64xi32>
    %select_n3A_106 = arith.select %eq3A_98, %broadcast_in_dim3A_104, %broadcast_in_dim3A_105 : vector<256x64xi1>, vector<256x64xi32>
    %add3A_107 = arith.addi %add3A_95, %select_n3A_106 : vector<256x64xi32>
    %eq3A_108 = arith.constant 7 : i32
    %eq3A_109 = vector.broadcast %eq3A_108 : i32 to vector<256x64xi32>
    %eq3A_110 = arith.cmpi eq, %shift_right_arithmetic3A_25, %eq3A_109 : vector<256x64xi32>
    %slice3A_111 = vector.extract_strided_slice %get3A_23 {offsets = [0, 7], sizes = [256, 1], strides = [1, 1]} : vector<256x64xi32> to vector<256x1xi32>
    %squeeze3A_112 = vector.shape_cast %slice3A_111 : vector<256x1xi32> to vector<256xi32>
    %broadcast_in_dim3A_113 = vector.shape_cast %squeeze3A_112 : vector<256xi32> to vector<256x1xi32>
    %jit3A_114 = arith.constant 0 : i32
    %broadcast_in_dim3A_115 = vector.shape_cast %broadcast_in_dim3A_113 : vector<256x1xi32> to vector<256x1xi32>
    %broadcast_in_dim3A_116 = vector.broadcast %broadcast_in_dim3A_115 : vector<256x1xi32> to vector<256x64xi32>
    %broadcast_in_dim3A_117 = vector.broadcast %jit3A_114 : i32 to vector<256x64xi32>
    %select_n3A_118 = arith.select %eq3A_110, %broadcast_in_dim3A_116, %broadcast_in_dim3A_117 : vector<256x64xi1>, vector<256x64xi32>
    %add3A_119 = arith.addi %add3A_107, %select_n3A_118 : vector<256x64xi32>
    %eq3A_120 = arith.constant 8 : i32
    %eq3A_121 = vector.broadcast %eq3A_120 : i32 to vector<256x64xi32>
    %eq3A_122 = arith.cmpi eq, %shift_right_arithmetic3A_25, %eq3A_121 : vector<256x64xi32>
    %slice3A_123 = vector.extract_strided_slice %get3A_23 {offsets = [0, 8], sizes = [256, 1], strides = [1, 1]} : vector<256x64xi32> to vector<256x1xi32>
    %squeeze3A_124 = vector.shape_cast %slice3A_123 : vector<256x1xi32> to vector<256xi32>
    %broadcast_in_dim3A_125 = vector.shape_cast %squeeze3A_124 : vector<256xi32> to vector<256x1xi32>
    %jit3A_126 = arith.constant 0 : i32
    %broadcast_in_dim3A_127 = vector.shape_cast %broadcast_in_dim3A_125 : vector<256x1xi32> to vector<256x1xi32>
    %broadcast_in_dim3A_128 = vector.broadcast %broadcast_in_dim3A_127 : vector<256x1xi32> to vector<256x64xi32>
    %broadcast_in_dim3A_129 = vector.broadcast %jit3A_126 : i32 to vector<256x64xi32>
    %select_n3A_130 = arith.select %eq3A_122, %broadcast_in_dim3A_128, %broadcast_in_dim3A_129 : vector<256x64xi1>, vector<256x64xi32>
    %add3A_131 = arith.addi %add3A_119, %select_n3A_130 : vector<256x64xi32>
    %eq3A_132 = arith.constant 9 : i32
    %eq3A_133 = vector.broadcast %eq3A_132 : i32 to vector<256x64xi32>
    %eq3A_134 = arith.cmpi eq, %shift_right_arithmetic3A_25, %eq3A_133 : vector<256x64xi32>
    %slice3A_135 = vector.extract_strided_slice %get3A_23 {offsets = [0, 9], sizes = [256, 1], strides = [1, 1]} : vector<256x64xi32> to vector<256x1xi32>
    %squeeze3A_136 = vector.shape_cast %slice3A_135 : vector<256x1xi32> to vector<256xi32>
    %broadcast_in_dim3A_137 = vector.shape_cast %squeeze3A_136 : vector<256xi32> to vector<256x1xi32>
    %jit3A_138 = arith.constant 0 : i32
    %broadcast_in_dim3A_139 = vector.shape_cast %broadcast_in_dim3A_137 : vector<256x1xi32> to vector<256x1xi32>
    %broadcast_in_dim3A_140 = vector.broadcast %broadcast_in_dim3A_139 : vector<256x1xi32> to vector<256x64xi32>
    %broadcast_in_dim3A_141 = vector.broadcast %jit3A_138 : i32 to vector<256x64xi32>
    %select_n3A_142 = arith.select %eq3A_134, %broadcast_in_dim3A_140, %broadcast_in_dim3A_141 : vector<256x64xi1>, vector<256x64xi32>
    %add3A_143 = arith.addi %add3A_131, %select_n3A_142 : vector<256x64xi32>
    %eq3A_144 = arith.constant 10 : i32
    %eq3A_145 = vector.broadcast %eq3A_144 : i32 to vector<256x64xi32>
    %eq3A_146 = arith.cmpi eq, %shift_right_arithmetic3A_25, %eq3A_145 : vector<256x64xi32>
    %slice3A_147 = vector.extract_strided_slice %get3A_23 {offsets = [0, 10], sizes = [256, 1], strides = [1, 1]} : vector<256x64xi32> to vector<256x1xi32>
    %squeeze3A_148 = vector.shape_cast %slice3A_147 : vector<256x1xi32> to vector<256xi32>
    %broadcast_in_dim3A_149 = vector.shape_cast %squeeze3A_148 : vector<256xi32> to vector<256x1xi32>
    %jit3A_150 = arith.constant 0 : i32
    %broadcast_in_dim3A_151 = vector.shape_cast %broadcast_in_dim3A_149 : vector<256x1xi32> to vector<256x1xi32>
    %broadcast_in_dim3A_152 = vector.broadcast %broadcast_in_dim3A_151 : vector<256x1xi32> to vector<256x64xi32>
    %broadcast_in_dim3A_153 = vector.broadcast %jit3A_150 : i32 to vector<256x64xi32>
    %select_n3A_154 = arith.select %eq3A_146, %broadcast_in_dim3A_152, %broadcast_in_dim3A_153 : vector<256x64xi1>, vector<256x64xi32>
    %add3A_155 = arith.addi %add3A_143, %select_n3A_154 : vector<256x64xi32>
    %eq3A_156 = arith.constant 11 : i32
    %eq3A_157 = vector.broadcast %eq3A_156 : i32 to vector<256x64xi32>
    %eq3A_158 = arith.cmpi eq, %shift_right_arithmetic3A_25, %eq3A_157 : vector<256x64xi32>
    %slice3A_159 = vector.extract_strided_slice %get3A_23 {offsets = [0, 11], sizes = [256, 1], strides = [1, 1]} : vector<256x64xi32> to vector<256x1xi32>
    %squeeze3A_160 = vector.shape_cast %slice3A_159 : vector<256x1xi32> to vector<256xi32>
    %broadcast_in_dim3A_161 = vector.shape_cast %squeeze3A_160 : vector<256xi32> to vector<256x1xi32>
    %jit3A_162 = arith.constant 0 : i32
    %broadcast_in_dim3A_163 = vector.shape_cast %broadcast_in_dim3A_161 : vector<256x1xi32> to vector<256x1xi32>
    %broadcast_in_dim3A_164 = vector.broadcast %broadcast_in_dim3A_163 : vector<256x1xi32> to vector<256x64xi32>
    %broadcast_in_dim3A_165 = vector.broadcast %jit3A_162 : i32 to vector<256x64xi32>
    %select_n3A_166 = arith.select %eq3A_158, %broadcast_in_dim3A_164, %broadcast_in_dim3A_165 : vector<256x64xi1>, vector<256x64xi32>
    %add3A_167 = arith.addi %add3A_155, %select_n3A_166 : vector<256x64xi32>
    %eq3A_168 = arith.constant 12 : i32
    %eq3A_169 = vector.broadcast %eq3A_168 : i32 to vector<256x64xi32>
    %eq3A_170 = arith.cmpi eq, %shift_right_arithmetic3A_25, %eq3A_169 : vector<256x64xi32>
    %slice3A_171 = vector.extract_strided_slice %get3A_23 {offsets = [0, 12], sizes = [256, 1], strides = [1, 1]} : vector<256x64xi32> to vector<256x1xi32>
    %squeeze3A_172 = vector.shape_cast %slice3A_171 : vector<256x1xi32> to vector<256xi32>
    %broadcast_in_dim3A_173 = vector.shape_cast %squeeze3A_172 : vector<256xi32> to vector<256x1xi32>
    %jit3A_174 = arith.constant 0 : i32
    %broadcast_in_dim3A_175 = vector.shape_cast %broadcast_in_dim3A_173 : vector<256x1xi32> to vector<256x1xi32>
    %broadcast_in_dim3A_176 = vector.broadcast %broadcast_in_dim3A_175 : vector<256x1xi32> to vector<256x64xi32>
    %broadcast_in_dim3A_177 = vector.broadcast %jit3A_174 : i32 to vector<256x64xi32>
    %select_n3A_178 = arith.select %eq3A_170, %broadcast_in_dim3A_176, %broadcast_in_dim3A_177 : vector<256x64xi1>, vector<256x64xi32>
    %add3A_179 = arith.addi %add3A_167, %select_n3A_178 : vector<256x64xi32>
    %eq3A_180 = arith.constant 13 : i32
    %eq3A_181 = vector.broadcast %eq3A_180 : i32 to vector<256x64xi32>
    %eq3A_182 = arith.cmpi eq, %shift_right_arithmetic3A_25, %eq3A_181 : vector<256x64xi32>
    %slice3A_183 = vector.extract_strided_slice %get3A_23 {offsets = [0, 13], sizes = [256, 1], strides = [1, 1]} : vector<256x64xi32> to vector<256x1xi32>
    %squeeze3A_184 = vector.shape_cast %slice3A_183 : vector<256x1xi32> to vector<256xi32>
    %broadcast_in_dim3A_185 = vector.shape_cast %squeeze3A_184 : vector<256xi32> to vector<256x1xi32>
    %jit3A_186 = arith.constant 0 : i32
    %broadcast_in_dim3A_187 = vector.shape_cast %broadcast_in_dim3A_185 : vector<256x1xi32> to vector<256x1xi32>
    %broadcast_in_dim3A_188 = vector.broadcast %broadcast_in_dim3A_187 : vector<256x1xi32> to vector<256x64xi32>
    %broadcast_in_dim3A_189 = vector.broadcast %jit3A_186 : i32 to vector<256x64xi32>
    %select_n3A_190 = arith.select %eq3A_182, %broadcast_in_dim3A_188, %broadcast_in_dim3A_189 : vector<256x64xi1>, vector<256x64xi32>
    %add3A_191 = arith.addi %add3A_179, %select_n3A_190 : vector<256x64xi32>
    %eq3A_192 = arith.constant 14 : i32
    %eq3A_193 = vector.broadcast %eq3A_192 : i32 to vector<256x64xi32>
    %eq3A_194 = arith.cmpi eq, %shift_right_arithmetic3A_25, %eq3A_193 : vector<256x64xi32>
    %slice3A_195 = vector.extract_strided_slice %get3A_23 {offsets = [0, 14], sizes = [256, 1], strides = [1, 1]} : vector<256x64xi32> to vector<256x1xi32>
    %squeeze3A_196 = vector.shape_cast %slice3A_195 : vector<256x1xi32> to vector<256xi32>
    %broadcast_in_dim3A_197 = vector.shape_cast %squeeze3A_196 : vector<256xi32> to vector<256x1xi32>
    %jit3A_198 = arith.constant 0 : i32
    %broadcast_in_dim3A_199 = vector.shape_cast %broadcast_in_dim3A_197 : vector<256x1xi32> to vector<256x1xi32>
    %broadcast_in_dim3A_200 = vector.broadcast %broadcast_in_dim3A_199 : vector<256x1xi32> to vector<256x64xi32>
    %broadcast_in_dim3A_201 = vector.broadcast %jit3A_198 : i32 to vector<256x64xi32>
    %select_n3A_202 = arith.select %eq3A_194, %broadcast_in_dim3A_200, %broadcast_in_dim3A_201 : vector<256x64xi1>, vector<256x64xi32>
    %add3A_203 = arith.addi %add3A_191, %select_n3A_202 : vector<256x64xi32>
    %eq3A_204 = arith.constant 15 : i32
    %eq3A_205 = vector.broadcast %eq3A_204 : i32 to vector<256x64xi32>
    %eq3A_206 = arith.cmpi eq, %shift_right_arithmetic3A_25, %eq3A_205 : vector<256x64xi32>
    %slice3A_207 = vector.extract_strided_slice %get3A_23 {offsets = [0, 15], sizes = [256, 1], strides = [1, 1]} : vector<256x64xi32> to vector<256x1xi32>
    %squeeze3A_208 = vector.shape_cast %slice3A_207 : vector<256x1xi32> to vector<256xi32>
    %broadcast_in_dim3A_209 = vector.shape_cast %squeeze3A_208 : vector<256xi32> to vector<256x1xi32>
    %jit3A_210 = arith.constant 0 : i32
    %broadcast_in_dim3A_211 = vector.shape_cast %broadcast_in_dim3A_209 : vector<256x1xi32> to vector<256x1xi32>
    %broadcast_in_dim3A_212 = vector.broadcast %broadcast_in_dim3A_211 : vector<256x1xi32> to vector<256x64xi32>
    %broadcast_in_dim3A_213 = vector.broadcast %jit3A_210 : i32 to vector<256x64xi32>
    %select_n3A_214 = arith.select %eq3A_206, %broadcast_in_dim3A_212, %broadcast_in_dim3A_213 : vector<256x64xi1>, vector<256x64xi32>
    %add3A_215 = arith.addi %add3A_203, %select_n3A_214 : vector<256x64xi32>
    %eq3A_216 = arith.constant 16 : i32
    %eq3A_217 = vector.broadcast %eq3A_216 : i32 to vector<256x64xi32>
    %eq3A_218 = arith.cmpi eq, %shift_right_arithmetic3A_25, %eq3A_217 : vector<256x64xi32>
    %slice3A_219 = vector.extract_strided_slice %get3A_23 {offsets = [0, 16], sizes = [256, 1], strides = [1, 1]} : vector<256x64xi32> to vector<256x1xi32>
    %squeeze3A_220 = vector.shape_cast %slice3A_219 : vector<256x1xi32> to vector<256xi32>
    %broadcast_in_dim3A_221 = vector.shape_cast %squeeze3A_220 : vector<256xi32> to vector<256x1xi32>
    %jit3A_222 = arith.constant 0 : i32
    %broadcast_in_dim3A_223 = vector.shape_cast %broadcast_in_dim3A_221 : vector<256x1xi32> to vector<256x1xi32>
    %broadcast_in_dim3A_224 = vector.broadcast %broadcast_in_dim3A_223 : vector<256x1xi32> to vector<256x64xi32>
    %broadcast_in_dim3A_225 = vector.broadcast %jit3A_222 : i32 to vector<256x64xi32>
    %select_n3A_226 = arith.select %eq3A_218, %broadcast_in_dim3A_224, %broadcast_in_dim3A_225 : vector<256x64xi1>, vector<256x64xi32>
    %add3A_227 = arith.addi %add3A_215, %select_n3A_226 : vector<256x64xi32>
    %eq3A_228 = arith.constant 17 : i32
    %eq3A_229 = vector.broadcast %eq3A_228 : i32 to vector<256x64xi32>
    %eq3A_230 = arith.cmpi eq, %shift_right_arithmetic3A_25, %eq3A_229 : vector<256x64xi32>
    %slice3A_231 = vector.extract_strided_slice %get3A_23 {offsets = [0, 17], sizes = [256, 1], strides = [1, 1]} : vector<256x64xi32> to vector<256x1xi32>
    %squeeze3A_232 = vector.shape_cast %slice3A_231 : vector<256x1xi32> to vector<256xi32>
    %broadcast_in_dim3A_233 = vector.shape_cast %squeeze3A_232 : vector<256xi32> to vector<256x1xi32>
    %jit3A_234 = arith.constant 0 : i32
    %broadcast_in_dim3A_235 = vector.shape_cast %broadcast_in_dim3A_233 : vector<256x1xi32> to vector<256x1xi32>
    %broadcast_in_dim3A_236 = vector.broadcast %broadcast_in_dim3A_235 : vector<256x1xi32> to vector<256x64xi32>
    %broadcast_in_dim3A_237 = vector.broadcast %jit3A_234 : i32 to vector<256x64xi32>
    %select_n3A_238 = arith.select %eq3A_230, %broadcast_in_dim3A_236, %broadcast_in_dim3A_237 : vector<256x64xi1>, vector<256x64xi32>
    %add3A_239 = arith.addi %add3A_227, %select_n3A_238 : vector<256x64xi32>
    %eq3A_240 = arith.constant 18 : i32
    %eq3A_241 = vector.broadcast %eq3A_240 : i32 to vector<256x64xi32>
    %eq3A_242 = arith.cmpi eq, %shift_right_arithmetic3A_25, %eq3A_241 : vector<256x64xi32>
    %slice3A_243 = vector.extract_strided_slice %get3A_23 {offsets = [0, 18], sizes = [256, 1], strides = [1, 1]} : vector<256x64xi32> to vector<256x1xi32>
    %squeeze3A_244 = vector.shape_cast %slice3A_243 : vector<256x1xi32> to vector<256xi32>
    %broadcast_in_dim3A_245 = vector.shape_cast %squeeze3A_244 : vector<256xi32> to vector<256x1xi32>
    %jit3A_246 = arith.constant 0 : i32
    %broadcast_in_dim3A_247 = vector.shape_cast %broadcast_in_dim3A_245 : vector<256x1xi32> to vector<256x1xi32>
    %broadcast_in_dim3A_248 = vector.broadcast %broadcast_in_dim3A_247 : vector<256x1xi32> to vector<256x64xi32>
    %broadcast_in_dim3A_249 = vector.broadcast %jit3A_246 : i32 to vector<256x64xi32>
    %select_n3A_250 = arith.select %eq3A_242, %broadcast_in_dim3A_248, %broadcast_in_dim3A_249 : vector<256x64xi1>, vector<256x64xi32>
    %add3A_251 = arith.addi %add3A_239, %select_n3A_250 : vector<256x64xi32>
    %eq3A_252 = arith.constant 19 : i32
    %eq3A_253 = vector.broadcast %eq3A_252 : i32 to vector<256x64xi32>
    %eq3A_254 = arith.cmpi eq, %shift_right_arithmetic3A_25, %eq3A_253 : vector<256x64xi32>
    %slice3A_255 = vector.extract_strided_slice %get3A_23 {offsets = [0, 19], sizes = [256, 1], strides = [1, 1]} : vector<256x64xi32> to vector<256x1xi32>
    %squeeze3A_256 = vector.shape_cast %slice3A_255 : vector<256x1xi32> to vector<256xi32>
    %broadcast_in_dim3A_257 = vector.shape_cast %squeeze3A_256 : vector<256xi32> to vector<256x1xi32>
    %jit3A_258 = arith.constant 0 : i32
    %broadcast_in_dim3A_259 = vector.shape_cast %broadcast_in_dim3A_257 : vector<256x1xi32> to vector<256x1xi32>
    %broadcast_in_dim3A_260 = vector.broadcast %broadcast_in_dim3A_259 : vector<256x1xi32> to vector<256x64xi32>
    %broadcast_in_dim3A_261 = vector.broadcast %jit3A_258 : i32 to vector<256x64xi32>
    %select_n3A_262 = arith.select %eq3A_254, %broadcast_in_dim3A_260, %broadcast_in_dim3A_261 : vector<256x64xi1>, vector<256x64xi32>
    %add3A_263 = arith.addi %add3A_251, %select_n3A_262 : vector<256x64xi32>
    %eq3A_264 = arith.constant 20 : i32
    %eq3A_265 = vector.broadcast %eq3A_264 : i32 to vector<256x64xi32>
    %eq3A_266 = arith.cmpi eq, %shift_right_arithmetic3A_25, %eq3A_265 : vector<256x64xi32>
    %slice3A_267 = vector.extract_strided_slice %get3A_23 {offsets = [0, 20], sizes = [256, 1], strides = [1, 1]} : vector<256x64xi32> to vector<256x1xi32>
    %squeeze3A_268 = vector.shape_cast %slice3A_267 : vector<256x1xi32> to vector<256xi32>
    %broadcast_in_dim3A_269 = vector.shape_cast %squeeze3A_268 : vector<256xi32> to vector<256x1xi32>
    %jit3A_270 = arith.constant 0 : i32
    %broadcast_in_dim3A_271 = vector.shape_cast %broadcast_in_dim3A_269 : vector<256x1xi32> to vector<256x1xi32>
    %broadcast_in_dim3A_272 = vector.broadcast %broadcast_in_dim3A_271 : vector<256x1xi32> to vector<256x64xi32>
    %broadcast_in_dim3A_273 = vector.broadcast %jit3A_270 : i32 to vector<256x64xi32>
    %select_n3A_274 = arith.select %eq3A_266, %broadcast_in_dim3A_272, %broadcast_in_dim3A_273 : vector<256x64xi1>, vector<256x64xi32>
    %add3A_275 = arith.addi %add3A_263, %select_n3A_274 : vector<256x64xi32>
    %eq3A_276 = arith.constant 21 : i32
    %eq3A_277 = vector.broadcast %eq3A_276 : i32 to vector<256x64xi32>
    %eq3A_278 = arith.cmpi eq, %shift_right_arithmetic3A_25, %eq3A_277 : vector<256x64xi32>
    %slice3A_279 = vector.extract_strided_slice %get3A_23 {offsets = [0, 21], sizes = [256, 1], strides = [1, 1]} : vector<256x64xi32> to vector<256x1xi32>
    %squeeze3A_280 = vector.shape_cast %slice3A_279 : vector<256x1xi32> to vector<256xi32>
    %broadcast_in_dim3A_281 = vector.shape_cast %squeeze3A_280 : vector<256xi32> to vector<256x1xi32>
    %jit3A_282 = arith.constant 0 : i32
    %broadcast_in_dim3A_283 = vector.shape_cast %broadcast_in_dim3A_281 : vector<256x1xi32> to vector<256x1xi32>
    %broadcast_in_dim3A_284 = vector.broadcast %broadcast_in_dim3A_283 : vector<256x1xi32> to vector<256x64xi32>
    %broadcast_in_dim3A_285 = vector.broadcast %jit3A_282 : i32 to vector<256x64xi32>
    %select_n3A_286 = arith.select %eq3A_278, %broadcast_in_dim3A_284, %broadcast_in_dim3A_285 : vector<256x64xi1>, vector<256x64xi32>
    %add3A_287 = arith.addi %add3A_275, %select_n3A_286 : vector<256x64xi32>
    %eq3A_288 = arith.constant 22 : i32
    %eq3A_289 = vector.broadcast %eq3A_288 : i32 to vector<256x64xi32>
    %eq3A_290 = arith.cmpi eq, %shift_right_arithmetic3A_25, %eq3A_289 : vector<256x64xi32>
    %slice3A_291 = vector.extract_strided_slice %get3A_23 {offsets = [0, 22], sizes = [256, 1], strides = [1, 1]} : vector<256x64xi32> to vector<256x1xi32>
    %squeeze3A_292 = vector.shape_cast %slice3A_291 : vector<256x1xi32> to vector<256xi32>
    %broadcast_in_dim3A_293 = vector.shape_cast %squeeze3A_292 : vector<256xi32> to vector<256x1xi32>
    %jit3A_294 = arith.constant 0 : i32
    %broadcast_in_dim3A_295 = vector.shape_cast %broadcast_in_dim3A_293 : vector<256x1xi32> to vector<256x1xi32>
    %broadcast_in_dim3A_296 = vector.broadcast %broadcast_in_dim3A_295 : vector<256x1xi32> to vector<256x64xi32>
    %broadcast_in_dim3A_297 = vector.broadcast %jit3A_294 : i32 to vector<256x64xi32>
    %select_n3A_298 = arith.select %eq3A_290, %broadcast_in_dim3A_296, %broadcast_in_dim3A_297 : vector<256x64xi1>, vector<256x64xi32>
    %add3A_299 = arith.addi %add3A_287, %select_n3A_298 : vector<256x64xi32>
    %eq3A_300 = arith.constant 23 : i32
    %eq3A_301 = vector.broadcast %eq3A_300 : i32 to vector<256x64xi32>
    %eq3A_302 = arith.cmpi eq, %shift_right_arithmetic3A_25, %eq3A_301 : vector<256x64xi32>
    %slice3A_303 = vector.extract_strided_slice %get3A_23 {offsets = [0, 23], sizes = [256, 1], strides = [1, 1]} : vector<256x64xi32> to vector<256x1xi32>
    %squeeze3A_304 = vector.shape_cast %slice3A_303 : vector<256x1xi32> to vector<256xi32>
    %broadcast_in_dim3A_305 = vector.shape_cast %squeeze3A_304 : vector<256xi32> to vector<256x1xi32>
    %jit3A_306 = arith.constant 0 : i32
    %broadcast_in_dim3A_307 = vector.shape_cast %broadcast_in_dim3A_305 : vector<256x1xi32> to vector<256x1xi32>
    %broadcast_in_dim3A_308 = vector.broadcast %broadcast_in_dim3A_307 : vector<256x1xi32> to vector<256x64xi32>
    %broadcast_in_dim3A_309 = vector.broadcast %jit3A_306 : i32 to vector<256x64xi32>
    %select_n3A_310 = arith.select %eq3A_302, %broadcast_in_dim3A_308, %broadcast_in_dim3A_309 : vector<256x64xi1>, vector<256x64xi32>
    %add3A_311 = arith.addi %add3A_299, %select_n3A_310 : vector<256x64xi32>
    %eq3A_312 = arith.constant 24 : i32
    %eq3A_313 = vector.broadcast %eq3A_312 : i32 to vector<256x64xi32>
    %eq3A_314 = arith.cmpi eq, %shift_right_arithmetic3A_25, %eq3A_313 : vector<256x64xi32>
    %slice3A_315 = vector.extract_strided_slice %get3A_23 {offsets = [0, 24], sizes = [256, 1], strides = [1, 1]} : vector<256x64xi32> to vector<256x1xi32>
    %squeeze3A_316 = vector.shape_cast %slice3A_315 : vector<256x1xi32> to vector<256xi32>
    %broadcast_in_dim3A_317 = vector.shape_cast %squeeze3A_316 : vector<256xi32> to vector<256x1xi32>
    %jit3A_318 = arith.constant 0 : i32
    %broadcast_in_dim3A_319 = vector.shape_cast %broadcast_in_dim3A_317 : vector<256x1xi32> to vector<256x1xi32>
    %broadcast_in_dim3A_320 = vector.broadcast %broadcast_in_dim3A_319 : vector<256x1xi32> to vector<256x64xi32>
    %broadcast_in_dim3A_321 = vector.broadcast %jit3A_318 : i32 to vector<256x64xi32>
    %select_n3A_322 = arith.select %eq3A_314, %broadcast_in_dim3A_320, %broadcast_in_dim3A_321 : vector<256x64xi1>, vector<256x64xi32>
    %add3A_323 = arith.addi %add3A_311, %select_n3A_322 : vector<256x64xi32>
    %eq3A_324 = arith.constant 25 : i32
    %eq3A_325 = vector.broadcast %eq3A_324 : i32 to vector<256x64xi32>
    %eq3A_326 = arith.cmpi eq, %shift_right_arithmetic3A_25, %eq3A_325 : vector<256x64xi32>
    %slice3A_327 = vector.extract_strided_slice %get3A_23 {offsets = [0, 25], sizes = [256, 1], strides = [1, 1]} : vector<256x64xi32> to vector<256x1xi32>
    %squeeze3A_328 = vector.shape_cast %slice3A_327 : vector<256x1xi32> to vector<256xi32>
    %broadcast_in_dim3A_329 = vector.shape_cast %squeeze3A_328 : vector<256xi32> to vector<256x1xi32>
    %jit3A_330 = arith.constant 0 : i32
    %broadcast_in_dim3A_331 = vector.shape_cast %broadcast_in_dim3A_329 : vector<256x1xi32> to vector<256x1xi32>
    %broadcast_in_dim3A_332 = vector.broadcast %broadcast_in_dim3A_331 : vector<256x1xi32> to vector<256x64xi32>
    %broadcast_in_dim3A_333 = vector.broadcast %jit3A_330 : i32 to vector<256x64xi32>
    %select_n3A_334 = arith.select %eq3A_326, %broadcast_in_dim3A_332, %broadcast_in_dim3A_333 : vector<256x64xi1>, vector<256x64xi32>
    %add3A_335 = arith.addi %add3A_323, %select_n3A_334 : vector<256x64xi32>
    %eq3A_336 = arith.constant 26 : i32
    %eq3A_337 = vector.broadcast %eq3A_336 : i32 to vector<256x64xi32>
    %eq3A_338 = arith.cmpi eq, %shift_right_arithmetic3A_25, %eq3A_337 : vector<256x64xi32>
    %slice3A_339 = vector.extract_strided_slice %get3A_23 {offsets = [0, 26], sizes = [256, 1], strides = [1, 1]} : vector<256x64xi32> to vector<256x1xi32>
    %squeeze3A_340 = vector.shape_cast %slice3A_339 : vector<256x1xi32> to vector<256xi32>
    %broadcast_in_dim3A_341 = vector.shape_cast %squeeze3A_340 : vector<256xi32> to vector<256x1xi32>
    %jit3A_342 = arith.constant 0 : i32
    %broadcast_in_dim3A_343 = vector.shape_cast %broadcast_in_dim3A_341 : vector<256x1xi32> to vector<256x1xi32>
    %broadcast_in_dim3A_344 = vector.broadcast %broadcast_in_dim3A_343 : vector<256x1xi32> to vector<256x64xi32>
    %broadcast_in_dim3A_345 = vector.broadcast %jit3A_342 : i32 to vector<256x64xi32>
    %select_n3A_346 = arith.select %eq3A_338, %broadcast_in_dim3A_344, %broadcast_in_dim3A_345 : vector<256x64xi1>, vector<256x64xi32>
    %add3A_347 = arith.addi %add3A_335, %select_n3A_346 : vector<256x64xi32>
    %eq3A_348 = arith.constant 27 : i32
    %eq3A_349 = vector.broadcast %eq3A_348 : i32 to vector<256x64xi32>
    %eq3A_350 = arith.cmpi eq, %shift_right_arithmetic3A_25, %eq3A_349 : vector<256x64xi32>
    %slice3A_351 = vector.extract_strided_slice %get3A_23 {offsets = [0, 27], sizes = [256, 1], strides = [1, 1]} : vector<256x64xi32> to vector<256x1xi32>
    %squeeze3A_352 = vector.shape_cast %slice3A_351 : vector<256x1xi32> to vector<256xi32>
    %broadcast_in_dim3A_353 = vector.shape_cast %squeeze3A_352 : vector<256xi32> to vector<256x1xi32>
    %jit3A_354 = arith.constant 0 : i32
    %broadcast_in_dim3A_355 = vector.shape_cast %broadcast_in_dim3A_353 : vector<256x1xi32> to vector<256x1xi32>
    %broadcast_in_dim3A_356 = vector.broadcast %broadcast_in_dim3A_355 : vector<256x1xi32> to vector<256x64xi32>
    %broadcast_in_dim3A_357 = vector.broadcast %jit3A_354 : i32 to vector<256x64xi32>
    %select_n3A_358 = arith.select %eq3A_350, %broadcast_in_dim3A_356, %broadcast_in_dim3A_357 : vector<256x64xi1>, vector<256x64xi32>
    %add3A_359 = arith.addi %add3A_347, %select_n3A_358 : vector<256x64xi32>
    %eq3A_360 = arith.constant 28 : i32
    %eq3A_361 = vector.broadcast %eq3A_360 : i32 to vector<256x64xi32>
    %eq3A_362 = arith.cmpi eq, %shift_right_arithmetic3A_25, %eq3A_361 : vector<256x64xi32>
    %slice3A_363 = vector.extract_strided_slice %get3A_23 {offsets = [0, 28], sizes = [256, 1], strides = [1, 1]} : vector<256x64xi32> to vector<256x1xi32>
    %squeeze3A_364 = vector.shape_cast %slice3A_363 : vector<256x1xi32> to vector<256xi32>
    %broadcast_in_dim3A_365 = vector.shape_cast %squeeze3A_364 : vector<256xi32> to vector<256x1xi32>
    %jit3A_366 = arith.constant 0 : i32
    %broadcast_in_dim3A_367 = vector.shape_cast %broadcast_in_dim3A_365 : vector<256x1xi32> to vector<256x1xi32>
    %broadcast_in_dim3A_368 = vector.broadcast %broadcast_in_dim3A_367 : vector<256x1xi32> to vector<256x64xi32>
    %broadcast_in_dim3A_369 = vector.broadcast %jit3A_366 : i32 to vector<256x64xi32>
    %select_n3A_370 = arith.select %eq3A_362, %broadcast_in_dim3A_368, %broadcast_in_dim3A_369 : vector<256x64xi1>, vector<256x64xi32>
    %add3A_371 = arith.addi %add3A_359, %select_n3A_370 : vector<256x64xi32>
    %eq3A_372 = arith.constant 29 : i32
    %eq3A_373 = vector.broadcast %eq3A_372 : i32 to vector<256x64xi32>
    %eq3A_374 = arith.cmpi eq, %shift_right_arithmetic3A_25, %eq3A_373 : vector<256x64xi32>
    %slice3A_375 = vector.extract_strided_slice %get3A_23 {offsets = [0, 29], sizes = [256, 1], strides = [1, 1]} : vector<256x64xi32> to vector<256x1xi32>
    %squeeze3A_376 = vector.shape_cast %slice3A_375 : vector<256x1xi32> to vector<256xi32>
    %broadcast_in_dim3A_377 = vector.shape_cast %squeeze3A_376 : vector<256xi32> to vector<256x1xi32>
    %jit3A_378 = arith.constant 0 : i32
    %broadcast_in_dim3A_379 = vector.shape_cast %broadcast_in_dim3A_377 : vector<256x1xi32> to vector<256x1xi32>
    %broadcast_in_dim3A_380 = vector.broadcast %broadcast_in_dim3A_379 : vector<256x1xi32> to vector<256x64xi32>
    %broadcast_in_dim3A_381 = vector.broadcast %jit3A_378 : i32 to vector<256x64xi32>
    %select_n3A_382 = arith.select %eq3A_374, %broadcast_in_dim3A_380, %broadcast_in_dim3A_381 : vector<256x64xi1>, vector<256x64xi32>
    %add3A_383 = arith.addi %add3A_371, %select_n3A_382 : vector<256x64xi32>
    %eq3A_384 = arith.constant 30 : i32
    %eq3A_385 = vector.broadcast %eq3A_384 : i32 to vector<256x64xi32>
    %eq3A_386 = arith.cmpi eq, %shift_right_arithmetic3A_25, %eq3A_385 : vector<256x64xi32>
    %slice3A_387 = vector.extract_strided_slice %get3A_23 {offsets = [0, 30], sizes = [256, 1], strides = [1, 1]} : vector<256x64xi32> to vector<256x1xi32>
    %squeeze3A_388 = vector.shape_cast %slice3A_387 : vector<256x1xi32> to vector<256xi32>
    %broadcast_in_dim3A_389 = vector.shape_cast %squeeze3A_388 : vector<256xi32> to vector<256x1xi32>
    %jit3A_390 = arith.constant 0 : i32
    %broadcast_in_dim3A_391 = vector.shape_cast %broadcast_in_dim3A_389 : vector<256x1xi32> to vector<256x1xi32>
    %broadcast_in_dim3A_392 = vector.broadcast %broadcast_in_dim3A_391 : vector<256x1xi32> to vector<256x64xi32>
    %broadcast_in_dim3A_393 = vector.broadcast %jit3A_390 : i32 to vector<256x64xi32>
    %select_n3A_394 = arith.select %eq3A_386, %broadcast_in_dim3A_392, %broadcast_in_dim3A_393 : vector<256x64xi1>, vector<256x64xi32>
    %add3A_395 = arith.addi %add3A_383, %select_n3A_394 : vector<256x64xi32>
    %eq3A_396 = arith.constant 31 : i32
    %eq3A_397 = vector.broadcast %eq3A_396 : i32 to vector<256x64xi32>
    %eq3A_398 = arith.cmpi eq, %shift_right_arithmetic3A_25, %eq3A_397 : vector<256x64xi32>
    %slice3A_399 = vector.extract_strided_slice %get3A_23 {offsets = [0, 31], sizes = [256, 1], strides = [1, 1]} : vector<256x64xi32> to vector<256x1xi32>
    %squeeze3A_400 = vector.shape_cast %slice3A_399 : vector<256x1xi32> to vector<256xi32>
    %broadcast_in_dim3A_401 = vector.shape_cast %squeeze3A_400 : vector<256xi32> to vector<256x1xi32>
    %jit3A_402 = arith.constant 0 : i32
    %broadcast_in_dim3A_403 = vector.shape_cast %broadcast_in_dim3A_401 : vector<256x1xi32> to vector<256x1xi32>
    %broadcast_in_dim3A_404 = vector.broadcast %broadcast_in_dim3A_403 : vector<256x1xi32> to vector<256x64xi32>
    %broadcast_in_dim3A_405 = vector.broadcast %jit3A_402 : i32 to vector<256x64xi32>
    %select_n3A_406 = arith.select %eq3A_398, %broadcast_in_dim3A_404, %broadcast_in_dim3A_405 : vector<256x64xi1>, vector<256x64xi32>
    %add3A_407 = arith.addi %add3A_395, %select_n3A_406 : vector<256x64xi32>
    %eq3A_408 = arith.constant 32 : i32
    %eq3A_409 = vector.broadcast %eq3A_408 : i32 to vector<256x64xi32>
    %eq3A_410 = arith.cmpi eq, %shift_right_arithmetic3A_25, %eq3A_409 : vector<256x64xi32>
    %slice3A_411 = vector.extract_strided_slice %get3A_23 {offsets = [0, 32], sizes = [256, 1], strides = [1, 1]} : vector<256x64xi32> to vector<256x1xi32>
    %squeeze3A_412 = vector.shape_cast %slice3A_411 : vector<256x1xi32> to vector<256xi32>
    %broadcast_in_dim3A_413 = vector.shape_cast %squeeze3A_412 : vector<256xi32> to vector<256x1xi32>
    %jit3A_414 = arith.constant 0 : i32
    %broadcast_in_dim3A_415 = vector.shape_cast %broadcast_in_dim3A_413 : vector<256x1xi32> to vector<256x1xi32>
    %broadcast_in_dim3A_416 = vector.broadcast %broadcast_in_dim3A_415 : vector<256x1xi32> to vector<256x64xi32>
    %broadcast_in_dim3A_417 = vector.broadcast %jit3A_414 : i32 to vector<256x64xi32>
    %select_n3A_418 = arith.select %eq3A_410, %broadcast_in_dim3A_416, %broadcast_in_dim3A_417 : vector<256x64xi1>, vector<256x64xi32>
    %add3A_419 = arith.addi %add3A_407, %select_n3A_418 : vector<256x64xi32>
    %eq3A_420 = arith.constant 33 : i32
    %eq3A_421 = vector.broadcast %eq3A_420 : i32 to vector<256x64xi32>
    %eq3A_422 = arith.cmpi eq, %shift_right_arithmetic3A_25, %eq3A_421 : vector<256x64xi32>
    %slice3A_423 = vector.extract_strided_slice %get3A_23 {offsets = [0, 33], sizes = [256, 1], strides = [1, 1]} : vector<256x64xi32> to vector<256x1xi32>
    %squeeze3A_424 = vector.shape_cast %slice3A_423 : vector<256x1xi32> to vector<256xi32>
    %broadcast_in_dim3A_425 = vector.shape_cast %squeeze3A_424 : vector<256xi32> to vector<256x1xi32>
    %jit3A_426 = arith.constant 0 : i32
    %broadcast_in_dim3A_427 = vector.shape_cast %broadcast_in_dim3A_425 : vector<256x1xi32> to vector<256x1xi32>
    %broadcast_in_dim3A_428 = vector.broadcast %broadcast_in_dim3A_427 : vector<256x1xi32> to vector<256x64xi32>
    %broadcast_in_dim3A_429 = vector.broadcast %jit3A_426 : i32 to vector<256x64xi32>
    %select_n3A_430 = arith.select %eq3A_422, %broadcast_in_dim3A_428, %broadcast_in_dim3A_429 : vector<256x64xi1>, vector<256x64xi32>
    %add3A_431 = arith.addi %add3A_419, %select_n3A_430 : vector<256x64xi32>
    %eq3A_432 = arith.constant 34 : i32
    %eq3A_433 = vector.broadcast %eq3A_432 : i32 to vector<256x64xi32>
    %eq3A_434 = arith.cmpi eq, %shift_right_arithmetic3A_25, %eq3A_433 : vector<256x64xi32>
    %slice3A_435 = vector.extract_strided_slice %get3A_23 {offsets = [0, 34], sizes = [256, 1], strides = [1, 1]} : vector<256x64xi32> to vector<256x1xi32>
    %squeeze3A_436 = vector.shape_cast %slice3A_435 : vector<256x1xi32> to vector<256xi32>
    %broadcast_in_dim3A_437 = vector.shape_cast %squeeze3A_436 : vector<256xi32> to vector<256x1xi32>
    %jit3A_438 = arith.constant 0 : i32
    %broadcast_in_dim3A_439 = vector.shape_cast %broadcast_in_dim3A_437 : vector<256x1xi32> to vector<256x1xi32>
    %broadcast_in_dim3A_440 = vector.broadcast %broadcast_in_dim3A_439 : vector<256x1xi32> to vector<256x64xi32>
    %broadcast_in_dim3A_441 = vector.broadcast %jit3A_438 : i32 to vector<256x64xi32>
    %select_n3A_442 = arith.select %eq3A_434, %broadcast_in_dim3A_440, %broadcast_in_dim3A_441 : vector<256x64xi1>, vector<256x64xi32>
    %add3A_443 = arith.addi %add3A_431, %select_n3A_442 : vector<256x64xi32>
    %eq3A_444 = arith.constant 35 : i32
    %eq3A_445 = vector.broadcast %eq3A_444 : i32 to vector<256x64xi32>
    %eq3A_446 = arith.cmpi eq, %shift_right_arithmetic3A_25, %eq3A_445 : vector<256x64xi32>
    %slice3A_447 = vector.extract_strided_slice %get3A_23 {offsets = [0, 35], sizes = [256, 1], strides = [1, 1]} : vector<256x64xi32> to vector<256x1xi32>
    %squeeze3A_448 = vector.shape_cast %slice3A_447 : vector<256x1xi32> to vector<256xi32>
    %broadcast_in_dim3A_449 = vector.shape_cast %squeeze3A_448 : vector<256xi32> to vector<256x1xi32>
    %jit3A_450 = arith.constant 0 : i32
    %broadcast_in_dim3A_451 = vector.shape_cast %broadcast_in_dim3A_449 : vector<256x1xi32> to vector<256x1xi32>
    %broadcast_in_dim3A_452 = vector.broadcast %broadcast_in_dim3A_451 : vector<256x1xi32> to vector<256x64xi32>
    %broadcast_in_dim3A_453 = vector.broadcast %jit3A_450 : i32 to vector<256x64xi32>
    %select_n3A_454 = arith.select %eq3A_446, %broadcast_in_dim3A_452, %broadcast_in_dim3A_453 : vector<256x64xi1>, vector<256x64xi32>
    %add3A_455 = arith.addi %add3A_443, %select_n3A_454 : vector<256x64xi32>
    %eq3A_456 = arith.constant 36 : i32
    %eq3A_457 = vector.broadcast %eq3A_456 : i32 to vector<256x64xi32>
    %eq3A_458 = arith.cmpi eq, %shift_right_arithmetic3A_25, %eq3A_457 : vector<256x64xi32>
    %slice3A_459 = vector.extract_strided_slice %get3A_23 {offsets = [0, 36], sizes = [256, 1], strides = [1, 1]} : vector<256x64xi32> to vector<256x1xi32>
    %squeeze3A_460 = vector.shape_cast %slice3A_459 : vector<256x1xi32> to vector<256xi32>
    %broadcast_in_dim3A_461 = vector.shape_cast %squeeze3A_460 : vector<256xi32> to vector<256x1xi32>
    %jit3A_462 = arith.constant 0 : i32
    %broadcast_in_dim3A_463 = vector.shape_cast %broadcast_in_dim3A_461 : vector<256x1xi32> to vector<256x1xi32>
    %broadcast_in_dim3A_464 = vector.broadcast %broadcast_in_dim3A_463 : vector<256x1xi32> to vector<256x64xi32>
    %broadcast_in_dim3A_465 = vector.broadcast %jit3A_462 : i32 to vector<256x64xi32>
    %select_n3A_466 = arith.select %eq3A_458, %broadcast_in_dim3A_464, %broadcast_in_dim3A_465 : vector<256x64xi1>, vector<256x64xi32>
    %add3A_467 = arith.addi %add3A_455, %select_n3A_466 : vector<256x64xi32>
    %eq3A_468 = arith.constant 37 : i32
    %eq3A_469 = vector.broadcast %eq3A_468 : i32 to vector<256x64xi32>
    %eq3A_470 = arith.cmpi eq, %shift_right_arithmetic3A_25, %eq3A_469 : vector<256x64xi32>
    %slice3A_471 = vector.extract_strided_slice %get3A_23 {offsets = [0, 37], sizes = [256, 1], strides = [1, 1]} : vector<256x64xi32> to vector<256x1xi32>
    %squeeze3A_472 = vector.shape_cast %slice3A_471 : vector<256x1xi32> to vector<256xi32>
    %broadcast_in_dim3A_473 = vector.shape_cast %squeeze3A_472 : vector<256xi32> to vector<256x1xi32>
    %jit3A_474 = arith.constant 0 : i32
    %broadcast_in_dim3A_475 = vector.shape_cast %broadcast_in_dim3A_473 : vector<256x1xi32> to vector<256x1xi32>
    %broadcast_in_dim3A_476 = vector.broadcast %broadcast_in_dim3A_475 : vector<256x1xi32> to vector<256x64xi32>
    %broadcast_in_dim3A_477 = vector.broadcast %jit3A_474 : i32 to vector<256x64xi32>
    %select_n3A_478 = arith.select %eq3A_470, %broadcast_in_dim3A_476, %broadcast_in_dim3A_477 : vector<256x64xi1>, vector<256x64xi32>
    %add3A_479 = arith.addi %add3A_467, %select_n3A_478 : vector<256x64xi32>
    %eq3A_480 = arith.constant 38 : i32
    %eq3A_481 = vector.broadcast %eq3A_480 : i32 to vector<256x64xi32>
    %eq3A_482 = arith.cmpi eq, %shift_right_arithmetic3A_25, %eq3A_481 : vector<256x64xi32>
    %slice3A_483 = vector.extract_strided_slice %get3A_23 {offsets = [0, 38], sizes = [256, 1], strides = [1, 1]} : vector<256x64xi32> to vector<256x1xi32>
    %squeeze3A_484 = vector.shape_cast %slice3A_483 : vector<256x1xi32> to vector<256xi32>
    %broadcast_in_dim3A_485 = vector.shape_cast %squeeze3A_484 : vector<256xi32> to vector<256x1xi32>
    %jit3A_486 = arith.constant 0 : i32
    %broadcast_in_dim3A_487 = vector.shape_cast %broadcast_in_dim3A_485 : vector<256x1xi32> to vector<256x1xi32>
    %broadcast_in_dim3A_488 = vector.broadcast %broadcast_in_dim3A_487 : vector<256x1xi32> to vector<256x64xi32>
    %broadcast_in_dim3A_489 = vector.broadcast %jit3A_486 : i32 to vector<256x64xi32>
    %select_n3A_490 = arith.select %eq3A_482, %broadcast_in_dim3A_488, %broadcast_in_dim3A_489 : vector<256x64xi1>, vector<256x64xi32>
    %add3A_491 = arith.addi %add3A_479, %select_n3A_490 : vector<256x64xi32>
    %eq3A_492 = arith.constant 39 : i32
    %eq3A_493 = vector.broadcast %eq3A_492 : i32 to vector<256x64xi32>
    %eq3A_494 = arith.cmpi eq, %shift_right_arithmetic3A_25, %eq3A_493 : vector<256x64xi32>
    %slice3A_495 = vector.extract_strided_slice %get3A_23 {offsets = [0, 39], sizes = [256, 1], strides = [1, 1]} : vector<256x64xi32> to vector<256x1xi32>
    %squeeze3A_496 = vector.shape_cast %slice3A_495 : vector<256x1xi32> to vector<256xi32>
    %broadcast_in_dim3A_497 = vector.shape_cast %squeeze3A_496 : vector<256xi32> to vector<256x1xi32>
    %jit3A_498 = arith.constant 0 : i32
    %broadcast_in_dim3A_499 = vector.shape_cast %broadcast_in_dim3A_497 : vector<256x1xi32> to vector<256x1xi32>
    %broadcast_in_dim3A_500 = vector.broadcast %broadcast_in_dim3A_499 : vector<256x1xi32> to vector<256x64xi32>
    %broadcast_in_dim3A_501 = vector.broadcast %jit3A_498 : i32 to vector<256x64xi32>
    %select_n3A_502 = arith.select %eq3A_494, %broadcast_in_dim3A_500, %broadcast_in_dim3A_501 : vector<256x64xi1>, vector<256x64xi32>
    %add3A_503 = arith.addi %add3A_491, %select_n3A_502 : vector<256x64xi32>
    %eq3A_504 = arith.constant 40 : i32
    %eq3A_505 = vector.broadcast %eq3A_504 : i32 to vector<256x64xi32>
    %eq3A_506 = arith.cmpi eq, %shift_right_arithmetic3A_25, %eq3A_505 : vector<256x64xi32>
    %slice3A_507 = vector.extract_strided_slice %get3A_23 {offsets = [0, 40], sizes = [256, 1], strides = [1, 1]} : vector<256x64xi32> to vector<256x1xi32>
    %squeeze3A_508 = vector.shape_cast %slice3A_507 : vector<256x1xi32> to vector<256xi32>
    %broadcast_in_dim3A_509 = vector.shape_cast %squeeze3A_508 : vector<256xi32> to vector<256x1xi32>
    %jit3A_510 = arith.constant 0 : i32
    %broadcast_in_dim3A_511 = vector.shape_cast %broadcast_in_dim3A_509 : vector<256x1xi32> to vector<256x1xi32>
    %broadcast_in_dim3A_512 = vector.broadcast %broadcast_in_dim3A_511 : vector<256x1xi32> to vector<256x64xi32>
    %broadcast_in_dim3A_513 = vector.broadcast %jit3A_510 : i32 to vector<256x64xi32>
    %select_n3A_514 = arith.select %eq3A_506, %broadcast_in_dim3A_512, %broadcast_in_dim3A_513 : vector<256x64xi1>, vector<256x64xi32>
    %add3A_515 = arith.addi %add3A_503, %select_n3A_514 : vector<256x64xi32>
    %eq3A_516 = arith.constant 41 : i32
    %eq3A_517 = vector.broadcast %eq3A_516 : i32 to vector<256x64xi32>
    %eq3A_518 = arith.cmpi eq, %shift_right_arithmetic3A_25, %eq3A_517 : vector<256x64xi32>
    %slice3A_519 = vector.extract_strided_slice %get3A_23 {offsets = [0, 41], sizes = [256, 1], strides = [1, 1]} : vector<256x64xi32> to vector<256x1xi32>
    %squeeze3A_520 = vector.shape_cast %slice3A_519 : vector<256x1xi32> to vector<256xi32>
    %broadcast_in_dim3A_521 = vector.shape_cast %squeeze3A_520 : vector<256xi32> to vector<256x1xi32>
    %jit3A_522 = arith.constant 0 : i32
    %broadcast_in_dim3A_523 = vector.shape_cast %broadcast_in_dim3A_521 : vector<256x1xi32> to vector<256x1xi32>
    %broadcast_in_dim3A_524 = vector.broadcast %broadcast_in_dim3A_523 : vector<256x1xi32> to vector<256x64xi32>
    %broadcast_in_dim3A_525 = vector.broadcast %jit3A_522 : i32 to vector<256x64xi32>
    %select_n3A_526 = arith.select %eq3A_518, %broadcast_in_dim3A_524, %broadcast_in_dim3A_525 : vector<256x64xi1>, vector<256x64xi32>
    %add3A_527 = arith.addi %add3A_515, %select_n3A_526 : vector<256x64xi32>
    %eq3A_528 = arith.constant 42 : i32
    %eq3A_529 = vector.broadcast %eq3A_528 : i32 to vector<256x64xi32>
    %eq3A_530 = arith.cmpi eq, %shift_right_arithmetic3A_25, %eq3A_529 : vector<256x64xi32>
    %slice3A_531 = vector.extract_strided_slice %get3A_23 {offsets = [0, 42], sizes = [256, 1], strides = [1, 1]} : vector<256x64xi32> to vector<256x1xi32>
    %squeeze3A_532 = vector.shape_cast %slice3A_531 : vector<256x1xi32> to vector<256xi32>
    %broadcast_in_dim3A_533 = vector.shape_cast %squeeze3A_532 : vector<256xi32> to vector<256x1xi32>
    %jit3A_534 = arith.constant 0 : i32
    %broadcast_in_dim3A_535 = vector.shape_cast %broadcast_in_dim3A_533 : vector<256x1xi32> to vector<256x1xi32>
    %broadcast_in_dim3A_536 = vector.broadcast %broadcast_in_dim3A_535 : vector<256x1xi32> to vector<256x64xi32>
    %broadcast_in_dim3A_537 = vector.broadcast %jit3A_534 : i32 to vector<256x64xi32>
    %select_n3A_538 = arith.select %eq3A_530, %broadcast_in_dim3A_536, %broadcast_in_dim3A_537 : vector<256x64xi1>, vector<256x64xi32>
    %add3A_539 = arith.addi %add3A_527, %select_n3A_538 : vector<256x64xi32>
    %eq3A_540 = arith.constant 43 : i32
    %eq3A_541 = vector.broadcast %eq3A_540 : i32 to vector<256x64xi32>
    %eq3A_542 = arith.cmpi eq, %shift_right_arithmetic3A_25, %eq3A_541 : vector<256x64xi32>
    %slice3A_543 = vector.extract_strided_slice %get3A_23 {offsets = [0, 43], sizes = [256, 1], strides = [1, 1]} : vector<256x64xi32> to vector<256x1xi32>
    %squeeze3A_544 = vector.shape_cast %slice3A_543 : vector<256x1xi32> to vector<256xi32>
    %broadcast_in_dim3A_545 = vector.shape_cast %squeeze3A_544 : vector<256xi32> to vector<256x1xi32>
    %jit3A_546 = arith.constant 0 : i32
    %broadcast_in_dim3A_547 = vector.shape_cast %broadcast_in_dim3A_545 : vector<256x1xi32> to vector<256x1xi32>
    %broadcast_in_dim3A_548 = vector.broadcast %broadcast_in_dim3A_547 : vector<256x1xi32> to vector<256x64xi32>
    %broadcast_in_dim3A_549 = vector.broadcast %jit3A_546 : i32 to vector<256x64xi32>
    %select_n3A_550 = arith.select %eq3A_542, %broadcast_in_dim3A_548, %broadcast_in_dim3A_549 : vector<256x64xi1>, vector<256x64xi32>
    %add3A_551 = arith.addi %add3A_539, %select_n3A_550 : vector<256x64xi32>
    %eq3A_552 = arith.constant 44 : i32
    %eq3A_553 = vector.broadcast %eq3A_552 : i32 to vector<256x64xi32>
    %eq3A_554 = arith.cmpi eq, %shift_right_arithmetic3A_25, %eq3A_553 : vector<256x64xi32>
    %slice3A_555 = vector.extract_strided_slice %get3A_23 {offsets = [0, 44], sizes = [256, 1], strides = [1, 1]} : vector<256x64xi32> to vector<256x1xi32>
    %squeeze3A_556 = vector.shape_cast %slice3A_555 : vector<256x1xi32> to vector<256xi32>
    %broadcast_in_dim3A_557 = vector.shape_cast %squeeze3A_556 : vector<256xi32> to vector<256x1xi32>
    %jit3A_558 = arith.constant 0 : i32
    %broadcast_in_dim3A_559 = vector.shape_cast %broadcast_in_dim3A_557 : vector<256x1xi32> to vector<256x1xi32>
    %broadcast_in_dim3A_560 = vector.broadcast %broadcast_in_dim3A_559 : vector<256x1xi32> to vector<256x64xi32>
    %broadcast_in_dim3A_561 = vector.broadcast %jit3A_558 : i32 to vector<256x64xi32>
    %select_n3A_562 = arith.select %eq3A_554, %broadcast_in_dim3A_560, %broadcast_in_dim3A_561 : vector<256x64xi1>, vector<256x64xi32>
    %add3A_563 = arith.addi %add3A_551, %select_n3A_562 : vector<256x64xi32>
    %eq3A_564 = arith.constant 45 : i32
    %eq3A_565 = vector.broadcast %eq3A_564 : i32 to vector<256x64xi32>
    %eq3A_566 = arith.cmpi eq, %shift_right_arithmetic3A_25, %eq3A_565 : vector<256x64xi32>
    %slice3A_567 = vector.extract_strided_slice %get3A_23 {offsets = [0, 45], sizes = [256, 1], strides = [1, 1]} : vector<256x64xi32> to vector<256x1xi32>
    %squeeze3A_568 = vector.shape_cast %slice3A_567 : vector<256x1xi32> to vector<256xi32>
    %broadcast_in_dim3A_569 = vector.shape_cast %squeeze3A_568 : vector<256xi32> to vector<256x1xi32>
    %jit3A_570 = arith.constant 0 : i32
    %broadcast_in_dim3A_571 = vector.shape_cast %broadcast_in_dim3A_569 : vector<256x1xi32> to vector<256x1xi32>
    %broadcast_in_dim3A_572 = vector.broadcast %broadcast_in_dim3A_571 : vector<256x1xi32> to vector<256x64xi32>
    %broadcast_in_dim3A_573 = vector.broadcast %jit3A_570 : i32 to vector<256x64xi32>
    %select_n3A_574 = arith.select %eq3A_566, %broadcast_in_dim3A_572, %broadcast_in_dim3A_573 : vector<256x64xi1>, vector<256x64xi32>
    %add3A_575 = arith.addi %add3A_563, %select_n3A_574 : vector<256x64xi32>
    %eq3A_576 = arith.constant 46 : i32
    %eq3A_577 = vector.broadcast %eq3A_576 : i32 to vector<256x64xi32>
    %eq3A_578 = arith.cmpi eq, %shift_right_arithmetic3A_25, %eq3A_577 : vector<256x64xi32>
    %slice3A_579 = vector.extract_strided_slice %get3A_23 {offsets = [0, 46], sizes = [256, 1], strides = [1, 1]} : vector<256x64xi32> to vector<256x1xi32>
    %squeeze3A_580 = vector.shape_cast %slice3A_579 : vector<256x1xi32> to vector<256xi32>
    %broadcast_in_dim3A_581 = vector.shape_cast %squeeze3A_580 : vector<256xi32> to vector<256x1xi32>
    %jit3A_582 = arith.constant 0 : i32
    %broadcast_in_dim3A_583 = vector.shape_cast %broadcast_in_dim3A_581 : vector<256x1xi32> to vector<256x1xi32>
    %broadcast_in_dim3A_584 = vector.broadcast %broadcast_in_dim3A_583 : vector<256x1xi32> to vector<256x64xi32>
    %broadcast_in_dim3A_585 = vector.broadcast %jit3A_582 : i32 to vector<256x64xi32>
    %select_n3A_586 = arith.select %eq3A_578, %broadcast_in_dim3A_584, %broadcast_in_dim3A_585 : vector<256x64xi1>, vector<256x64xi32>
    %add3A_587 = arith.addi %add3A_575, %select_n3A_586 : vector<256x64xi32>
    %eq3A_588 = arith.constant 47 : i32
    %eq3A_589 = vector.broadcast %eq3A_588 : i32 to vector<256x64xi32>
    %eq3A_590 = arith.cmpi eq, %shift_right_arithmetic3A_25, %eq3A_589 : vector<256x64xi32>
    %slice3A_591 = vector.extract_strided_slice %get3A_23 {offsets = [0, 47], sizes = [256, 1], strides = [1, 1]} : vector<256x64xi32> to vector<256x1xi32>
    %squeeze3A_592 = vector.shape_cast %slice3A_591 : vector<256x1xi32> to vector<256xi32>
    %broadcast_in_dim3A_593 = vector.shape_cast %squeeze3A_592 : vector<256xi32> to vector<256x1xi32>
    %jit3A_594 = arith.constant 0 : i32
    %broadcast_in_dim3A_595 = vector.shape_cast %broadcast_in_dim3A_593 : vector<256x1xi32> to vector<256x1xi32>
    %broadcast_in_dim3A_596 = vector.broadcast %broadcast_in_dim3A_595 : vector<256x1xi32> to vector<256x64xi32>
    %broadcast_in_dim3A_597 = vector.broadcast %jit3A_594 : i32 to vector<256x64xi32>
    %select_n3A_598 = arith.select %eq3A_590, %broadcast_in_dim3A_596, %broadcast_in_dim3A_597 : vector<256x64xi1>, vector<256x64xi32>
    %add3A_599 = arith.addi %add3A_587, %select_n3A_598 : vector<256x64xi32>
    %eq3A_600 = arith.constant 48 : i32
    %eq3A_601 = vector.broadcast %eq3A_600 : i32 to vector<256x64xi32>
    %eq3A_602 = arith.cmpi eq, %shift_right_arithmetic3A_25, %eq3A_601 : vector<256x64xi32>
    %slice3A_603 = vector.extract_strided_slice %get3A_23 {offsets = [0, 48], sizes = [256, 1], strides = [1, 1]} : vector<256x64xi32> to vector<256x1xi32>
    %squeeze3A_604 = vector.shape_cast %slice3A_603 : vector<256x1xi32> to vector<256xi32>
    %broadcast_in_dim3A_605 = vector.shape_cast %squeeze3A_604 : vector<256xi32> to vector<256x1xi32>
    %jit3A_606 = arith.constant 0 : i32
    %broadcast_in_dim3A_607 = vector.shape_cast %broadcast_in_dim3A_605 : vector<256x1xi32> to vector<256x1xi32>
    %broadcast_in_dim3A_608 = vector.broadcast %broadcast_in_dim3A_607 : vector<256x1xi32> to vector<256x64xi32>
    %broadcast_in_dim3A_609 = vector.broadcast %jit3A_606 : i32 to vector<256x64xi32>
    %select_n3A_610 = arith.select %eq3A_602, %broadcast_in_dim3A_608, %broadcast_in_dim3A_609 : vector<256x64xi1>, vector<256x64xi32>
    %add3A_611 = arith.addi %add3A_599, %select_n3A_610 : vector<256x64xi32>
    %eq3A_612 = arith.constant 49 : i32
    %eq3A_613 = vector.broadcast %eq3A_612 : i32 to vector<256x64xi32>
    %eq3A_614 = arith.cmpi eq, %shift_right_arithmetic3A_25, %eq3A_613 : vector<256x64xi32>
    %slice3A_615 = vector.extract_strided_slice %get3A_23 {offsets = [0, 49], sizes = [256, 1], strides = [1, 1]} : vector<256x64xi32> to vector<256x1xi32>
    %squeeze3A_616 = vector.shape_cast %slice3A_615 : vector<256x1xi32> to vector<256xi32>
    %broadcast_in_dim3A_617 = vector.shape_cast %squeeze3A_616 : vector<256xi32> to vector<256x1xi32>
    %jit3A_618 = arith.constant 0 : i32
    %broadcast_in_dim3A_619 = vector.shape_cast %broadcast_in_dim3A_617 : vector<256x1xi32> to vector<256x1xi32>
    %broadcast_in_dim3A_620 = vector.broadcast %broadcast_in_dim3A_619 : vector<256x1xi32> to vector<256x64xi32>
    %broadcast_in_dim3A_621 = vector.broadcast %jit3A_618 : i32 to vector<256x64xi32>
    %select_n3A_622 = arith.select %eq3A_614, %broadcast_in_dim3A_620, %broadcast_in_dim3A_621 : vector<256x64xi1>, vector<256x64xi32>
    %add3A_623 = arith.addi %add3A_611, %select_n3A_622 : vector<256x64xi32>
    %eq3A_624 = arith.constant 50 : i32
    %eq3A_625 = vector.broadcast %eq3A_624 : i32 to vector<256x64xi32>
    %eq3A_626 = arith.cmpi eq, %shift_right_arithmetic3A_25, %eq3A_625 : vector<256x64xi32>
    %slice3A_627 = vector.extract_strided_slice %get3A_23 {offsets = [0, 50], sizes = [256, 1], strides = [1, 1]} : vector<256x64xi32> to vector<256x1xi32>
    %squeeze3A_628 = vector.shape_cast %slice3A_627 : vector<256x1xi32> to vector<256xi32>
    %broadcast_in_dim3A_629 = vector.shape_cast %squeeze3A_628 : vector<256xi32> to vector<256x1xi32>
    %jit3A_630 = arith.constant 0 : i32
    %broadcast_in_dim3A_631 = vector.shape_cast %broadcast_in_dim3A_629 : vector<256x1xi32> to vector<256x1xi32>
    %broadcast_in_dim3A_632 = vector.broadcast %broadcast_in_dim3A_631 : vector<256x1xi32> to vector<256x64xi32>
    %broadcast_in_dim3A_633 = vector.broadcast %jit3A_630 : i32 to vector<256x64xi32>
    %select_n3A_634 = arith.select %eq3A_626, %broadcast_in_dim3A_632, %broadcast_in_dim3A_633 : vector<256x64xi1>, vector<256x64xi32>
    %add3A_635 = arith.addi %add3A_623, %select_n3A_634 : vector<256x64xi32>
    %eq3A_636 = arith.constant 51 : i32
    %eq3A_637 = vector.broadcast %eq3A_636 : i32 to vector<256x64xi32>
    %eq3A_638 = arith.cmpi eq, %shift_right_arithmetic3A_25, %eq3A_637 : vector<256x64xi32>
    %slice3A_639 = vector.extract_strided_slice %get3A_23 {offsets = [0, 51], sizes = [256, 1], strides = [1, 1]} : vector<256x64xi32> to vector<256x1xi32>
    %squeeze3A_640 = vector.shape_cast %slice3A_639 : vector<256x1xi32> to vector<256xi32>
    %broadcast_in_dim3A_641 = vector.shape_cast %squeeze3A_640 : vector<256xi32> to vector<256x1xi32>
    %jit3A_642 = arith.constant 0 : i32
    %broadcast_in_dim3A_643 = vector.shape_cast %broadcast_in_dim3A_641 : vector<256x1xi32> to vector<256x1xi32>
    %broadcast_in_dim3A_644 = vector.broadcast %broadcast_in_dim3A_643 : vector<256x1xi32> to vector<256x64xi32>
    %broadcast_in_dim3A_645 = vector.broadcast %jit3A_642 : i32 to vector<256x64xi32>
    %select_n3A_646 = arith.select %eq3A_638, %broadcast_in_dim3A_644, %broadcast_in_dim3A_645 : vector<256x64xi1>, vector<256x64xi32>
    %add3A_647 = arith.addi %add3A_635, %select_n3A_646 : vector<256x64xi32>
    %eq3A_648 = arith.constant 52 : i32
    %eq3A_649 = vector.broadcast %eq3A_648 : i32 to vector<256x64xi32>
    %eq3A_650 = arith.cmpi eq, %shift_right_arithmetic3A_25, %eq3A_649 : vector<256x64xi32>
    %slice3A_651 = vector.extract_strided_slice %get3A_23 {offsets = [0, 52], sizes = [256, 1], strides = [1, 1]} : vector<256x64xi32> to vector<256x1xi32>
    %squeeze3A_652 = vector.shape_cast %slice3A_651 : vector<256x1xi32> to vector<256xi32>
    %broadcast_in_dim3A_653 = vector.shape_cast %squeeze3A_652 : vector<256xi32> to vector<256x1xi32>
    %jit3A_654 = arith.constant 0 : i32
    %broadcast_in_dim3A_655 = vector.shape_cast %broadcast_in_dim3A_653 : vector<256x1xi32> to vector<256x1xi32>
    %broadcast_in_dim3A_656 = vector.broadcast %broadcast_in_dim3A_655 : vector<256x1xi32> to vector<256x64xi32>
    %broadcast_in_dim3A_657 = vector.broadcast %jit3A_654 : i32 to vector<256x64xi32>
    %select_n3A_658 = arith.select %eq3A_650, %broadcast_in_dim3A_656, %broadcast_in_dim3A_657 : vector<256x64xi1>, vector<256x64xi32>
    %add3A_659 = arith.addi %add3A_647, %select_n3A_658 : vector<256x64xi32>
    %eq3A_660 = arith.constant 53 : i32
    %eq3A_661 = vector.broadcast %eq3A_660 : i32 to vector<256x64xi32>
    %eq3A_662 = arith.cmpi eq, %shift_right_arithmetic3A_25, %eq3A_661 : vector<256x64xi32>
    %slice3A_663 = vector.extract_strided_slice %get3A_23 {offsets = [0, 53], sizes = [256, 1], strides = [1, 1]} : vector<256x64xi32> to vector<256x1xi32>
    %squeeze3A_664 = vector.shape_cast %slice3A_663 : vector<256x1xi32> to vector<256xi32>
    %broadcast_in_dim3A_665 = vector.shape_cast %squeeze3A_664 : vector<256xi32> to vector<256x1xi32>
    %jit3A_666 = arith.constant 0 : i32
    %broadcast_in_dim3A_667 = vector.shape_cast %broadcast_in_dim3A_665 : vector<256x1xi32> to vector<256x1xi32>
    %broadcast_in_dim3A_668 = vector.broadcast %broadcast_in_dim3A_667 : vector<256x1xi32> to vector<256x64xi32>
    %broadcast_in_dim3A_669 = vector.broadcast %jit3A_666 : i32 to vector<256x64xi32>
    %select_n3A_670 = arith.select %eq3A_662, %broadcast_in_dim3A_668, %broadcast_in_dim3A_669 : vector<256x64xi1>, vector<256x64xi32>
    %add3A_671 = arith.addi %add3A_659, %select_n3A_670 : vector<256x64xi32>
    %eq3A_672 = arith.constant 54 : i32
    %eq3A_673 = vector.broadcast %eq3A_672 : i32 to vector<256x64xi32>
    %eq3A_674 = arith.cmpi eq, %shift_right_arithmetic3A_25, %eq3A_673 : vector<256x64xi32>
    %slice3A_675 = vector.extract_strided_slice %get3A_23 {offsets = [0, 54], sizes = [256, 1], strides = [1, 1]} : vector<256x64xi32> to vector<256x1xi32>
    %squeeze3A_676 = vector.shape_cast %slice3A_675 : vector<256x1xi32> to vector<256xi32>
    %broadcast_in_dim3A_677 = vector.shape_cast %squeeze3A_676 : vector<256xi32> to vector<256x1xi32>
    %jit3A_678 = arith.constant 0 : i32
    %broadcast_in_dim3A_679 = vector.shape_cast %broadcast_in_dim3A_677 : vector<256x1xi32> to vector<256x1xi32>
    %broadcast_in_dim3A_680 = vector.broadcast %broadcast_in_dim3A_679 : vector<256x1xi32> to vector<256x64xi32>
    %broadcast_in_dim3A_681 = vector.broadcast %jit3A_678 : i32 to vector<256x64xi32>
    %select_n3A_682 = arith.select %eq3A_674, %broadcast_in_dim3A_680, %broadcast_in_dim3A_681 : vector<256x64xi1>, vector<256x64xi32>
    %add3A_683 = arith.addi %add3A_671, %select_n3A_682 : vector<256x64xi32>
    %eq3A_684 = arith.constant 55 : i32
    %eq3A_685 = vector.broadcast %eq3A_684 : i32 to vector<256x64xi32>
    %eq3A_686 = arith.cmpi eq, %shift_right_arithmetic3A_25, %eq3A_685 : vector<256x64xi32>
    %slice3A_687 = vector.extract_strided_slice %get3A_23 {offsets = [0, 55], sizes = [256, 1], strides = [1, 1]} : vector<256x64xi32> to vector<256x1xi32>
    %squeeze3A_688 = vector.shape_cast %slice3A_687 : vector<256x1xi32> to vector<256xi32>
    %broadcast_in_dim3A_689 = vector.shape_cast %squeeze3A_688 : vector<256xi32> to vector<256x1xi32>
    %jit3A_690 = arith.constant 0 : i32
    %broadcast_in_dim3A_691 = vector.shape_cast %broadcast_in_dim3A_689 : vector<256x1xi32> to vector<256x1xi32>
    %broadcast_in_dim3A_692 = vector.broadcast %broadcast_in_dim3A_691 : vector<256x1xi32> to vector<256x64xi32>
    %broadcast_in_dim3A_693 = vector.broadcast %jit3A_690 : i32 to vector<256x64xi32>
    %select_n3A_694 = arith.select %eq3A_686, %broadcast_in_dim3A_692, %broadcast_in_dim3A_693 : vector<256x64xi1>, vector<256x64xi32>
    %add3A_695 = arith.addi %add3A_683, %select_n3A_694 : vector<256x64xi32>
    %eq3A_696 = arith.constant 56 : i32
    %eq3A_697 = vector.broadcast %eq3A_696 : i32 to vector<256x64xi32>
    %eq3A_698 = arith.cmpi eq, %shift_right_arithmetic3A_25, %eq3A_697 : vector<256x64xi32>
    %slice3A_699 = vector.extract_strided_slice %get3A_23 {offsets = [0, 56], sizes = [256, 1], strides = [1, 1]} : vector<256x64xi32> to vector<256x1xi32>
    %squeeze3A_700 = vector.shape_cast %slice3A_699 : vector<256x1xi32> to vector<256xi32>
    %broadcast_in_dim3A_701 = vector.shape_cast %squeeze3A_700 : vector<256xi32> to vector<256x1xi32>
    %jit3A_702 = arith.constant 0 : i32
    %broadcast_in_dim3A_703 = vector.shape_cast %broadcast_in_dim3A_701 : vector<256x1xi32> to vector<256x1xi32>
    %broadcast_in_dim3A_704 = vector.broadcast %broadcast_in_dim3A_703 : vector<256x1xi32> to vector<256x64xi32>
    %broadcast_in_dim3A_705 = vector.broadcast %jit3A_702 : i32 to vector<256x64xi32>
    %select_n3A_706 = arith.select %eq3A_698, %broadcast_in_dim3A_704, %broadcast_in_dim3A_705 : vector<256x64xi1>, vector<256x64xi32>
    %add3A_707 = arith.addi %add3A_695, %select_n3A_706 : vector<256x64xi32>
    %eq3A_708 = arith.constant 57 : i32
    %eq3A_709 = vector.broadcast %eq3A_708 : i32 to vector<256x64xi32>
    %eq3A_710 = arith.cmpi eq, %shift_right_arithmetic3A_25, %eq3A_709 : vector<256x64xi32>
    %slice3A_711 = vector.extract_strided_slice %get3A_23 {offsets = [0, 57], sizes = [256, 1], strides = [1, 1]} : vector<256x64xi32> to vector<256x1xi32>
    %squeeze3A_712 = vector.shape_cast %slice3A_711 : vector<256x1xi32> to vector<256xi32>
    %broadcast_in_dim3A_713 = vector.shape_cast %squeeze3A_712 : vector<256xi32> to vector<256x1xi32>
    %jit3A_714 = arith.constant 0 : i32
    %broadcast_in_dim3A_715 = vector.shape_cast %broadcast_in_dim3A_713 : vector<256x1xi32> to vector<256x1xi32>
    %broadcast_in_dim3A_716 = vector.broadcast %broadcast_in_dim3A_715 : vector<256x1xi32> to vector<256x64xi32>
    %broadcast_in_dim3A_717 = vector.broadcast %jit3A_714 : i32 to vector<256x64xi32>
    %select_n3A_718 = arith.select %eq3A_710, %broadcast_in_dim3A_716, %broadcast_in_dim3A_717 : vector<256x64xi1>, vector<256x64xi32>
    %add3A_719 = arith.addi %add3A_707, %select_n3A_718 : vector<256x64xi32>
    %eq3A_720 = arith.constant 58 : i32
    %eq3A_721 = vector.broadcast %eq3A_720 : i32 to vector<256x64xi32>
    %eq3A_722 = arith.cmpi eq, %shift_right_arithmetic3A_25, %eq3A_721 : vector<256x64xi32>
    %slice3A_723 = vector.extract_strided_slice %get3A_23 {offsets = [0, 58], sizes = [256, 1], strides = [1, 1]} : vector<256x64xi32> to vector<256x1xi32>
    %squeeze3A_724 = vector.shape_cast %slice3A_723 : vector<256x1xi32> to vector<256xi32>
    %broadcast_in_dim3A_725 = vector.shape_cast %squeeze3A_724 : vector<256xi32> to vector<256x1xi32>
    %jit3A_726 = arith.constant 0 : i32
    %broadcast_in_dim3A_727 = vector.shape_cast %broadcast_in_dim3A_725 : vector<256x1xi32> to vector<256x1xi32>
    %broadcast_in_dim3A_728 = vector.broadcast %broadcast_in_dim3A_727 : vector<256x1xi32> to vector<256x64xi32>
    %broadcast_in_dim3A_729 = vector.broadcast %jit3A_726 : i32 to vector<256x64xi32>
    %select_n3A_730 = arith.select %eq3A_722, %broadcast_in_dim3A_728, %broadcast_in_dim3A_729 : vector<256x64xi1>, vector<256x64xi32>
    %add3A_731 = arith.addi %add3A_719, %select_n3A_730 : vector<256x64xi32>
    %eq3A_732 = arith.constant 59 : i32
    %eq3A_733 = vector.broadcast %eq3A_732 : i32 to vector<256x64xi32>
    %eq3A_734 = arith.cmpi eq, %shift_right_arithmetic3A_25, %eq3A_733 : vector<256x64xi32>
    %slice3A_735 = vector.extract_strided_slice %get3A_23 {offsets = [0, 59], sizes = [256, 1], strides = [1, 1]} : vector<256x64xi32> to vector<256x1xi32>
    %squeeze3A_736 = vector.shape_cast %slice3A_735 : vector<256x1xi32> to vector<256xi32>
    %broadcast_in_dim3A_737 = vector.shape_cast %squeeze3A_736 : vector<256xi32> to vector<256x1xi32>
    %jit3A_738 = arith.constant 0 : i32
    %broadcast_in_dim3A_739 = vector.shape_cast %broadcast_in_dim3A_737 : vector<256x1xi32> to vector<256x1xi32>
    %broadcast_in_dim3A_740 = vector.broadcast %broadcast_in_dim3A_739 : vector<256x1xi32> to vector<256x64xi32>
    %broadcast_in_dim3A_741 = vector.broadcast %jit3A_738 : i32 to vector<256x64xi32>
    %select_n3A_742 = arith.select %eq3A_734, %broadcast_in_dim3A_740, %broadcast_in_dim3A_741 : vector<256x64xi1>, vector<256x64xi32>
    %add3A_743 = arith.addi %add3A_731, %select_n3A_742 : vector<256x64xi32>
    %eq3A_744 = arith.constant 60 : i32
    %eq3A_745 = vector.broadcast %eq3A_744 : i32 to vector<256x64xi32>
    %eq3A_746 = arith.cmpi eq, %shift_right_arithmetic3A_25, %eq3A_745 : vector<256x64xi32>
    %slice3A_747 = vector.extract_strided_slice %get3A_23 {offsets = [0, 60], sizes = [256, 1], strides = [1, 1]} : vector<256x64xi32> to vector<256x1xi32>
    %squeeze3A_748 = vector.shape_cast %slice3A_747 : vector<256x1xi32> to vector<256xi32>
    %broadcast_in_dim3A_749 = vector.shape_cast %squeeze3A_748 : vector<256xi32> to vector<256x1xi32>
    %jit3A_750 = arith.constant 0 : i32
    %broadcast_in_dim3A_751 = vector.shape_cast %broadcast_in_dim3A_749 : vector<256x1xi32> to vector<256x1xi32>
    %broadcast_in_dim3A_752 = vector.broadcast %broadcast_in_dim3A_751 : vector<256x1xi32> to vector<256x64xi32>
    %broadcast_in_dim3A_753 = vector.broadcast %jit3A_750 : i32 to vector<256x64xi32>
    %select_n3A_754 = arith.select %eq3A_746, %broadcast_in_dim3A_752, %broadcast_in_dim3A_753 : vector<256x64xi1>, vector<256x64xi32>
    %add3A_755 = arith.addi %add3A_743, %select_n3A_754 : vector<256x64xi32>
    %eq3A_756 = arith.constant 61 : i32
    %eq3A_757 = vector.broadcast %eq3A_756 : i32 to vector<256x64xi32>
    %eq3A_758 = arith.cmpi eq, %shift_right_arithmetic3A_25, %eq3A_757 : vector<256x64xi32>
    %slice3A_759 = vector.extract_strided_slice %get3A_23 {offsets = [0, 61], sizes = [256, 1], strides = [1, 1]} : vector<256x64xi32> to vector<256x1xi32>
    %squeeze3A_760 = vector.shape_cast %slice3A_759 : vector<256x1xi32> to vector<256xi32>
    %broadcast_in_dim3A_761 = vector.shape_cast %squeeze3A_760 : vector<256xi32> to vector<256x1xi32>
    %jit3A_762 = arith.constant 0 : i32
    %broadcast_in_dim3A_763 = vector.shape_cast %broadcast_in_dim3A_761 : vector<256x1xi32> to vector<256x1xi32>
    %broadcast_in_dim3A_764 = vector.broadcast %broadcast_in_dim3A_763 : vector<256x1xi32> to vector<256x64xi32>
    %broadcast_in_dim3A_765 = vector.broadcast %jit3A_762 : i32 to vector<256x64xi32>
    %select_n3A_766 = arith.select %eq3A_758, %broadcast_in_dim3A_764, %broadcast_in_dim3A_765 : vector<256x64xi1>, vector<256x64xi32>
    %add3A_767 = arith.addi %add3A_755, %select_n3A_766 : vector<256x64xi32>
    %eq3A_768 = arith.constant 62 : i32
    %eq3A_769 = vector.broadcast %eq3A_768 : i32 to vector<256x64xi32>
    %eq3A_770 = arith.cmpi eq, %shift_right_arithmetic3A_25, %eq3A_769 : vector<256x64xi32>
    %slice3A_771 = vector.extract_strided_slice %get3A_23 {offsets = [0, 62], sizes = [256, 1], strides = [1, 1]} : vector<256x64xi32> to vector<256x1xi32>
    %squeeze3A_772 = vector.shape_cast %slice3A_771 : vector<256x1xi32> to vector<256xi32>
    %broadcast_in_dim3A_773 = vector.shape_cast %squeeze3A_772 : vector<256xi32> to vector<256x1xi32>
    %jit3A_774 = arith.constant 0 : i32
    %broadcast_in_dim3A_775 = vector.shape_cast %broadcast_in_dim3A_773 : vector<256x1xi32> to vector<256x1xi32>
    %broadcast_in_dim3A_776 = vector.broadcast %broadcast_in_dim3A_775 : vector<256x1xi32> to vector<256x64xi32>
    %broadcast_in_dim3A_777 = vector.broadcast %jit3A_774 : i32 to vector<256x64xi32>
    %select_n3A_778 = arith.select %eq3A_770, %broadcast_in_dim3A_776, %broadcast_in_dim3A_777 : vector<256x64xi1>, vector<256x64xi32>
    %add3A_779 = arith.addi %add3A_767, %select_n3A_778 : vector<256x64xi32>
    %eq3A_780 = arith.constant 63 : i32
    %eq3A_781 = vector.broadcast %eq3A_780 : i32 to vector<256x64xi32>
    %eq3A_782 = arith.cmpi eq, %shift_right_arithmetic3A_25, %eq3A_781 : vector<256x64xi32>
    %slice3A_783 = vector.extract_strided_slice %get3A_23 {offsets = [0, 63], sizes = [256, 1], strides = [1, 1]} : vector<256x64xi32> to vector<256x1xi32>
    %squeeze3A_784 = vector.shape_cast %slice3A_783 : vector<256x1xi32> to vector<256xi32>
    %broadcast_in_dim3A_785 = vector.shape_cast %squeeze3A_784 : vector<256xi32> to vector<256x1xi32>
    %jit3A_786 = arith.constant 0 : i32
    %broadcast_in_dim3A_787 = vector.shape_cast %broadcast_in_dim3A_785 : vector<256x1xi32> to vector<256x1xi32>
    %broadcast_in_dim3A_788 = vector.broadcast %broadcast_in_dim3A_787 : vector<256x1xi32> to vector<256x64xi32>
    %broadcast_in_dim3A_789 = vector.broadcast %jit3A_786 : i32 to vector<256x64xi32>
    %select_n3A_790 = arith.select %eq3A_782, %broadcast_in_dim3A_788, %broadcast_in_dim3A_789 : vector<256x64xi1>, vector<256x64xi32>
    %add3A_791 = arith.addi %add3A_779, %select_n3A_790 : vector<256x64xi32>
    %mul3A = arith.constant 128 : i32
    %mul3A_792 = vector.broadcast %mul3A : i32 to vector<256x64xi32>
    %mul3A_793 = arith.muli %add3A_791, %mul3A_792 : vector<256x64xi32>
    %add3A_794 = arith.addi %mul3A_793, %and3A_27 : vector<256x64xi32>
    %swap3A = arith.constant 0 : index
    %swap3A_795 = arith.constant 0 : index
    %swap3A_796 = vector.load %arg4[%swap3A, %swap3A_795] : memref<256x64xi32, #tpu.memory_space<vmem>>, vector<256x64xi32>
    tpu.vector_store %arg4[%swap3A, %swap3A_795], %add3A_794 {strides = array<i32>} : memref<256x64xi32, #tpu.memory_space<vmem>>, vector<256x64xi32>,
    %swap3A_797 = arith.constant 0 : index
    %swap3A_798 = arith.constant 0 : index
    %swap3A_799 = vector.load %arg5[%swap3A_797, %swap3A_798] : memref<256x64xf32, #tpu.memory_space<vmem>>, vector<256x64xf32>
    tpu.vector_store %arg5[%swap3A_797, %swap3A_798], %div3A_20 {strides = array<i32>} : memref<256x64xf32, #tpu.memory_space<vmem>>, vector<256x64xf32>,
    return
  }
  func.func @transform_0(%arg0: i32) -> (i32, i32) {
    %c0_i32 = arith.constant 0 : i32
    %c0_i32_0 = arith.constant 0 : i32
    return %arg0, %c0_i32 : i32, i32
  }
  func.func @transform_1(%arg0: i32) -> (i32, i32) {
    %c0_i32 = arith.constant 0 : i32
    %c0_i32_0 = arith.constant 0 : i32
    return %arg0, %c0_i32 : i32, i32
  }
  func.func @transform_2(%arg0: i32) -> (i32, i32) {
    %c0_i32 = arith.constant 0 : i32
    %c0_i32_0 = arith.constant 0 : i32
    return %arg0, %c0_i32 : i32, i32
  }
  func.func @transform_3(%arg0: i32) -> (i32, i32) {
    %c0_i32 = arith.constant 0 : i32
    %c0_i32_0 = arith.constant 0 : i32
    return %arg0, %c0_i32 : i32, i32
  }
  func.func @transform_4(%arg0: i32) -> (i32, i32) {
    %c0_i32 = arith.constant 0 : i32
    %c0_i32_0 = arith.constant 0 : i32
    return %arg0, %c0_i32 : i32, i32
  }
}

module attributes {stable_mosaic.version = 14 : i64} {
  func.func @body(%arg0: i32, %arg1: memref<64x64x256xf32, #tpu.memory_space<vmem>>, %arg2: memref<64x64xf32, #tpu.memory_space<vmem>>, %arg3: memref<64x256xf32, #tpu.memory_space<vmem>>) attributes {dimension_semantics = [#tpu.dimension_semantics<arbitrary>], iteration_bounds = array<i64: 32>, scalar_prefetch = 0 : i64, scratch_operands = 0 : i64, tpu.core_type = #tpu.core_type<tc>, window_params = [{transform_indices = @transform_0, window_bounds = array<i64: 64, 64, 256>}, {transform_indices = @transform_1, window_bounds = array<i64: 64, 64>}, {transform_indices = @transform_2, window_bounds = array<i64: 64, 256>}]} {
    %get3A = arith.constant 0 : index
    %get3A_0 = arith.constant 0 : index
    %get3A_1 = arith.constant 0 : index
    %get3A_2 = vector.load %arg1[%get3A, %get3A_0, %get3A_1] : memref<64x64x256xf32, #tpu.memory_space<vmem>>, vector<64x64x256xf32>
    %get3A_3 = arith.constant 0 : index
    %get3A_4 = arith.constant 0 : index
    %get3A_5 = vector.load %arg2[%get3A_3, %get3A_4] : memref<64x64xf32, #tpu.memory_space<vmem>>, vector<64x64xf32>
    %broadcast_in_dim3A = vector.shape_cast %get3A_5 : vector<64x64xf32> to vector<64x64x1xf32>
    %mul3A = vector.broadcast %broadcast_in_dim3A : vector<64x64x1xf32> to vector<64x64x256xf32>
    %mul3A_6 = arith.mulf %get3A_2, %mul3A : vector<64x64x256xf32>
    %reduce_sum3A = arith.constant dense<0.000000e+00> : vector<64x256xf32>
    %reduce_sum3A_7 = vector.multi_reduction <add>, %mul3A_6, %reduce_sum3A [1] : vector<64x64x256xf32> to vector<64x256xf32>
    %swap3A = arith.constant 0 : index
    %swap3A_8 = arith.constant 0 : index
    %swap3A_9 = vector.load %arg3[%swap3A, %swap3A_8] : memref<64x256xf32, #tpu.memory_space<vmem>>, vector<64x256xf32>
    tpu.vector_store %arg3[%swap3A, %swap3A_8], %reduce_sum3A_7 {strides = array<i32>} : memref<64x256xf32, #tpu.memory_space<vmem>>, vector<64x256xf32>,
    return
  }
  func.func @transform_0(%arg0: i32) -> (i32, i32, i32) {
    %c0_i32 = arith.constant 0 : i32
    %c0_i32_0 = arith.constant 0 : i32
    %c0_i32_1 = arith.constant 0 : i32
    return %arg0, %c0_i32, %c0_i32_0 : i32, i32, i32
  }
  func.func @transform_1(%arg0: i32) -> (i32, i32) {
    %c0_i32 = arith.constant 0 : i32
    %c0_i32_0 = arith.constant 0 : i32
    return %arg0, %c0_i32 : i32, i32
  }
  func.func @transform_2(%arg0: i32) -> (i32, i32) {
    %c0_i32 = arith.constant 0 : i32
    %c0_i32_0 = arith.constant 0 : i32
    return %arg0, %c0_i32 : i32, i32
  }
}

module attributes {stable_mosaic.version = 14 : i64} {
  func.func @body(%arg0: i32, %arg1: memref<2048x256xf32, #tpu.memory_space<vmem>>, %arg2: memref<512x256xf32, #tpu.memory_space<vmem>>, %arg3: memref<1x256xf32, #tpu.memory_space<vmem>>, %arg4: memref<1024x256xf32, #tpu.memory_space<vmem>>) attributes {dimension_semantics = [#tpu.dimension_semantics<arbitrary>], iteration_bounds = array<i64: 1>, scalar_prefetch = 0 : i64, scratch_operands = 0 : i64, tpu.core_type = #tpu.core_type<tc>, window_params = [{pipeline_mode = #tpu.pipeline_mode<synchronous>, transform_indices = @transform_0, window_bounds = array<i64: 2048, 256>}, {pipeline_mode = #tpu.pipeline_mode<synchronous>, transform_indices = @transform_1, window_bounds = array<i64: 512, 256>}, {pipeline_mode = #tpu.pipeline_mode<synchronous>, transform_indices = @transform_2, window_bounds = array<i64: 1, 256>}, {pipeline_mode = #tpu.pipeline_mode<synchronous>, transform_indices = @transform_3, window_bounds = array<i64: 1024, 256>}]} {
    %get3A = arith.constant 0 : index
    %get3A_0 = arith.constant 0 : index
    %get3A_1 = vector.load %arg1[%get3A, %get3A_0] : memref<2048x256xf32, #tpu.memory_space<vmem>>, vector<2048x256xf32>
    %slice3A = vector.extract_strided_slice %get3A_1 {offsets = [0, 0], sizes = [1024, 256], strides = [1, 1]} : vector<2048x256xf32> to vector<1024x256xf32>
    %get3A_2 = arith.constant 0 : index
    %get3A_3 = arith.constant 0 : index
    %get3A_4 = vector.load %arg2[%get3A_2, %get3A_3] : memref<512x256xf32, #tpu.memory_space<vmem>>, vector<256x256xf32>
    %dot_general3A = arith.constant dense<0.000000e+00> : vector<1024x256xf32>
    %dot_general3A_5 = tpu.matmul %slice3A, %get3A_4, %dot_general3A {dimension_numbers = #tpu.dot_dimension_numbers<[1], [0], [0], [1], [0, 0, 1, 1], [], []>, transpose_lhs_hint = false} : vector<1024x256xf32>, vector<256x256xf32>, vector<1024x256xf32> -> vector<1024x256xf32>
    %slice3A_6 = vector.extract_strided_slice %get3A_1 {offsets = [1024, 0], sizes = [1024, 256], strides = [1, 1]} : vector<2048x256xf32> to vector<1024x256xf32>
    %get3A_7 = arith.constant 256 : index
    %get3A_8 = arith.constant 0 : index
    %get3A_9 = vector.load %arg2[%get3A_7, %get3A_8] : memref<512x256xf32, #tpu.memory_space<vmem>>, vector<256x256xf32>
    %dot_general3A_10 = arith.constant dense<0.000000e+00> : vector<1024x256xf32>
    %dot_general3A_11 = tpu.matmul %slice3A_6, %get3A_9, %dot_general3A_10 {dimension_numbers = #tpu.dot_dimension_numbers<[1], [0], [0], [1], [0, 0, 1, 1], [], []>, transpose_lhs_hint = false} : vector<1024x256xf32>, vector<256x256xf32>, vector<1024x256xf32> -> vector<1024x256xf32>
    %add3A = arith.addf %dot_general3A_5, %dot_general3A_11 : vector<1024x256xf32>
    %get3A_12 = arith.constant 0 : index
    %get3A_13 = arith.constant 0 : index
    %get3A_14 = vector.load %arg3[%get3A_12, %get3A_13] : memref<1x256xf32, #tpu.memory_space<vmem>>, vector<1x256xf32>
    %get3A_15 = vector.shape_cast %get3A_14 : vector<1x256xf32> to vector<256xf32>
    %broadcast_in_dim3A = vector.shape_cast %get3A_15 : vector<256xf32> to vector<1x256xf32>
    %add3A_16 = vector.broadcast %broadcast_in_dim3A : vector<1x256xf32> to vector<1024x256xf32>
    %add3A_17 = arith.addf %add3A, %add3A_16 : vector<1024x256xf32>
    %swap3A = arith.constant 0 : index
    %swap3A_18 = arith.constant 0 : index
    %swap3A_19 = vector.load %arg4[%swap3A, %swap3A_18] : memref<1024x256xf32, #tpu.memory_space<vmem>>, vector<1024x256xf32>
    tpu.vector_store %arg4[%swap3A, %swap3A_18], %add3A_17 {strides = array<i32>} : memref<1024x256xf32, #tpu.memory_space<vmem>>, vector<1024x256xf32>,
    return
  }
  func.func @transform_0(%arg0: i32) -> (i32, i32) {
    %c0_i32 = arith.constant 0 : i32
    %c0_i32_0 = arith.constant 0 : i32
    %c0_i32_1 = arith.constant 0 : i32
    return %c0_i32, %c0_i32_0 : i32, i32
  }
  func.func @transform_1(%arg0: i32) -> (i32, i32) {
    %c0_i32 = arith.constant 0 : i32
    %c0_i32_0 = arith.constant 0 : i32
    %c0_i32_1 = arith.constant 0 : i32
    return %c0_i32, %c0_i32_0 : i32, i32
  }
  func.func @transform_2(%arg0: i32) -> (i32, i32) {
    %c0_i32 = arith.constant 0 : i32
    %c0_i32_0 = arith.constant 0 : i32
    %c0_i32_1 = arith.constant 0 : i32
    return %c0_i32, %c0_i32_0 : i32, i32
  }
  func.func @transform_3(%arg0: i32) -> (i32, i32) {
    %c0_i32 = arith.constant 0 : i32
    %c0_i32_0 = arith.constant 0 : i32
    %c0_i32_1 = arith.constant 0 : i32
    return %c0_i32, %c0_i32_0 : i32, i32
  }
}

</mosaic_0001>

<sc_bundles>
// kernel: kernel.10.cloned.1.call-start
scs
__scs_entry_jumppad:
0x0: {  	(pc) =	sbr.rel $0x88, $3  }
0x1: {  	(tag) =	ssettag $0x0;
	lr =	simm.s32 $0x1  }
0x2: {  	[smem:$0x3F95] =	sst lr;
	_ =	strace $0xD0000000  }
0x3: {  	_ = 	snop  }
0x4: {  	_ = 	snop  }
0x5: {  	_ = 	snop  }
0x6: {  	_ = 	snop  }
0x7: {  	_ = 	snop  }
__scs_overlays_trampoline_lowered:
0x8: {  	[smem:$0x3FA4] =	sst s0  }
0x9: {  	[smem:$0x3FA5] =	sst s1  }
0xa: {  	[smem:$0x3FA6] =	sst s2  }
0xb: {  	[smem:$0x3FA7] =	sst s3  }
0xc: {  	[smem:$0x3FA8] =	sst s4  }
0xd: {  	[smem:$0x3FA9] =	sst s5  }
0xe: {  	[smem:$0x3FAA] =	sst s6  }
0xf: {  	[smem:$0x3FAB] =	sst s7  }
0x10: {  	[smem:$0x3FAC] =	sst s8  }
0x11: {  	[smem:$0x3FAD] =	sst s9;
	s0 =	simm.s32 @!p0 $0x0  }
0x12: {  	s1 =	sld [smem:$0x3F93];
	s0 =	simm.s32 @p0 $0x1  }
0x13: {  	[smem:$0x3FAE] =	sst s0;
	s0 =	simm.s32 @!p1 $0x0  }
0x14: {  	s2 =	sld [smem:$0x3F92];
	s0 =	simm.s32 @p1 $0x1  }
0x15: {  	[smem:$0x3FAF] =	sst s0;
	s0 =	simm.s32 @!p2 $0x0  }
0x16: {  	s3 =	sld [smem:$0x3FDB];
	s0 =	simm.s32 @p2 $0x1  }
0x17: {  	s4 =	simm.s32 $0x1BF5;
	[smem:$0x3FB1] =	sst s0  }
0x18: {  	s0 =	sld [smem:$0x3F94];
	_ =	swait.ge [sflag:s4], $0x0  }
0x19: {  	s7 =	sld [smem:$0x3F95]  }
0x1a: {  	s8 =	sadd.s32 $0xFFFFE003, lr  }
0x1b: {  	s9 =	sadd.s32 $0xFFFFFEF7, lr;
	s5 =	simm.s32 $0xFFFFFFFF;
	p2 =	slt.u32 s8, $0xFFFFF086  }
0x1c: {  	p1 =	slt.u32 s9, $0xF7A;
	s5 =	simm.s32 @!p2 $0x0  }
0x1d: {  	s5 =	simm.s32 @p1 $0x1;
	p0 =	seq.s32 s7, s2  }
0x1e: {  	s7 =	smul.u32 @!p0 $0xF7A, s2;
	p2 =	seq.s32 @!p0 s5, $0x0  }
0x1f: {  	s9 =	smul.u32 $0xF7A, s1;
	s8 =	simm.s32 @!p0 $0x1BF5;
	p2 =	por !p2, p0  }
0x20: {  	[sflag:s8] =	ssyncset.s32 @!p0 $0xFFFFF086;
	s6 =	sadd.s32 @!p0 s3, s7;
	s7 =	simm.s32 @!p0 $0x108  }
0x21: {  	s3 =	sadd.s32 s3, s9;
	s6 =	sadd.s32 @!p0 $0x88, s6;
	s7 =	simm.s32 @p2 $0x1082  }
0x22: {  	[simem:s7], [sflag:s8] =	dma.local @!p0 [hbm:s6], $0xF7A  }
0x23: {  	s9 =	sor.u32 $0xD0000000, s2;
	s6 =	simm.s32 $0x108;
	_ =	swait.ge @!p0 [sflag:s8], $0x0  }
0x24: {  	s3 =	sadd.s32 $0x88, s3;
	s6 =	simm.s32 @!p1 $0x1082;
	[sflag:s4] =	ssyncset.s32 $0xFFFFF086  }
0x25: {  	[simem:s6], [sflag:s4] =	dma.local [hbm:s3], $0xF7A  }
0x26: {  	[smem:$0x3F95] =	sst s1;
	(tag) =	ssettag s2;
	_ =	strace s9  }
0x27: {  	s1 =	sld [smem:$0x3FA5]  }
0x28: {  	s2 =	sld [smem:$0x3FA6]  }
0x29: {  	s4 =	sld [smem:$0x3FA8]  }
0x2a: {  	p0 =	seq.s32 s5, $0x0;
	s5 =	sld [smem:$0x3FA9]  }
0x2b: {  	s6 =	sld [smem:$0x3FAA]  }
0x2c: {  	s7 =	sld [smem:$0x3FAB]  }
0x2d: {  	s3 =	simm.s32 $0x108;
	s8 =	sld [smem:$0x3FAC]  }
0x2e: {  	s3 =	simm.s32 @!p0 $0x1082;
	s9 =	sld [smem:$0x3FAD]  }
0x2f: {  	lr =	sadd.s32 s0, s3;
	s0 =	sld [smem:$0x3FA4]  }
0x30: {  	s3 =	sld [smem:$0x3FA7]  }
0x31: {  	[smem:$0x3FB0] =	sst s10  }
0x32: {  	s10 =	sld [smem:$0x3FAE];
	_ =	sdelay $0x3  }
0x33: {  	p0 =	seq.s32 s10, $0x1;
	s10 =	sld [smem:$0x3FB0];
	_ =	sdelay $0x3  }
0x34: {  	[smem:$0x3FB0] =	sst s10  }
0x35: {  	s10 =	sld [smem:$0x3FAF];
	_ =	sdelay $0x3  }
0x36: {  	p1 =	seq.s32 s10, $0x1;
	s10 =	sld [smem:$0x3FB0];
	_ =	sdelay $0x3  }
0x37: {  	[smem:$0x3FB0] =	sst s10  }
0x38: {  	s10 =	sld [smem:$0x3FB1]  }
0x39: {  	_ = 	snop;
	(pc) =	sbr.ind lr, $3  }
0x3a: {  	_ = 	snop  }
0x3b: {  	_ = 	snop  }
0x3c: {  	p2 =	seq.s32 s10, $0x1;
	s10 =	sld [smem:$0x3FB0]  }
0x3d: {  	_ =	shalt  }
0x3e: {  	_ =	shalt  }
0x3f: {  	_ =	shalt  }
0x40: {  	_ =	shalt  }
0x41: {  	_ =	shalt  }
0x42: {  	_ =	shalt  }
0x43: {  	_ =	shalt  }
0x44: {  	_ =	shalt  }
0x45: {  	_ =	shalt  }
0x46: {  	_ =	shalt  }
0x47: {  	_ =	shalt  }
0x48: {  	_ =	shalt  }
0x49: {  	_ =	shalt  }
0x4a: {  	_ =	shalt  }
0x4b: {  	_ =	shalt  }
0x4c: {  	_ =	shalt  }
0x4d: {  	_ =	shalt  }
0x4e: {  	_ =	shalt  }
0x4f: {  	_ =	shalt  }
0x50: {  	_ =	shalt  }
0x51: {  	_ =	shalt  }
0x52: {  	_ =	shalt  }
0x53: {  	_ =	shalt  }
0x54: {  	_ =	shalt  }
0x55: {  	_ =	shalt  }
0x56: {  	_ =	shalt  }
0x57: {  	_ =	shalt  }
0x58: {  	_ =	shalt  }
0x59: {  	_ =	shalt  }
0x5a: {  	_ =	shalt  }
0x5b: {  	_ =	shalt  }
0x5c: {  	_ =	shalt  }
0x5d: {  	_ =	shalt  }
0x5e: {  	_ =	shalt  }
0x5f: {  	_ =	shalt  }
0x60: {  	_ =	shalt  }
0x61: {  	_ =	shalt  }
0x62: {  	_ =	shalt  }
0x63: {  	_ =	shalt  }
0x64: {  	_ =	shalt  }
0x65: {  	_ =	shalt  }
0x66: {  	_ =	shalt  }
0x67: {  	_ =	shalt  }
0x68: {  	_ =	shalt  }
0x69: {  	_ =	shalt  }
0x6a: {  	_ =	shalt  }
0x6b: {  	_ =	shalt  }
0x6c: {  	_ =	shalt  }
0x6d: {  	_ =	shalt  }
0x6e: {  	_ =	shalt  }
0x6f: {  	_ =	shalt  }
0x70: {  	_ =	shalt  }
0x71: {  	_ =	shalt  }
0x72: {  	_ =	shalt  }
0x73: {  	_ =	shalt  }
0x74: {  	_ =	shalt  }
0x75: {  	_ =	shalt  }
0x76: {  	_ =	shalt  }
0x77: {  	_ =	shalt  }
0x78: {  	_ =	shalt  }
0x79: {  	_ =	shalt  }
0x7a: {  	_ =	shalt  }
0x7b: {  	_ =	shalt  }
0x7c: {  	_ =	shalt  }
0x7d: {  	_ =	shalt  }
0x7e: {  	_ =	shalt  }
0x7f: {  	_ =	shalt  }
0x80: {  	_ =	shalt  }
0x81: {  	_ =	shalt  }
0x82: {  	_ =	shalt  }
0x83: {  	_ =	shalt  }
0x84: {  	_ =	shalt  }
0x85: {  	_ =	shalt  }
0x86: {  	_ =	shalt  }
0x87: {  	_ =	shalt  }
.Lfunc_end0:
.L_simem_size_0:
called_computation_lowered:
.L_overlay_start_0:
0x88: {  	s2 =	sld [smem:$0x3FD9]  }
0x89: {  	s3 =	sld [smem:$0x3FFE];
	_ =	sdelay $0x1  }
0x8a: {  	s1 =	srdreg.scid  }
0x8b: {  	s0 =	sand.u32 $0x1, s1  }
0x8c: {  	s17 =	sshll.u32 s0, $0xA;
	s2 =	sadd.s32 s3, s2  }
0x8d: {  	s2 =	sadd.s32 s2, s17  }
0x8e: {  	[smem:$0x3FBC] =	sst s2  }
0x8f: {  	_ = 	snop  }
0x90: {  	s2 =	sld [smem:$0x3FD0];
	(tm) =	ssettm $0x1  }
0x91: {  	s18 =	sld [smem:$0x3FFB];
	_ =	sdelay $0x3  }
0x92: {  	_ =	strace s18  }
0x93: {  	s3 =	sld [smem:$0x3FFC];
	_ =	sdelay $0x3  }
0x94: {  	_ =	strace s3  }
0x95: {  	s3 =	sld [smem:$0x3FFD];
	_ =	sdelay $0x3  }
0x96: {  	_ =	strace s3  }
0x97: {  	_ =	strace $0x8FFFFFFF  }
0x98: {  	s19 =	sld [smem:$0x3FDB];
	_ =	sdelay $0x1  }
0x99: {  	s4 =	simm.s32 $_scs_section_size  }
0x9a: {  	s5 =	simm.s32 $_size__tile_overlayer_lowered;
	s6 =	simm.s32 $_tile_overlayer_lowered  }
0x9b: {  	s22 =	simm.s32 $0x1BFF;
	s21 =	sshll.u32 s6, $0x1;
	s3 =	sadd.s32 s4, s19  }
0x9c: {  	s7 =	simm.s32 $0x0;
	s20 =	sshll.u32 s5, $0x1;
	s5 =	sadd.s32 s21, s3  }
0x9d: {  	[timem:s7], [sflag:s22] =	dma.local [hbm:s5], s20  }
0x9e: {  	_ =	swait.ge [sflag:s22], s20  }
0x9f: {  	s4 =	ssub.s32 $0x0, s20;
	[sflag:s22] =	ssyncset.done $0x0  }
0xa0: {  	[sflag:s22] =	ssyncadd.s32 s4;
	_ =	sdelay $0x1  }
0xa1: {  	s23 =	simm.s32 $0x1B8B  }
0xa2: {  	_ =	swait.ge [sflag:s23], $0x1  }
0xa3: {  	[sflag:s23] =	ssyncset.done $0x0  }
0xa4: {  	s25 =	simm.s32 $0x1B8E;
	s24 =	sld [smem:$0x3FFE];
	[sflag:s23] =	ssyncadd.s32 $0xFFFFFFFF  }
0xa5: {  	s26 =	simm.s32 $execute0_lowered;
	[smem:$0x3FD2] =	sst s25  }
0xa6: {  	s5 =	sshll.u32 s26, $0x1;
	_ =	strace $0x80000046;
	[dreg:$0x1] =	wrdreg $0xFFFFFFFF  }
0xa7: {  	s28 =	simm.s32 $_size_execute0_lowered;
	s3 =	sadd.s32 s3, s5;
	[dreg:$0x0] =	wrdreg $0x0  }
0xa8: {  	s5 =	sshll.u32 s28, $0x1;
	[dreg:$0x2] =	wrdreg s3  }
0xa9: {  	[dreg:$0x3] =	wrdreg s5  }
0xaa: {  	[dreg:$0x4] =	wrdreg $0xC0  }
0xab: {  	_ =	task [dreg:s7], $0x5FFFF  }
0xac: {  	[dreg:$0x1] =	wrdreg $0xFFFFFFFF  }
0xad: {  	[dreg:$0x0] =	wrdreg $0x60  }
0xae: {  	[dreg:$0x2] =	wrdreg s24  }
0xaf: {  	[dreg:$0x3] =	wrdreg s2  }
0xb0: {  	[dreg:$0x4] =	wrdreg $0x9  }
0xb1: {  	_ =	task.clear_ibuf [dreg:s7], $0x5FFFF;
	_ =	strace $0x90000046  }
0xb2: {  	s29 =	simm.s32 $0x9;
	_ =	strace $0x80000048  }
0xb3: {  	_ =	swait.ge [sflag:s29], $0x1  }
0xb4: {  	[sflag:s29] =	ssyncadd.s32 $0xFFFFFFFF  }
0xb5: {  	_ =	strace $0x90000048  }
0xb6: {  	_ =	sfence  }
0xb7: {  	s30 =	sld [smem:$0x0];
	_ =	sdelay $0x2  }
0xb8: {  	s31 =	sshll.u32 s1, $0xD;
	s1 =	sshrl.u32 s1, $0x2  }
0xb9: {  	s3 =	sand.u32 $0x4000, s31;
	s1 =	sadd.s32 s1, s30  }
0xba: {  	s0 =	sor.u32 s3, s0;
	s1 =	sshll.u32 s1, $0x11  }
0xbb: {  	s0 =	sor.u32 s1, s0  }
0xbc: {  	s0 =	sadd.s32 $0x8F2B, s0  }
0xbd: {  	[sflag:s0] =	ssyncadd.remote.s32 $0x1  }
0xbe: {  	_ =	sfence.sel $0xFFFF  }
0xbf: {  	[dreg:$0x0] =	wrdreg $0xFFFFFFFF;
	(pc) =	sbr.abs _section_cstart, $3  }
0xc0: {  	[dreg:$0x1] =	wrdreg $0xFFFFFFFF  }
0xc1: {  	_ =	task.clear_ibuf [dreg:s7], $0x2FFFF;
	_ =	strace $0x9FFFFFFF  }
0xc2: {  	(tm) =	ssettm $0x7FFFFFFF  }
0xc3: {  	_ =	shalt  }
tec
execute0_lowered:
.L_overlay_start_1:
0x0: {  	(tag) =	ssettag $0x1  }
0x1: {  	s5 =	rddreg [dreg:$0x0]  }
0x2: {  	s7 =	rddreg [dreg:$0x1]  }
0x3: {  	s2 =	simm.s32 $0x0;
	s3 =	srdreg.scid;
	s0 =	stileid.u32  }
0x4: {  	s12 =	simm.s32 $0x40;
	s14 =	simm.s32 $0x4100;
	s15 =	simm.s32 $0x1  }
0x5: {  	s16 =	simm.s32 $0x4080;
	s17 =	simm.s32 $0x6100;
	s18 =	simm.s32 $0x80  }
0x6: {  	s19 =	simm.s32 $0x400;
	s20 =	simm.s32 $0x8100;
	s22 =	simm.s32 $0x2  }
0x7: {  	s23 =	simm.s32 $0x0;
	[smem:$0x7FF] =	sst s2;
	s4 =	sand.u32 $0x1, s3  }
0x8: {  	s31 =	sshll.u32 s0, $0x1;
	s3 =	sadd.s32 $0x102A00, s5;
	_ =	strace $0x80000047  }
0x9: {  	s9 =	sor.u32 s4, s31;
	s6 =	ssub.s32 $0x2, s4;
	s4 =	sadd.s32 $0xAA00, s5  }
0xa: {  	s8 =	sshll.u32 s9, $0xA;
	s11 =	sshrl.u32 s6, $0x1;
	s21 =	sshll.u32 s9, $0xF  }
0xb: {  	s10 =	sadd.s32 s8, s5;
	s5 =	sadd.s32 $0x1AA00, s5;
	s11 =	ssub.s32 s6, s11  }
0xc: {  	s6 =	sshll.u32 s9, $0x6;
	s7 =	sadd.s32 s7, s8;
	v0 =	vmov s21;
	s21 =	simm.s32 $0x8200  }
0xd: {  	v1 =	vimm.f32 $-1.000000020e+30;
	v2 =	vimm.f32 $0.0e+00;
	s8 =	sadd.s32 $0x2A00, s10;
	s9 =	smax.u32 s11, $0x1;
	s10 =	simm.s32 $0x3  }
.LBB2_1:
0xe: {  	[tilespmem:s2], [sflag:$0x3] =	stream.linear.gather [hbm4b:s7+s2], $0x2000, $0x38;
	[tilespmem:$0x8300] =	vst v63  }
0xf: {  	_ =	swait.ge [sflag:s10], $0x2000  }
0x10: {  	[sflag:s10] =	ssyncset.done $0x0  }
0x11: {  	s0 =	simm.s32 $0x2000;
	[sflag:s10] =	ssyncadd.s32 $0xFFFFE000  }
0x12: {  	[tilespmem:s0], [sflag:$0x3] =	stream.linear.gather [hbm4b:s8+s2], $0x2000, $0x38;
	[tilespmem:$0x8300] =	vst v63  }
0x13: {  	_ =	swait.ge [sflag:s10], $0x2000  }
0x14: {  	[sflag:s10] =	ssyncset.done $0x0  }
0x15: {  	[sflag:s10] =	ssyncadd.s32 $0xFFFFE000  }
0x16: {  	v3 =	vld [tilespmem:$0x0]  }
0x17: {  	v4 =	vld [tilespmem:$0x10]  }
0x18: {  	v5 =	vld [tilespmem:$0x20]  }
0x19: {  	v6 =	vld [tilespmem:$0x30];
	_ =	sdelay $0x1  }
0x1a: {  	v3 =	vadd.s32 v0, v3  }
0x1b: {  	[tilespmem:$0x4000] =	vst v3;
	v3 =	vadd.s32 v0, v4  }
0x1c: {  	[tilespmem:$0x4010] =	vst v3;
	v3 =	vadd.s32 v0, v5  }
0x1d: {  	[tilespmem:$0x4020] =	vst v3;
	v3 =	vadd.s32 v0, v6  }
0x1e: {  	s31 =	simm.s32 $0x4000;
	s24 =	simm.s32 $0x0;
	[tilespmem:$0x4030] =	vst v3  }
0x1f: {  	[tilespmem:s14], [sflag:$0x1] =	stream.indirect.gather [hbm4b:s3+s12], $0x80, s31, s12, $0xb8;
	[tilespmem:$0x8300] =	vst v63  }
.LBB2_2:
0x20: {  	_ =	swait.ge [sflag:s15], $0x2000;
	s25 =	sshllo.u32 s24, $0x1  }
0x21: {  	[sflag:s15] =	ssyncset.done $0x0;
	s26 =	sshll.u32 s25, $0x9  }
0x22: {  	[sflag:s15] =	ssyncadd.s32 $0xFFFFE000;
	s26 =	sshrl.u32 s26, $0x2  }
0x23: {  	v3 =	vld [tilespmem:s26+$0x0];
	_ =	sdelay $0x2  }
0x24: {  	s28 =	sadd.s32 s6, s25  }
0x25: {  	s28 =	sshll.u32 s28, $0x9  }
0x26: {  	v3 =	vadd.s32 s28, v3  }
0x27: {  	[tilespmem:$0x4080] =	vst v3  }
0x28: {  	v3 =	vld [tilespmem:s26+$0x10];
	_ =	sdelay $0x4  }
0x29: {  	v3 =	vadd.s32 s28, v3  }
0x2a: {  	[tilespmem:$0x4090] =	vst v3  }
0x2b: {  	v3 =	vld [tilespmem:s26+$0x20];
	_ =	sdelay $0x4  }
0x2c: {  	v3 =	vadd.s32 s28, v3  }
0x2d: {  	[tilespmem:$0x40A0] =	vst v3  }
0x2e: {  	v3 =	vld [tilespmem:s26+$0x30];
	_ =	sdelay $0x4  }
0x2f: {  	v3 =	vadd.s32 s28, v3;
	s28 =	sshll.u32 s24, $0x8  }
0x30: {  	[tilespmem:$0x40B0] =	vst v3;
	s28 =	sand.u32 $0x3FFFFF00, s28  }
0x31: {  	[tilespmem:s17], [sflag:$0x2] =	stream.indirect.gather [hbm4b:s3+s12], $0x80, s16, s12, $0xb8;
	[tilespmem:$0x8300] =	vst v63  }
0x32: {  	v5 =	vimm.s32 $0x0;
	v3 =	vld [tilespmem:s28+$0x2000];
	[tilespmem:$0x8100] =	vst v1  }
0x33: {  	[tilespmem:$0x8200] =	vst v5  }
0x34: {  	[tilespmem:$0x8110] =	vst v1  }
0x35: {  	[tilespmem:$0x8210] =	vst v5  }
0x36: {  	[tilespmem:$0x8120] =	vst v1  }
0x37: {  	[tilespmem:$0x8220] =	vst v5  }
0x38: {  	[tilespmem:$0x8130] =	vst v1  }
0x39: {  	[tilespmem:$0x8230] =	vst v5  }
0x3a: {  	[tilespmem:$0x8140] =	vst v1  }
0x3b: {  	[tilespmem:$0x8240] =	vst v5  }
0x3c: {  	[tilespmem:$0x8150] =	vst v1  }
0x3d: {  	[tilespmem:$0x8250] =	vst v5  }
0x3e: {  	[tilespmem:$0x8160] =	vst v1  }
0x3f: {  	[tilespmem:$0x8260] =	vst v5  }
0x40: {  	[tilespmem:$0x8170] =	vst v1  }
0x41: {  	[tilespmem:$0x8270] =	vst v5  }
0x42: {  	[tilespmem:$0x8180] =	vst v1  }
0x43: {  	[tilespmem:$0x8280] =	vst v5  }
0x44: {  	[tilespmem:$0x8190] =	vst v1  }
0x45: {  	[tilespmem:$0x8290] =	vst v5  }
0x46: {  	[tilespmem:$0x81A0] =	vst v1  }
0x47: {  	[tilespmem:$0x82A0] =	vst v5  }
0x48: {  	[tilespmem:$0x81B0] =	vst v1  }
0x49: {  	[tilespmem:$0x82B0] =	vst v5  }
0x4a: {  	[tilespmem:$0x81C0] =	vst v1  }
0x4b: {  	[tilespmem:$0x82C0] =	vst v5  }
0x4c: {  	s29 =	simm.s32 $0x0;
	[tilespmem:$0x81D0] =	vst v1  }
0x4d: {  	[tilespmem:$0x82D0] =	vst v5;
	s28 =	sand.u32 $0xFFFFFF80, s29  }
0x4e: {  	[tilespmem:$0x81E0] =	vst v1;
	s30 =	ssub.s32 $0x0, s28  }
0x4f: {  	[tilespmem:$0x82E0] =	vst v5;
	s29 =	sand.u32 $0x3FFFFF80, s29;
	s28 =	simm.s32 $0x0;
	s30 =	sand.u32 $0xFFFFFF80, s30  }
0x50: {  	[tilespmem:$0x81F0] =	vst v1;
	s31 =	sand.u32 $0x70, s28;
	s29 =	sadd.s32 s30, s29  }
0x51: {  	[tilespmem:$0x82F0] =	vst v5;
	s29 =	sor.u32 s31, s29  }
0x52: {  	v4 =	vld [tilespmem:s29+$0x4100];
	_ =	sdelay $0x4  }
0x53: {  	vm1 =	vge.f32 v4, v3  }
0x54: {  	v6 =	vsel vm1, $0x3F800000, v2  }
0x55: {  	(xrf0) =	vmax.scan.msk.f32 $0xffff, v6;
	_ =	sdelay $0x5  }
0x56: {  	v6, _, _ =	vpop (xrf0)  }
0x57: {  	(v2sf) =	vpush v6, $0xF;
	_ =	sdelay $0xe  }
0x58: {  	s29 =	spop (v2sf)  }
0x59: {  	p1 =	sgt.f32 s29, $0.0e+00;
	_ =	sdelay $0x1  }
0x5a: {  	vm0 =	vge.f32 @p1 v4, v3;
	v6 =	vimm.s32 @p1 $0x0  }
0x5b: {  	v6 =	vsel @p1 vm0, $0x1, v6  }
0x5c: {  	(xrf0) =	vadd.scan.msk.s32 @p1 $0xffff, v6;
	_ =	sdelay $0x5  }
0x5d: {  	v6, _, _ =	vpop @p1 (xrf0)  }
0x5e: {  	v6 =	vadd.s32 @p1 v6, v5  }
0x5f: {  	v7 =	vmpcnt.ones.xlane vm1;
	v6 =	vadd.s32 @p1 $0xFFFFFFFF, v6  }
0x60: {  	vm1 =	vlt.s32 @p1 v6, $0xFF  }
0x61: {  	s30 =	simm.s32 $0x0;
	s31 =	simm.s32 $0x1;
	s29 =	sshll.u32 s24, $0x1;
	v5 =	vadd.s32 v5, v7;
	v6 =	vnsel @p1 vm1, $0xFF, v6  }
.LBB2_3:
0x62: {  	s0 =	sshll.u32 s31, $0x4;
	v7 =	vmov v5  }
0x63: {  	s31 =	sadd.s32 $0x1, s31;
	s28 =	sadd.s32 $0x10, s28;
	s1 =	sand.u32 $0xFFFFFF80, s0  }
0x64: {  	p0 =	sne.s32 s31, $0x200;
	s1 =	ssub.s32 s28, s1  }
0x65: {  	v8 =	vlaneseq.u32 @p1;
	s11 =	simm.s32 @p1 $0x8100;
	s0 =	sand.u32 $0x3FFFFF80, s0;
	s1 =	sand.u32 $0xFFFFFF80, s1  }
0x66: {  	s13 =	sand.u32 $0x70, s28;
	v8 =	vor.u32 @p1 s30, v8;
	s0 =	sadd.s32 s1, s0;
	[tilespmem:v6+s11+$0x0] =	vst.idx.msk @p1 vm0, v4;
	s1 =	simm.s32 @p1 $0x8200  }
0x67: {  	s30 =	smov.u32 s28;
	s0 =	sor.u32 s13, s0;
	[tilespmem:v6+s1+$0x0] =	vst.idx.msk @p1 vm0, v8  }
0x68: {  	v4 =	vld [tilespmem:s0+$0x4100];
	_ =	sdelay $0x4  }
0x69: {  	vm0 =	vge.f32 v4, v3  }
0x6a: {  	v6 =	vsel vm0, $0x3F800000, v2;
	v8 =	vmpcnt.ones.xlane vm0  }
0x6b: {  	(xrf0) =	vmax.scan.msk.f32 $0xffff, v6  }
0x6c: {  	v5 =	vadd.s32 v5, v8;
	_ =	sdelay $0x4  }
0x6d: {  	v6, _, _ =	vpop (xrf0)  }
0x6e: {  	(v2sf) =	vpush v6, $0xF;
	_ =	sdelay $0xe  }
0x6f: {  	s0 =	spop (v2sf)  }
0x70: {  	p1 =	sgt.f32 s0, $0.0e+00;
	_ =	sdelay $0x1  }
0x71: {  	vm0 =	vge.f32 @p1 v4, v3;
	v6 =	vimm.s32 @p1 $0x0  }
0x72: {  	v6 =	vsel @p1 vm0, $0x1, v6  }
0x73: {  	(xrf0) =	vadd.scan.msk.s32 @p1 $0xffff, v6;
	_ =	sdelay $0x5  }
.Ltmp0:
0x74: {  	v6, _, _ =	vpop @p1 (xrf0);
	(pc) =	sbr.rel @p0 .LBB2_3-.Ltmp0, $4  }
0x75: {  	v6 =	vadd.s32 @p1 v6, v7  }
0x76: {  	v6 =	vadd.s32 @p1 $0xFFFFFFFF, v6  }
0x77: {  	vm1 =	vlt.s32 @p1 v6, $0xFF  }
0x78: {  	v6 =	vnsel @p1 vm1, $0xFF, v6  }
0x79: {  	_ =	sdelay $0x1  }
0x7a: {  	s0 =	sadd.s32 s6, s29  }
0x7b: {  	s1 =	sshll.u32 s24, $0x5;
	s0 =	sshll.u32 s0, $0x5  }
0x7c: {  	v3 =	vlaneseq.u32 @p1;
	s11 =	simm.s32 @p1 $0x8100;
	s31 =	sand.u32 $0x60, s1;
	s28 =	sand.u32 $0xFFFFF00, s0  }
0x7d: {  	v3 =	vor.u32 @p1 s30, v3;
	[tilespmem:v6+s11+$0x0] =	vst.idx.msk @p1 vm0, v4;
	s1 =	simm.s32 @p1 $0x8200;
	s0 =	sor.u32 s31, s28  }
0x7e: {  	[tilespmem:v6+s1+$0x0] =	vst.idx.msk @p1 vm0, v3;
	s13 =	sadd.s32 s4, s0  }
0x7f: {  	[hbm4b:s13+s18] =	stream.strided.scatter [tilespmem:s20], [sflag:$0x3], $0x100, s19, s18, $0x38;
	[tilespmem:$0x8300] =	vst v63  }
0x80: {  	_ =	swait.ge [sflag:s10], $0x100  }
0x81: {  	[sflag:s10] =	ssyncset.done $0x0  }
0x82: {  	s0 =	sadd.s32 s5, s0;
	[sflag:s10] =	ssyncadd.s32 $0xFFFFFF00  }
0x83: {  	[hbm4b:s0+s18] =	stream.strided.scatter [tilespmem:s21], [sflag:$0x3], $0x100, s19, s18, $0x38;
	[tilespmem:$0x8300] =	vst v63  }
0x84: {  	_ =	swait.ge [sflag:s10], $0x100  }
0x85: {  	[sflag:s10] =	ssyncset.done $0x0  }
0x86: {  	p0 =	seq.s32 s24, $0x1F;
	[sflag:s10] =	ssyncadd.s32 $0xFFFFFF00  }
0x87: {  	s0 =	sadd.s32 @!p0 $0x2, s29;
	_ =	swait.ge [sflag:s22], $0x2000  }
0x88: {  	s1 =	sshll.u32 @!p0 s0, $0x7;
	[sflag:s22] =	ssyncset.done $0x0  }
0x89: {  	s1 =	sand.u32 @!p0 $0x3FFFFF80, s1;
	[sflag:s22] =	ssyncadd.s32 $0xFFFFE000  }
0x8a: {  	v3 =	vld @!p0 [tilespmem:s1+$0x0];
	_ =	sdelay $0x2  }
0x8b: {  	s0 =	sadd.s32 @!p0 s6, s0  }
0x8c: {  	s0 =	sshll.u32 @!p0 s0, $0x9  }
0x8d: {  	v3 =	vadd.s32 @!p0 s0, v3  }
0x8e: {  	[tilespmem:$0x4000] =	vst @!p0 v3  }
0x8f: {  	v3 =	vld @!p0 [tilespmem:s1+$0x10];
	_ =	sdelay $0x4  }
0x90: {  	v3 =	vadd.s32 @!p0 s0, v3  }
0x91: {  	[tilespmem:$0x4010] =	vst @!p0 v3  }
0x92: {  	v3 =	vld @!p0 [tilespmem:s1+$0x20];
	_ =	sdelay $0x4  }
0x93: {  	v3 =	vadd.s32 @!p0 s0, v3  }
0x94: {  	[tilespmem:$0x4020] =	vst @!p0 v3  }
0x95: {  	v3 =	vld @!p0 [tilespmem:s1+$0x30];
	_ =	sdelay $0x4  }
0x96: {  	v3 =	vadd.s32 @!p0 s0, v3  }
0x97: {  	s11 =	simm.s32 @!p0 $0x4100;
	s1 =	simm.s32 @!p0 $0x4000;
	s0 =	simm.s32 @!p0 $0x40;
	[tilespmem:$0x4030] =	vst @!p0 v3  }
0x98: {  	[tilespmem:s11], [sflag:$0x1] =	stream.indirect.gather @!p0 [hbm4b:s3+s0], $0x80, s1, s0, $0xb8;
	[tilespmem:$0x8300] =	vst v63  }
0x99: {  	v5 =	vimm.s32 $0x0;
	v3 =	vld [tilespmem:s26+$0x2000];
	[tilespmem:$0x8100] =	vst v1  }
0x9a: {  	[tilespmem:$0x8200] =	vst v5  }
0x9b: {  	[tilespmem:$0x8110] =	vst v1  }
0x9c: {  	[tilespmem:$0x8210] =	vst v5  }
0x9d: {  	[tilespmem:$0x8120] =	vst v1  }
0x9e: {  	[tilespmem:$0x8220] =	vst v5  }
0x9f: {  	[tilespmem:$0x8130] =	vst v1  }
0xa0: {  	[tilespmem:$0x8230] =	vst v5  }
0xa1: {  	[tilespmem:$0x8140] =	vst v1  }
0xa2: {  	[tilespmem:$0x8240] =	vst v5  }
0xa3: {  	[tilespmem:$0x8150] =	vst v1  }
0xa4: {  	[tilespmem:$0x8250] =	vst v5  }
0xa5: {  	[tilespmem:$0x8160] =	vst v1  }
0xa6: {  	[tilespmem:$0x8260] =	vst v5  }
0xa7: {  	[tilespmem:$0x8170] =	vst v1  }
0xa8: {  	[tilespmem:$0x8270] =	vst v5  }
0xa9: {  	[tilespmem:$0x8180] =	vst v1  }
0xaa: {  	[tilespmem:$0x8280] =	vst v5  }
0xab: {  	[tilespmem:$0x8190] =	vst v1  }
0xac: {  	[tilespmem:$0x8290] =	vst v5  }
0xad: {  	[tilespmem:$0x81A0] =	vst v1  }
0xae: {  	[tilespmem:$0x82A0] =	vst v5  }
0xaf: {  	[tilespmem:$0x81B0] =	vst v1  }
0xb0: {  	[tilespmem:$0x82B0] =	vst v5  }
0xb1: {  	[tilespmem:$0x81C0] =	vst v1  }
0xb2: {  	[tilespmem:$0x82C0] =	vst v5  }
0xb3: {  	s31 =	simm.s32 $0x0;
	[tilespmem:$0x81D0] =	vst v1  }
0xb4: {  	s11 =	sand.u32 $0xFFFFFF80, s31;
	[tilespmem:$0x82D0] =	vst v5  }
0xb5: {  	[tilespmem:$0x81E0] =	vst v1;
	s1 =	ssub.s32 $0x0, s11  }
0xb6: {  	s0 =	sand.u32 $0x3FFFFF80, s31;
	[tilespmem:$0x82E0] =	vst v5;
	s26 =	simm.s32 $0x0;
	s1 =	sand.u32 $0xFFFFFF80, s1  }
0xb7: {  	[tilespmem:$0x81F0] =	vst v1;
	s13 =	sand.u32 $0x70, s26;
	s0 =	sadd.s32 s1, s0  }
0xb8: {  	[tilespmem:$0x82F0] =	vst v5;
	s0 =	sor.u32 s13, s0  }
0xb9: {  	v4 =	vld [tilespmem:s0+$0x6100];
	_ =	sdelay $0x4  }
0xba: {  	vm1 =	vge.f32 v4, v3  }
0xbb: {  	v6 =	vsel vm1, $0x3F800000, v2  }
0xbc: {  	(xrf0) =	vmax.scan.msk.f32 $0xffff, v6;
	_ =	sdelay $0x5  }
0xbd: {  	v6, _, _ =	vpop (xrf0)  }
0xbe: {  	(v2sf) =	vpush v6, $0xF;
	_ =	sdelay $0xe  }
0xbf: {  	s31 =	spop (v2sf)  }
0xc0: {  	p1 =	sgt.f32 s31, $0.0e+00;
	_ =	sdelay $0x1  }
0xc1: {  	vm0 =	vge.f32 @p1 v4, v3;
	v6 =	vimm.s32 @p1 $0x0  }
0xc2: {  	v6 =	vsel @p1 vm0, $0x1, v6  }
0xc3: {  	(xrf0) =	vadd.scan.msk.s32 @p1 $0xffff, v6;
	_ =	sdelay $0x5  }
0xc4: {  	v6, _, _ =	vpop @p1 (xrf0)  }
0xc5: {  	v6 =	vadd.s32 @p1 v6, v5  }
0xc6: {  	v7 =	vmpcnt.ones.xlane vm1;
	v6 =	vadd.s32 @p1 $0xFFFFFFFF, v6  }
0xc7: {  	vm1 =	vlt.s32 @p1 v6, $0xFF  }
0xc8: {  	s30 =	simm.s32 $0x0;
	s29 =	simm.s32 $0x1;
	v5 =	vadd.s32 v5, v7;
	v6 =	vnsel @p1 vm1, $0xFF, v6  }
.LBB2_5:
0xc9: {  	s0 =	sshll.u32 s29, $0x4;
	v7 =	vmov v5  }
0xca: {  	s29 =	sadd.s32 $0x1, s29;
	s26 =	sadd.s32 $0x10, s26;
	s1 =	sand.u32 $0xFFFFFF80, s0  }
0xcb: {  	p0 =	sne.s32 s29, $0x200;
	s1 =	ssub.s32 s26, s1  }
0xcc: {  	v8 =	vlaneseq.u32 @p1;
	s11 =	simm.s32 @p1 $0x8100;
	s0 =	sand.u32 $0x3FFFFF80, s0;
	s1 =	sand.u32 $0xFFFFFF80, s1  }
0xcd: {  	s13 =	sand.u32 $0x70, s26;
	v8 =	vor.u32 @p1 s30, v8;
	s0 =	sadd.s32 s1, s0;
	[tilespmem:v6+s11+$0x0] =	vst.idx.msk @p1 vm0, v4;
	s1 =	simm.s32 @p1 $0x8200  }
0xce: {  	s30 =	smov.u32 s26;
	s0 =	sor.u32 s13, s0;
	[tilespmem:v6+s1+$0x0] =	vst.idx.msk @p1 vm0, v8  }
0xcf: {  	v4 =	vld [tilespmem:s0+$0x6100];
	_ =	sdelay $0x4  }
0xd0: {  	vm0 =	vge.f32 v4, v3  }
0xd1: {  	v6 =	vsel vm0, $0x3F800000, v2;
	v8 =	vmpcnt.ones.xlane vm0  }
0xd2: {  	(xrf0) =	vmax.scan.msk.f32 $0xffff, v6  }
0xd3: {  	v5 =	vadd.s32 v5, v8;
	_ =	sdelay $0x4  }
0xd4: {  	v6, _, _ =	vpop (xrf0)  }
0xd5: {  	(v2sf) =	vpush v6, $0xF;
	_ =	sdelay $0xe  }
0xd6: {  	s0 =	spop (v2sf)  }
0xd7: {  	p1 =	sgt.f32 s0, $0.0e+00;
	_ =	sdelay $0x1  }
0xd8: {  	vm0 =	vge.f32 @p1 v4, v3;
	v6 =	vimm.s32 @p1 $0x0  }
0xd9: {  	v6 =	vsel @p1 vm0, $0x1, v6  }
0xda: {  	(xrf0) =	vadd.scan.msk.s32 @p1 $0xffff, v6;
	_ =	sdelay $0x5  }
.Ltmp1:
0xdb: {  	v6, _, _ =	vpop @p1 (xrf0);
	(pc) =	sbr.rel @p0 .LBB2_5-.Ltmp1, $4  }
0xdc: {  	v6 =	vadd.s32 @p1 v6, v7  }
0xdd: {  	v6 =	vadd.s32 @p1 $0xFFFFFFFF, v6  }
0xde: {  	vm1 =	vlt.s32 @p1 v6, $0xFF  }
0xdf: {  	v6 =	vnsel @p1 vm1, $0xFF, v6  }
0xe0: {  	_ =	sdelay $0x2  }
0xe1: {  	s0 =	sshll.u32 s25, $0x4  }
0xe2: {  	v3 =	vlaneseq.u32 @p1;
	s1 =	simm.s32 @p1 $0x8100;
	s0 =	sand.u32 $0x70, s0  }
0xe3: {  	v3 =	vor.u32 @p1 s30, v3;
	[tilespmem:v6+s1+$0x0] =	vst.idx.msk @p1 vm0, v4;
	s1 =	simm.s32 @p1 $0x8200;
	s0 =	sor.u32 s0, s28  }
0xe4: {  	[tilespmem:v6+s1+$0x0] =	vst.idx.msk @p1 vm0, v3;
	s31 =	sadd.s32 s4, s0  }
0xe5: {  	[hbm4b:s31+s18] =	stream.strided.scatter [tilespmem:s20], [sflag:$0x3], $0x100, s19, s18, $0x38;
	[tilespmem:$0x8300] =	vst v63  }
0xe6: {  	s24 =	sadd.s32 $0x1, s24;
	_ =	swait.ge [sflag:s10], $0x100  }
0xe7: {  	p0 =	sne.s32 s24, $0x20;
	[sflag:s10] =	ssyncset.done $0x0  }
.Ltmp2:
0xe8: {  	s0 =	sadd.s32 s5, s0;
	[sflag:s10] =	ssyncadd.s32 $0xFFFFFF00;
	(pc) =	sbr.rel @p0 .LBB2_2-.Ltmp2, $4  }
0xe9: {  	[hbm4b:s0+s18] =	stream.strided.scatter [tilespmem:s21], [sflag:$0x3], $0x100, s19, s18, $0x38;
	[tilespmem:$0x8300] =	vst v63  }
0xea: {  	_ =	swait.ge [sflag:s10], $0x100  }
0xeb: {  	[sflag:s10] =	ssyncset.done $0x0  }
0xec: {  	[sflag:s10] =	ssyncadd.s32 $0xFFFFFF00  }
0xed: {  	s23 =	sadd.s32 $0x1, s23  }
0xee: {  	p0 =	sne.s32 s23, s9  }
.Ltmp3:
0xef: {  	_ = 	snop;
	(pc) =	sbr.rel @p0 .LBB2_1-.Ltmp3, $1  }
0xf0: {  	_ =	sdelay $0x3  }
0xf1: {  	_ =	sfence.sel $0x180000  }
0xf2: {  	[bflag:$0x0] =	sbarrier.arrive $0xFFFF  }
0xf3: {  	_ =	strace $0x90000047  }
0xf4: {  	s0 =	stileid.u32;
	[bflag:$0x2] =	sbarrier.arrive $0xFFFF  }
0xf5: {  	p0 =	sne.s32 s0, $0x0;
	s0 =	rddreg [dreg:$0x2]  }
0xf6: {  	s0 =	sadd.s32 @!p0 $0x100000, s0  }
0xf7: {  	[sflag:s0] =	ssyncadd.tile.s32 @!p0 $0x1;
	_ =	shalt  }
.Lfunc_end2:
_tile_overlayer_lowered:
.L_overlay_start_2:
0xf8: {  	(tag) =	ssettag $0x2  }
0xf9: {  	s0 =	rddreg [dreg:$0x0];
	s2 =	stileid.u32  }
0xfa: {  	s1 =	rddreg [dreg:$0x1];
	p0 =	sne.s32 s2, $0x0  }
0xfb: {  	s3 =	rddreg [dreg:$0x2];
	[bflag:$0x3] =	sbarrier.arrive $0xFFFF;
	s2 =	simm.s32 @!p0 $0x1C03  }
0xfc: {  	[timem:s3], [sflag:s2] =	dma.local @!p0 [hbm:s0], s1  }
0xfd: {  	s0 =	simm.s32 @!p0 $0x3  }
0xfe: {  	_ =	swait.ge @!p0 [sflag:s0], s1  }
0xff: {  	s1 =	ssub.s32 @!p0 $0x0, s1;
	[sflag:s0] =	ssyncset.done @!p0 $0x0  }
0x100: {  	[sflag:s0] =	ssyncadd.s32 @!p0 s1  }
0x101: {  	[bflag:$0x3] =	sbarrier.arrive $0xFFFF  }
0x102: {  	_ =	shalt  }

// kernel: kernel.13.cloned.1.call-start
scs
__scs_entry_jumppad:
0x0: {  	(pc) =	sbr.rel $0x88, $3  }
0x1: {  	(tag) =	ssettag $0x0;
	lr =	simm.s32 $0x1  }
0x2: {  	[smem:$0x3F95] =	sst lr;
	_ =	strace $0xD0000000  }
0x3: {  	_ = 	snop  }
0x4: {  	_ = 	snop  }
0x5: {  	_ = 	snop  }
0x6: {  	_ = 	snop  }
0x7: {  	_ = 	snop  }
__scs_overlays_trampoline_lowered:
0x8: {  	[smem:$0x3FA4] =	sst s0  }
0x9: {  	[smem:$0x3FA5] =	sst s1  }
0xa: {  	[smem:$0x3FA6] =	sst s2  }
0xb: {  	[smem:$0x3FA7] =	sst s3  }
0xc: {  	[smem:$0x3FA8] =	sst s4  }
0xd: {  	[smem:$0x3FA9] =	sst s5  }
0xe: {  	[smem:$0x3FAA] =	sst s6  }
0xf: {  	[smem:$0x3FAB] =	sst s7  }
0x10: {  	[smem:$0x3FAC] =	sst s8  }
0x11: {  	[smem:$0x3FAD] =	sst s9;
	s0 =	simm.s32 @!p0 $0x0  }
0x12: {  	s1 =	sld [smem:$0x3F93];
	s0 =	simm.s32 @p0 $0x1  }
0x13: {  	[smem:$0x3FAE] =	sst s0;
	s0 =	simm.s32 @!p1 $0x0  }
0x14: {  	s2 =	sld [smem:$0x3F92];
	s0 =	simm.s32 @p1 $0x1  }
0x15: {  	[smem:$0x3FAF] =	sst s0;
	s0 =	simm.s32 @!p2 $0x0  }
0x16: {  	s3 =	sld [smem:$0x3FDB];
	s0 =	simm.s32 @p2 $0x1  }
0x17: {  	s4 =	simm.s32 $0x1BF5;
	[smem:$0x3FB1] =	sst s0  }
0x18: {  	s0 =	sld [smem:$0x3F94];
	_ =	swait.ge [sflag:s4], $0x0  }
0x19: {  	s7 =	sld [smem:$0x3F95]  }
0x1a: {  	s8 =	sadd.s32 $0xFFFFE003, lr  }
0x1b: {  	s9 =	sadd.s32 $0xFFFFFEF7, lr;
	s5 =	simm.s32 $0xFFFFFFFF;
	p2 =	slt.u32 s8, $0xFFFFF086  }
0x1c: {  	p1 =	slt.u32 s9, $0xF7A;
	s5 =	simm.s32 @!p2 $0x0  }
0x1d: {  	s5 =	simm.s32 @p1 $0x1;
	p0 =	seq.s32 s7, s2  }
0x1e: {  	s7 =	smul.u32 @!p0 $0xF7A, s2;
	p2 =	seq.s32 @!p0 s5, $0x0  }
0x1f: {  	s9 =	smul.u32 $0xF7A, s1;
	s8 =	simm.s32 @!p0 $0x1BF5;
	p2 =	por !p2, p0  }
0x20: {  	[sflag:s8] =	ssyncset.s32 @!p0 $0xFFFFF086;
	s6 =	sadd.s32 @!p0 s3, s7;
	s7 =	simm.s32 @!p0 $0x108  }
0x21: {  	s3 =	sadd.s32 s3, s9;
	s6 =	sadd.s32 @!p0 $0x88, s6;
	s7 =	simm.s32 @p2 $0x1082  }
0x22: {  	[simem:s7], [sflag:s8] =	dma.local @!p0 [hbm:s6], $0xF7A  }
0x23: {  	s9 =	sor.u32 $0xD0000000, s2;
	s6 =	simm.s32 $0x108;
	_ =	swait.ge @!p0 [sflag:s8], $0x0  }
0x24: {  	s3 =	sadd.s32 $0x88, s3;
	s6 =	simm.s32 @!p1 $0x1082;
	[sflag:s4] =	ssyncset.s32 $0xFFFFF086  }
0x25: {  	[simem:s6], [sflag:s4] =	dma.local [hbm:s3], $0xF7A  }
0x26: {  	[smem:$0x3F95] =	sst s1;
	(tag) =	ssettag s2;
	_ =	strace s9  }
0x27: {  	s1 =	sld [smem:$0x3FA5]  }
0x28: {  	s2 =	sld [smem:$0x3FA6]  }
0x29: {  	s4 =	sld [smem:$0x3FA8]  }
0x2a: {  	p0 =	seq.s32 s5, $0x0;
	s5 =	sld [smem:$0x3FA9]  }
0x2b: {  	s6 =	sld [smem:$0x3FAA]  }
0x2c: {  	s7 =	sld [smem:$0x3FAB]  }
0x2d: {  	s3 =	simm.s32 $0x108;
	s8 =	sld [smem:$0x3FAC]  }
0x2e: {  	s3 =	simm.s32 @!p0 $0x1082;
	s9 =	sld [smem:$0x3FAD]  }
0x2f: {  	lr =	sadd.s32 s0, s3;
	s0 =	sld [smem:$0x3FA4]  }
0x30: {  	s3 =	sld [smem:$0x3FA7]  }
0x31: {  	[smem:$0x3FB0] =	sst s10  }
0x32: {  	s10 =	sld [smem:$0x3FAE];
	_ =	sdelay $0x3  }
0x33: {  	p0 =	seq.s32 s10, $0x1;
	s10 =	sld [smem:$0x3FB0];
	_ =	sdelay $0x3  }
0x34: {  	[smem:$0x3FB0] =	sst s10  }
0x35: {  	s10 =	sld [smem:$0x3FAF];
	_ =	sdelay $0x3  }
0x36: {  	p1 =	seq.s32 s10, $0x1;
	s10 =	sld [smem:$0x3FB0];
	_ =	sdelay $0x3  }
0x37: {  	[smem:$0x3FB0] =	sst s10  }
0x38: {  	s10 =	sld [smem:$0x3FB1]  }
0x39: {  	_ = 	snop;
	(pc) =	sbr.ind lr, $3  }
0x3a: {  	_ = 	snop  }
0x3b: {  	_ = 	snop  }
0x3c: {  	p2 =	seq.s32 s10, $0x1;
	s10 =	sld [smem:$0x3FB0]  }
0x3d: {  	_ =	shalt  }
0x3e: {  	_ =	shalt  }
0x3f: {  	_ =	shalt  }
0x40: {  	_ =	shalt  }
0x41: {  	_ =	shalt  }
0x42: {  	_ =	shalt  }
0x43: {  	_ =	shalt  }
0x44: {  	_ =	shalt  }
0x45: {  	_ =	shalt  }
0x46: {  	_ =	shalt  }
0x47: {  	_ =	shalt  }
0x48: {  	_ =	shalt  }
0x49: {  	_ =	shalt  }
0x4a: {  	_ =	shalt  }
0x4b: {  	_ =	shalt  }
0x4c: {  	_ =	shalt  }
0x4d: {  	_ =	shalt  }
0x4e: {  	_ =	shalt  }
0x4f: {  	_ =	shalt  }
0x50: {  	_ =	shalt  }
0x51: {  	_ =	shalt  }
0x52: {  	_ =	shalt  }
0x53: {  	_ =	shalt  }
0x54: {  	_ =	shalt  }
0x55: {  	_ =	shalt  }
0x56: {  	_ =	shalt  }
0x57: {  	_ =	shalt  }
0x58: {  	_ =	shalt  }
0x59: {  	_ =	shalt  }
0x5a: {  	_ =	shalt  }
0x5b: {  	_ =	shalt  }
0x5c: {  	_ =	shalt  }
0x5d: {  	_ =	shalt  }
0x5e: {  	_ =	shalt  }
0x5f: {  	_ =	shalt  }
0x60: {  	_ =	shalt  }
0x61: {  	_ =	shalt  }
0x62: {  	_ =	shalt  }
0x63: {  	_ =	shalt  }
0x64: {  	_ =	shalt  }
0x65: {  	_ =	shalt  }
0x66: {  	_ =	shalt  }
0x67: {  	_ =	shalt  }
0x68: {  	_ =	shalt  }
0x69: {  	_ =	shalt  }
0x6a: {  	_ =	shalt  }
0x6b: {  	_ =	shalt  }
0x6c: {  	_ =	shalt  }
0x6d: {  	_ =	shalt  }
0x6e: {  	_ =	shalt  }
0x6f: {  	_ =	shalt  }
0x70: {  	_ =	shalt  }
0x71: {  	_ =	shalt  }
0x72: {  	_ =	shalt  }
0x73: {  	_ =	shalt  }
0x74: {  	_ =	shalt  }
0x75: {  	_ =	shalt  }
0x76: {  	_ =	shalt  }
0x77: {  	_ =	shalt  }
0x78: {  	_ =	shalt  }
0x79: {  	_ =	shalt  }
0x7a: {  	_ =	shalt  }
0x7b: {  	_ =	shalt  }
0x7c: {  	_ =	shalt  }
0x7d: {  	_ =	shalt  }
0x7e: {  	_ =	shalt  }
0x7f: {  	_ =	shalt  }
0x80: {  	_ =	shalt  }
0x81: {  	_ =	shalt  }
0x82: {  	_ =	shalt  }
0x83: {  	_ =	shalt  }
0x84: {  	_ =	shalt  }
0x85: {  	_ =	shalt  }
0x86: {  	_ =	shalt  }
0x87: {  	_ =	shalt  }
.Lfunc_end0:
.L_simem_size_0:
called_computation.1_lowered:
.L_overlay_start_0:
0x88: {  	s2 =	sld [smem:$0x3FD9]  }
0x89: {  	s3 =	sld [smem:$0x3FFE];
	_ =	sdelay $0x1  }
0x8a: {  	s1 =	srdreg.scid  }
0x8b: {  	s0 =	sand.u32 $0x1, s1  }
0x8c: {  	s17 =	sshll.u32 s0, $0xA;
	s2 =	sadd.s32 s3, s2  }
0x8d: {  	s2 =	sadd.s32 s2, s17  }
0x8e: {  	[smem:$0x3FBC] =	sst s2  }
0x8f: {  	_ = 	snop  }
0x90: {  	s2 =	sld [smem:$0x3FC8]  }
0x91: {  	s18 =	sld [smem:$0x3FD0];
	(tm) =	ssettm $0x1  }
0x92: {  	s4 =	sld [smem:$0x3FFB];
	_ =	sdelay $0x3  }
0x93: {  	_ =	strace s4  }
0x94: {  	s4 =	sld [smem:$0x3FFC];
	_ =	sdelay $0x3  }
0x95: {  	_ =	strace s4  }
0x96: {  	s4 =	sld [smem:$0x3FFD];
	_ =	sdelay $0x3  }
0x97: {  	_ =	strace s4  }
0x98: {  	_ =	strace $0x8FFFFFFF  }
0x99: {  	s19 =	sld [smem:$0x3FDB];
	_ =	sdelay $0x1  }
0x9a: {  	s5 =	simm.s32 $_scs_section_size  }
0x9b: {  	s6 =	simm.s32 $_size__tile_overlayer_lowered;
	s7 =	simm.s32 $_tile_overlayer_lowered  }
0x9c: {  	s22 =	simm.s32 $0x1BFF;
	s21 =	sshll.u32 s7, $0x1;
	s4 =	sadd.s32 s5, s19  }
0x9d: {  	s8 =	simm.s32 $0x0;
	s20 =	sshll.u32 s6, $0x1;
	s6 =	sadd.s32 s21, s4  }
0x9e: {  	[timem:s8], [sflag:s22] =	dma.local [hbm:s6], s20  }
0x9f: {  	_ =	swait.ge [sflag:s22], s20  }
0xa0: {  	s5 =	ssub.s32 $0x0, s20;
	[sflag:s22] =	ssyncset.done $0x0  }
0xa1: {  	[sflag:s22] =	ssyncadd.s32 s5;
	_ =	sdelay $0x1  }
0xa2: {  	s23 =	simm.s32 $0x1B8B  }
0xa3: {  	_ =	swait.ge [sflag:s23], $0x1  }
0xa4: {  	[sflag:s23] =	ssyncset.done $0x0  }
0xa5: {  	s25 =	simm.s32 $0x1B8E;
	s24 =	sld [smem:$0x3FFE];
	[sflag:s23] =	ssyncadd.s32 $0xFFFFFFFF  }
0xa6: {  	s26 =	simm.s32 $execute0_lowered;
	[smem:$0x3FD2] =	sst s25  }
0xa7: {  	s6 =	sshll.u32 s26, $0x1;
	_ =	strace $0x80000049;
	[dreg:$0x1] =	wrdreg $0xFFFFFFFF  }
0xa8: {  	s28 =	simm.s32 $_size_execute0_lowered;
	s4 =	sadd.s32 s4, s6;
	[dreg:$0x0] =	wrdreg $0x0  }
0xa9: {  	s6 =	sshll.u32 s28, $0x1;
	[dreg:$0x2] =	wrdreg s4  }
0xaa: {  	[dreg:$0x3] =	wrdreg s6  }
0xab: {  	[dreg:$0x4] =	wrdreg $0xC0  }
0xac: {  	_ =	task [dreg:s8], $0x5FFFF  }
0xad: {  	[dreg:$0x1] =	wrdreg $0xFFFFFFFF  }
0xae: {  	[dreg:$0x0] =	wrdreg $0x60  }
0xaf: {  	[dreg:$0x2] =	wrdreg s18  }
0xb0: {  	[dreg:$0x3] =	wrdreg s2  }
0xb1: {  	[dreg:$0x4] =	wrdreg s24  }
0xb2: {  	[dreg:$0x5] =	wrdreg $0x9  }
0xb3: {  	_ =	task.clear_ibuf [dreg:s8], $0x6FFFF;
	_ =	strace $0x90000049  }
0xb4: {  	s29 =	simm.s32 $0x9;
	_ =	strace $0x8000004B  }
0xb5: {  	_ =	swait.ge [sflag:s29], $0x1  }
0xb6: {  	[sflag:s29] =	ssyncadd.s32 $0xFFFFFFFF  }
0xb7: {  	_ =	strace $0x9000004B  }
0xb8: {  	_ =	sfence  }
0xb9: {  	s30 =	sld [smem:$0x0];
	_ =	sdelay $0x2  }
0xba: {  	s31 =	sshll.u32 s1, $0xD;
	s1 =	sshrl.u32 s1, $0x2  }
0xbb: {  	s3 =	sand.u32 $0x4000, s31;
	s1 =	sadd.s32 s1, s30  }
0xbc: {  	s0 =	sor.u32 s3, s0;
	s1 =	sshll.u32 s1, $0x11  }
0xbd: {  	s0 =	sor.u32 s1, s0  }
0xbe: {  	s0 =	sadd.s32 $0x8F2B, s0  }
0xbf: {  	[sflag:s0] =	ssyncadd.remote.s32 $0x1  }
0xc0: {  	_ =	sfence.sel $0xFFFF  }
0xc1: {  	[dreg:$0x0] =	wrdreg $0xFFFFFFFF;
	(pc) =	sbr.abs _section_cstart, $3  }
0xc2: {  	[dreg:$0x1] =	wrdreg $0xFFFFFFFF  }
0xc3: {  	_ =	task.clear_ibuf [dreg:s8], $0x2FFFF;
	_ =	strace $0x9FFFFFFF  }
0xc4: {  	(tm) =	ssettm $0x7FFFFFFF  }
0xc5: {  	_ =	shalt  }
tec
execute0_lowered:
.L_overlay_start_1:
0x0: {  	(tag) =	ssettag $0x1  }
0x1: {  	s4 =	rddreg [dreg:$0x0]  }
0x2: {  	s2 =	rddreg [dreg:$0x1]  }
0x3: {  	s5 =	rddreg [dreg:$0x2]  }
0x4: {  	s3 =	simm.s32 $0x0;
	s1 =	stileid.u32;
	s6 =	srdreg.scid  }
0x5: {  	s11 =	simm.s32 $0x3800;
	s12 =	simm.s32 $0x4000;
	s13 =	simm.s32 $0x4800  }
0x6: {  	s14 =	simm.s32 $0x5000;
	s15 =	simm.s32 $0x5800;
	s16 =	simm.s32 $0x1  }
0x7: {  	s17 =	simm.s32 $0x6000;
	s18 =	simm.s32 $0x6800;
	s19 =	simm.s32 $0x7000  }
0x8: {  	s20 =	simm.s32 $0x7800;
	s21 =	simm.s32 $0x8000;
	s22 =	simm.s32 $0x8800  }
0x9: {  	s23 =	simm.s32 $0x9000;
	s24 =	simm.s32 $0x9800;
	s25 =	simm.s32 $0x2  }
0xa: {  	s26 =	simm.s32 $0x0;
	[smem:$0x7FF] =	sst s3;
	s7 =	sshll.u32 s1, $0x12  }
0xb: {  	s6 =	sand.u32 $0x1, s6;
	s9 =	sshll.u32 s1, $0xB;
	_ =	strace $0x8000004A  }
0xc: {  	s7 =	sadd.s32 s7, s5;
	s30 =	ssub.s32 $0x2, s6;
	s10 =	sshll.u32 s6, $0xA  }
0xd: {  	s6 =	sshll.u32 s6, $0x11;
	s8 =	sshrl.u32 s30, $0x1;
	s31 =	sor.u32 s10, s9  }
0xe: {  	v2 =	vlaneseq.u32;
	s6 =	sadd.s32 s6, s7;
	s7 =	simm.s32 $0x3;
	s9 =	simm.s32 $0x2800  }
0xf: {  	vm0 =	vmmov $0xffff;
	v1 =	vshrl.u32 v2, $0x3;
	s10 =	simm.s32 $0x3000;
	s5 =	ssub.s32 s30, s8;
	s4 =	sadd.s32 s4, s31  }
0x10: {  	v0 =	vand.u32 $0x7, v2;
	v2 =	vor.u32 $0x8, v2;
	v1 =	vmul.u32 $0x8, v1;
	s6 =	sadd.s32 $0xAA00, s6;
	s8 =	simm.s32 $0x2000;
	s5 =	smax.u32 s5, $0x1  }
.LBB2_1:
0x11: {  	[tilespmem:s3], [sflag:$0x3] =	stream.linear.gather [hbm4b:s4+s3], $0x2000, $0x38;
	[tilespmem:$0xA000] =	vst v63  }
0x12: {  	_ =	swait.ge [sflag:s7], $0x2000  }
0x13: {  	[sflag:s7] =	ssyncset.done $0x0  }
0x14: {  	[sflag:s7] =	ssyncadd.s32 $0xFFFFE000  }
0x15: {  	v3 =	vld [tilespmem:$0x0];
	_ =	sdelay $0x4  }
0x16: {  	v4 =	vshll.u32 v3, $0x1  }
0x17: {  	v3 =	vand.u32 $0x7, v3;
	v4 =	vand.u32 $0xFFFFFFF0, v4  }
0x18: {  	v3 =	vor.u32 v3, v4  }
0x19: {  	v4 =	vperm.xlane v3, v0;
	_ =	sdelay $0x1  }
0x1a: {  	v3 =	vperm.xlane v3, v2;
	v4 =	vadd.s32 v1, v4;
	_ =	sdelay $0x1  }
0x1b: {  	v3 =	vadd.s32 v1, v3;
	_ =	sdelay $0x2  }
0x1c: {  	[tilespmem:s8], [sflag:$0x1] =	stream.indirect_vreg.gather [hbm4b:s2+s3], $0x80, v4, vm0, $0xb8;
	[tilespmem:$0xA000] =	vst v63  }
0x1d: {  	_ = 	snop  }
0x1e: {  	[tilespmem:s9], [sflag:$0x1] =	stream.indirect_vreg.gather [hbm4b:s2+s3], $0x80, v3, vm0, $0xb8;
	[tilespmem:$0xA000] =	vst v63  }
0x1f: {  	v3 =	vld [tilespmem:$0x10];
	_ =	sdelay $0x4  }
0x20: {  	v61 =	vshll.u32 v3, $0x1  }
0x21: {  	v3 =	vand.u32 $0x7, v3;
	v4 =	vand.u32 $0xFFFFFFF0, v61  }
0x22: {  	v3 =	vor.u32 v3, v4  }
0x23: {  	v4 =	vperm.xlane v3, v0;
	_ =	sdelay $0x1  }
0x24: {  	v3 =	vperm.xlane v3, v2;
	v4 =	vadd.s32 v1, v4;
	_ =	sdelay $0x1  }
0x25: {  	v3 =	vadd.s32 v1, v3;
	_ =	sdelay $0x2  }
0x26: {  	[tilespmem:s10], [sflag:$0x1] =	stream.indirect_vreg.gather [hbm4b:s2+s3], $0x80, v4, vm0, $0xb8;
	[tilespmem:$0xA000] =	vst v63  }
0x27: {  	_ = 	snop  }
0x28: {  	[tilespmem:s11], [sflag:$0x1] =	stream.indirect_vreg.gather [hbm4b:s2+s3], $0x80, v3, vm0, $0xb8;
	[tilespmem:$0xA000] =	vst v63  }
0x29: {  	v3 =	vld [tilespmem:$0x20];
	_ =	sdelay $0x4  }
0x2a: {  	v62 =	vshll.u32 v3, $0x1  }
0x2b: {  	v3 =	vand.u32 $0x7, v3;
	v4 =	vand.u32 $0xFFFFFFF0, v62  }
0x2c: {  	v3 =	vor.u32 v3, v4  }
0x2d: {  	v4 =	vperm.xlane v3, v0;
	_ =	sdelay $0x1  }
0x2e: {  	v3 =	vperm.xlane v3, v2;
	v4 =	vadd.s32 v1, v4;
	_ =	sdelay $0x1  }
0x2f: {  	v3 =	vadd.s32 v1, v3;
	_ =	sdelay $0x2  }
0x30: {  	[tilespmem:s12], [sflag:$0x1] =	stream.indirect_vreg.gather [hbm4b:s2+s3], $0x80, v4, vm0, $0xb8;
	[tilespmem:$0xA000] =	vst v63  }
0x31: {  	_ = 	snop  }
0x32: {  	[tilespmem:s13], [sflag:$0x1] =	stream.indirect_vreg.gather [hbm4b:s2+s3], $0x80, v3, vm0, $0xb8;
	[tilespmem:$0xA000] =	vst v63  }
0x33: {  	v3 =	vld [tilespmem:$0x30];
	_ =	sdelay $0x4  }
0x34: {  	v63 =	vshll.u32 v3, $0x1  }
0x35: {  	v3 =	vand.u32 $0x7, v3;
	v4 =	vand.u32 $0xFFFFFFF0, v63  }
0x36: {  	v3 =	vor.u32 v3, v4  }
0x37: {  	v4 =	vperm.xlane v3, v0;
	_ =	sdelay $0x1  }
0x38: {  	v3 =	vperm.xlane v3, v2;
	v4 =	vadd.s32 v1, v4;
	_ =	sdelay $0x1  }
0x39: {  	v3 =	vadd.s32 v1, v3;
	_ =	sdelay $0x2  }
0x3a: {  	[tilespmem:s14], [sflag:$0x1] =	stream.indirect_vreg.gather [hbm4b:s2+s3], $0x80, v4, vm0, $0xb8;
	[tilespmem:$0xA000] =	vst v63  }
0x3b: {  	s28 =	simm.s32 $0xA0;
	s29 =	simm.s32 $0x0  }
0x3c: {  	[tilespmem:s15], [sflag:$0x1] =	stream.indirect_vreg.gather [hbm4b:s2+s3], $0x80, v3, vm0, $0xb8;
	[tilespmem:$0xA000] =	vst v63  }
.LBB2_2:
0x3d: {  	_ =	swait.ge [sflag:s16], $0x4000  }
0x3e: {  	[sflag:s16] =	ssyncset.done $0x0  }
0x3f: {  	[sflag:s16] =	ssyncadd.s32 $0xFFFFC000  }
0x40: {  	v3 =	vld [tilespmem:s28+$0xFFFFFFE0];
	_ =	sdelay $0x4  }
0x41: {  	v4 =	vshll.u32 v3, $0x1  }
0x42: {  	v3 =	vand.u32 $0x7, v3;
	v4 =	vand.u32 $0xFFFFFFF0, v4  }
0x43: {  	v3 =	vor.u32 v3, v4  }
0x44: {  	v4 =	vperm.xlane v3, v0;
	_ =	sdelay $0x1  }
0x45: {  	v3 =	vperm.xlane v3, v2;
	v4 =	vadd.s32 v1, v4;
	_ =	sdelay $0x1  }
0x46: {  	v3 =	vadd.s32 v1, v3;
	_ =	sdelay $0x2  }
0x47: {  	[tilespmem:s17], [sflag:$0x2] =	stream.indirect_vreg.gather [hbm4b:s2+s3], $0x80, v4, vm0, $0xb8;
	[tilespmem:$0xA000] =	vst v63  }
0x48: {  	_ = 	snop  }
0x49: {  	[tilespmem:s18], [sflag:$0x2] =	stream.indirect_vreg.gather [hbm4b:s2+s3], $0x80, v3, vm0, $0xb8;
	[tilespmem:$0xA000] =	vst v63  }
0x4a: {  	v3 =	vld [tilespmem:s28+$0xFFFFFFF0];
	_ =	sdelay $0x4  }
0x4b: {  	v61 =	vshll.u32 v3, $0x1  }
0x4c: {  	v3 =	vand.u32 $0x7, v3;
	v4 =	vand.u32 $0xFFFFFFF0, v61  }
0x4d: {  	v3 =	vor.u32 v3, v4  }
0x4e: {  	v4 =	vperm.xlane v3, v0;
	_ =	sdelay $0x1  }
0x4f: {  	v3 =	vperm.xlane v3, v2;
	v4 =	vadd.s32 v1, v4;
	_ =	sdelay $0x1  }
0x50: {  	v3 =	vadd.s32 v1, v3;
	_ =	sdelay $0x2  }
0x51: {  	[tilespmem:s19], [sflag:$0x2] =	stream.indirect_vreg.gather [hbm4b:s2+s3], $0x80, v4, vm0, $0xb8;
	[tilespmem:$0xA000] =	vst v63  }
0x52: {  	_ = 	snop  }
0x53: {  	[tilespmem:s20], [sflag:$0x2] =	stream.indirect_vreg.gather [hbm4b:s2+s3], $0x80, v3, vm0, $0xb8;
	[tilespmem:$0xA000] =	vst v63  }
0x54: {  	v3 =	vld [tilespmem:s28+$0x0];
	_ =	sdelay $0x4  }
0x55: {  	v62 =	vshll.u32 v3, $0x1  }
0x56: {  	v3 =	vand.u32 $0x7, v3;
	v4 =	vand.u32 $0xFFFFFFF0, v62  }
0x57: {  	v3 =	vor.u32 v3, v4  }
0x58: {  	v4 =	vperm.xlane v3, v0;
	_ =	sdelay $0x1  }
0x59: {  	v3 =	vperm.xlane v3, v2;
	v4 =	vadd.s32 v1, v4;
	_ =	sdelay $0x1  }
0x5a: {  	v3 =	vadd.s32 v1, v3;
	_ =	sdelay $0x2  }
0x5b: {  	[tilespmem:s21], [sflag:$0x2] =	stream.indirect_vreg.gather [hbm4b:s2+s3], $0x80, v4, vm0, $0xb8;
	[tilespmem:$0xA000] =	vst v63  }
0x5c: {  	_ = 	snop  }
0x5d: {  	[tilespmem:s22], [sflag:$0x2] =	stream.indirect_vreg.gather [hbm4b:s2+s3], $0x80, v3, vm0, $0xb8;
	[tilespmem:$0xA000] =	vst v63  }
0x5e: {  	v3 =	vld [tilespmem:s28+$0x10];
	_ =	sdelay $0x4  }
0x5f: {  	v63 =	vshll.u32 v3, $0x1  }
0x60: {  	v3 =	vand.u32 $0x7, v3;
	v4 =	vand.u32 $0xFFFFFFF0, v63  }
0x61: {  	v3 =	vor.u32 v3, v4  }
0x62: {  	v4 =	vperm.xlane v3, v0;
	_ =	sdelay $0x1  }
0x63: {  	v3 =	vperm.xlane v3, v2;
	v4 =	vadd.s32 v1, v4;
	_ =	sdelay $0x1  }
0x64: {  	v3 =	vadd.s32 v1, v3;
	_ =	sdelay $0x2  }
0x65: {  	[tilespmem:s23], [sflag:$0x2] =	stream.indirect_vreg.gather [hbm4b:s2+s3], $0x80, v4, vm0, $0xb8;
	[tilespmem:$0xA000] =	vst v63  }
0x66: {  	_ = 	snop  }
0x67: {  	[tilespmem:s24], [sflag:$0x2] =	stream.indirect_vreg.gather [hbm4b:s2+s3], $0x80, v3, vm0, $0xb8;
	[tilespmem:$0xA000] =	vst v63  }
0x68: {  	s30 =	sadd.s32 s29, s6  }
0x69: {  	[hbm4b:s30+s3] =	stream.linear.scatter [tilespmem:s8], [sflag:$0x3], $0x4000, $0x38;
	[tilespmem:$0xA000] =	vst v63  }
0x6a: {  	_ =	swait.ge [sflag:s7], $0x4000  }
0x6b: {  	[sflag:s7] =	ssyncset.done $0x0  }
0x6c: {  	[sflag:s7] =	ssyncadd.s32 $0xFFFFC000  }
0x6d: {  	_ =	swait.ge [sflag:s25], $0x4000  }
0x6e: {  	[sflag:s25] =	ssyncset.done $0x0  }
0x6f: {  	p0 =	seq.s32 s29, $0x1F000;
	[sflag:s25] =	ssyncadd.s32 $0xFFFFC000  }
0x70: {  	v3 =	vld @!p0 [tilespmem:s28+$0x60];
	_ =	sdelay $0x4  }
0x71: {  	v4 =	vshll.u32 @!p0 v3, $0x1  }
0x72: {  	v5 =	vlaneseq.u32 @!p0;
	v3 =	vand.u32 @!p0 $0x7, v3;
	v4 =	vand.u32 @!p0 $0xFFFFFFF0, v4  }
0x73: {  	v6 =	vshrl.u32 @!p0 v5, $0x3;
	v3 =	vor.u32 @!p0 v3, v4;
	v4 =	vand.u32 @!p0 $0x7, v5  }
0x74: {  	v6 =	vmul.u32 @!p0 $0x8, v6;
	v7 =	vperm.xlane @!p0 v3, v4  }
0x75: {  	v5 =	vor.u32 @!p0 $0x8, v5  }
0x76: {  	v3 =	vperm.xlane @!p0 v3, v5;
	v7 =	vadd.s32 @!p0 v6, v7;
	_ =	sdelay $0x1  }
0x77: {  	v3 =	vadd.s32 @!p0 v6, v3;
	_ =	sdelay $0x1  }
0x78: {  	vm1 =	vmmov @!p0 $0xffff;
	s31 =	simm.s32 @!p0 $0x0;
	s0 =	simm.s32 @!p0 $0x2000  }
0x79: {  	[tilespmem:s0], [sflag:$0x1] =	stream.indirect_vreg.gather @!p0 [hbm4b:s2+s31], $0x80, v7, vm1, $0xb8;
	[tilespmem:$0xA000] =	vst v63  }
0x7a: {  	s0 =	simm.s32 @!p0 $0x2800  }
0x7b: {  	[tilespmem:s0], [sflag:$0x1] =	stream.indirect_vreg.gather @!p0 [hbm4b:s2+s31], $0x80, v3, vm1, $0xb8;
	[tilespmem:$0xA000] =	vst v63  }
0x7c: {  	v3 =	vld @!p0 [tilespmem:s28+$0x70];
	_ =	sdelay $0x4  }
0x7d: {  	v7 =	vshll.u32 @!p0 v3, $0x1  }
0x7e: {  	v3 =	vand.u32 @!p0 $0x7, v3;
	v7 =	vand.u32 @!p0 $0xFFFFFFF0, v7  }
0x7f: {  	v3 =	vor.u32 @!p0 v3, v7  }
0x80: {  	v7 =	vperm.xlane @!p0 v3, v4;
	_ =	sdelay $0x1  }
0x81: {  	v3 =	vperm.xlane @!p0 v3, v5;
	v7 =	vadd.s32 @!p0 v6, v7;
	_ =	sdelay $0x1  }
0x82: {  	v3 =	vadd.s32 @!p0 v6, v3;
	_ =	sdelay $0x1  }
0x83: {  	s0 =	simm.s32 @!p0 $0x3000  }
0x84: {  	[tilespmem:s0], [sflag:$0x1] =	stream.indirect_vreg.gather @!p0 [hbm4b:s2+s31], $0x80, v7, vm1, $0xb8;
	[tilespmem:$0xA000] =	vst v63  }
0x85: {  	s0 =	simm.s32 @!p0 $0x3800  }
0x86: {  	[tilespmem:s0], [sflag:$0x1] =	stream.indirect_vreg.gather @!p0 [hbm4b:s2+s31], $0x80, v3, vm1, $0xb8;
	[tilespmem:$0xA000] =	vst v63  }
0x87: {  	v3 =	vld @!p0 [tilespmem:s28+$0x80];
	_ =	sdelay $0x4  }
0x88: {  	v7 =	vshll.u32 @!p0 v3, $0x1  }
0x89: {  	v3 =	vand.u32 @!p0 $0x7, v3;
	v7 =	vand.u32 @!p0 $0xFFFFFFF0, v7  }
0x8a: {  	v3 =	vor.u32 @!p0 v3, v7  }
0x8b: {  	v7 =	vperm.xlane @!p0 v3, v4;
	_ =	sdelay $0x1  }
0x8c: {  	v3 =	vperm.xlane @!p0 v3, v5;
	v7 =	vadd.s32 @!p0 v6, v7;
	_ =	sdelay $0x1  }
0x8d: {  	v3 =	vadd.s32 @!p0 v6, v3;
	_ =	sdelay $0x1  }
0x8e: {  	s0 =	simm.s32 @!p0 $0x4000  }
0x8f: {  	[tilespmem:s0], [sflag:$0x1] =	stream.indirect_vreg.gather @!p0 [hbm4b:s2+s31], $0x80, v7, vm1, $0xb8;
	[tilespmem:$0xA000] =	vst v63  }
0x90: {  	s0 =	simm.s32 @!p0 $0x4800  }
0x91: {  	[tilespmem:s0], [sflag:$0x1] =	stream.indirect_vreg.gather @!p0 [hbm4b:s2+s31], $0x80, v3, vm1, $0xb8;
	[tilespmem:$0xA000] =	vst v63  }
0x92: {  	v3 =	vld @!p0 [tilespmem:s28+$0x90];
	_ =	sdelay $0x4  }
0x93: {  	v7 =	vshll.u32 @!p0 v3, $0x1  }
0x94: {  	v3 =	vand.u32 @!p0 $0x7, v3;
	v7 =	vand.u32 @!p0 $0xFFFFFFF0, v7  }
0x95: {  	v3 =	vor.u32 @!p0 v3, v7  }
0x96: {  	v4 =	vperm.xlane @!p0 v3, v4;
	_ =	sdelay $0x1  }
0x97: {  	v3 =	vperm.xlane @!p0 v3, v5;
	v4 =	vadd.s32 @!p0 v6, v4;
	_ =	sdelay $0x1  }
0x98: {  	v3 =	vadd.s32 @!p0 v6, v3;
	_ =	sdelay $0x1  }
0x99: {  	s0 =	simm.s32 @!p0 $0x5000  }
0x9a: {  	[tilespmem:s0], [sflag:$0x1] =	stream.indirect_vreg.gather @!p0 [hbm4b:s2+s31], $0x80, v4, vm1, $0xb8;
	[tilespmem:$0xA000] =	vst v63  }
0x9b: {  	s29 =	sadd.s32 $0x1000, s29;
	s0 =	simm.s32 @!p0 $0x5800  }
0x9c: {  	[tilespmem:s0], [sflag:$0x1] =	stream.indirect_vreg.gather @!p0 [hbm4b:s2+s31], $0x80, v3, vm1, $0xb8;
	[tilespmem:$0xA000] =	vst v63  }
0x9d: {  	p0 =	sne.s32 s29, $0x20000  }
.Ltmp0:
0x9e: {  	s31 =	sadd.s32 $0x800, s30;
	(pc) =	sbr.rel @p0 .LBB2_2-.Ltmp0, $4  }
0x9f: {  	[hbm4b:s31+s3] =	stream.linear.scatter [tilespmem:s17], [sflag:$0x3], $0x4000, $0x38;
	[tilespmem:$0xA000] =	vst v63  }
0xa0: {  	_ =	swait.ge [sflag:s7], $0x4000  }
0xa1: {  	[sflag:s7] =	ssyncset.done $0x0  }
0xa2: {  	s28 =	sadd.s32 $0x100, s28;
	[sflag:s7] =	ssyncadd.s32 $0xFFFFC000  }
0xa3: {  	s26 =	sadd.s32 $0x1, s26  }
0xa4: {  	p0 =	sne.s32 s26, s5  }
.Ltmp1:
0xa5: {  	_ = 	snop;
	(pc) =	sbr.rel @p0 .LBB2_1-.Ltmp1, $1  }
0xa6: {  	_ =	sdelay $0x3  }
0xa7: {  	_ =	sfence.sel $0x180000  }
0xa8: {  	[bflag:$0x0] =	sbarrier.arrive $0xFFFF  }
0xa9: {  	_ =	strace $0x9000004A  }
0xaa: {  	[bflag:$0x2] =	sbarrier.arrive $0xFFFF  }
0xab: {  	p0 =	sne.s32 s1, $0x0;
	s0 =	rddreg [dreg:$0x3]  }
0xac: {  	s0 =	sadd.s32 @!p0 $0x100000, s0  }
0xad: {  	[sflag:s0] =	ssyncadd.tile.s32 @!p0 $0x1;
	_ =	shalt  }
.Lfunc_end2:
_tile_overlayer_lowered:
.L_overlay_start_2:
0xae: {  	(tag) =	ssettag $0x2  }
0xaf: {  	s0 =	rddreg [dreg:$0x0];
	s2 =	stileid.u32  }
0xb0: {  	s1 =	rddreg [dreg:$0x1];
	p0 =	sne.s32 s2, $0x0  }
0xb1: {  	s3 =	rddreg [dreg:$0x2];
	[bflag:$0x3] =	sbarrier.arrive $0xFFFF;
	s2 =	simm.s32 @!p0 $0x1C03  }
0xb2: {  	[timem:s3], [sflag:s2] =	dma.local @!p0 [hbm:s0], s1  }
0xb3: {  	s0 =	simm.s32 @!p0 $0x3  }
0xb4: {  	_ =	swait.ge @!p0 [sflag:s0], s1  }
0xb5: {  	s1 =	ssub.s32 @!p0 $0x0, s1;
	[sflag:s0] =	ssyncset.done @!p0 $0x0  }
0xb6: {  	[sflag:s0] =	ssyncadd.s32 @!p0 s1  }
0xb7: {  	[bflag:$0x3] =	sbarrier.arrive $0xFFFF  }
0xb8: {  	_ =	shalt  }

</sc_bundles>
